<compile_context>
chip_gen: v7x
topology: tpu7x:2x2x1
jax: 0.10.2.dev20260603
libtpu: 0.0.44.dev20260713+nightly
codegen_flags: <defaults>
</compile_context>

<pallas_src>
import functools

import jax
import jax.numpy as jnp
from jax import lax
from jax.experimental import pallas as pl
from jax.experimental.pallas import tpu as pltpu
from jax.experimental.pallas import tpu_sc as plsc

_B = 16384
_NSH = 100
_IN = 64
_EMB = 128

_NC = 2
_NS = 16
_NW = _NC * _NS
_BPW = _B // _NW
_NGRP = _BPW // 16


def _sc_gather(shelf_hbm, inv_hbm, feat_hbm, shelf_v, rows_v, sem):
    wid = lax.axis_index("s") * _NC + lax.axis_index("c")
    base = wid * _BPW
    pltpu.sync_copy(shelf_hbm.at[pl.ds(base, _BPW)], shelf_v)
    lane = lax.iota(jnp.int32, 16)

    def issue(g):
        grp = shelf_v[pl.ds(g * 16, 16)]
        grp = jnp.where(grp == _NSH, 0, grp)
        for l in range(16):
            r = jnp.sum(jnp.where(lane == l, grp, 0))
            row = g * 16 + l
            pltpu.async_copy(inv_hbm.at[base + row, r], rows_v.at[row], sem)

    def wait16():
        for _ in range(16):
            pltpu.make_async_copy(
                inv_hbm.at[base, 0], rows_v.at[0], sem
            ).wait()

    issue(0)
    issue(1)

    def body(g, carry):
        issue(g)
        wait16()
        return carry

    lax.fori_loop(2, _NGRP, body, 0, unroll=False)
    wait16()
    wait16()
    pltpu.sync_copy(rows_v, feat_hbm.at[pl.ds(base, _BPW)])


@jax.jit
def _gather_feats(shelf, inv):
    mesh = plsc.VectorSubcoreMesh(core_axis_name="c", subcore_axis_name="s")
    f = pl.kernel(
        _sc_gather,
        mesh=mesh,
        out_type=jax.ShapeDtypeStruct((_B, _IN), jnp.float32),
        scratch_types=[
            pltpu.VMEM((_BPW,), jnp.int32),
            pltpu.VMEM((_BPW, _IN), jnp.float32),
            pltpu.SemaphoreType.DMA,
        ],
        compiler_params=pltpu.CompilerParams(needs_layout_passes=False),
    )
    return f(shelf, inv)


def _lrelu(x):
    return jnp.where(x > 0, x, 0.01 * x)


def _tc_mlp(coord_b, feat_b, shelf_b, rW1, rb1, rW2, rb2,
            sW1, sb1, sW2, sb2, ph, out_b):
    c = coord_b[...]
    w1 = rW1[...]
    r1 = (c[:, 0:1] * w1[0:1, :] + c[:, 1:2] * w1[1:2, :]
          + c[:, 2:3] * w1[2:3, :]) + rb1[...]
    r1 = _lrelu(r1)
    r2 = _lrelu(jnp.dot(r1, rW2[...], preferred_element_type=jnp.float32)
                + rb2[...])
    s1 = _lrelu(jnp.dot(feat_b[...], sW1[...],
                        preferred_element_type=jnp.float32) + sb1[...])
    s2 = _lrelu(jnp.dot(s1, sW2[...], preferred_element_type=jnp.float32)
                + sb2[...])
    no_shelf = shelf_b[...] == _NSH
    out_b[...] = r2 + jnp.where(no_shelf, ph[...], s2)


def _full(shape):
    return pl.BlockSpec(shape, lambda i: tuple(0 for _ in shape))


@functools.partial(jax.jit, static_argnames=("blk",))
def _mlp(coord, feat, shelf2d, rW1, rb1, rW2, rb2, sW1, sb1, sW2, sb2,
         ph2d, blk=2048):
    grid = (_B // blk,)
    return pl.pallas_call(
        _tc_mlp,
        grid=grid,
        in_specs=[
            pl.BlockSpec((blk, 3), lambda i: (i, 0)),
            pl.BlockSpec((blk, _IN), lambda i: (i, 0)),
            pl.BlockSpec((blk, 1), lambda i: (i, 0)),
            _full((3, _EMB)), _full((1, _EMB)),
            _full((_EMB, _EMB)), _full((1, _EMB)),
            _full((_IN, _EMB)), _full((1, _EMB)),
            _full((_EMB, _EMB)), _full((1, _EMB)),
            _full((1, _EMB)),
        ],
        out_specs=pl.BlockSpec((blk, _EMB), lambda i: (i, 0)),
        out_shape=jax.ShapeDtypeStruct((_B, _EMB), jnp.float32),
    )(coord, feat, shelf2d, rW1, rb1, rW2, rb2, sW1, sb1, sW2, sb2, ph2d)


def kernel(shelf, coord, inventory, rW1, rb1, rW2, rb2,
           sW1, sb1, sW2, sb2, placeholder):
    feat = _gather_feats(shelf, inventory)
    out = jnp.pad(feat, ((0, 0), (0, _EMB - _IN)))
    return out.reshape(_B, 1, _EMB)

# --- scband reference (transcript-rebuilt; emitter-appended) ---
"""Pipeline reference for scband-robot-mlp-2233382994343 (READ-ONLY COPY).

The authoritative reference and input builder live on the scoring server;
editing this copy changes nothing except your own understanding.
"""

import jax, jax.numpy as jnp
import numpy as np

B = 16384
SPATIAL_DIM = 3
INPUT_DIM = 64
EMBED_DIM = 128
N_SHELVES = 100


def setup_inputs(seed: int = 0) -> dict:
    key = jax.random.key(seed)
    ks = jax.random.split(key, 12)
    shelf = jax.random.randint(ks[0], (B,), 0, N_SHELVES + 1, dtype=jnp.int64 if jax.config.jax_enable_x64 else jnp.int32).astype(jnp.int32)
    coord = jax.random.normal(ks[1], (B, SPATIAL_DIM), dtype=jnp.float32)
    inventory = jax.random.normal(ks[2], (B, N_SHELVES, INPUT_DIM), dtype=jnp.float32)
    # robot_mlp params: Linear(spatial_dim, embed) -> LeakyReLU -> Linear(embed, embed) -> LeakyReLU
    rW1 = jax.random.normal(ks[3], (SPATIAL_DIM, EMBED_DIM), dtype=jnp.float32) * (1.0 / np.sqrt(SPATIAL_DIM))
    rb1 = jax.random.normal(ks[4], (EMBED_DIM,), dtype=jnp.float32) * 0.01
    rW2 = jax.random.normal(ks[5], (EMBED_DIM, EMBED_DIM), dtype=jnp.float32) * (1.0 / np.sqrt(EMBED_DIM))
    rb2 = jax.random.normal(ks[6], (EMBED_DIM,), dtype=jnp.float32) * 0.01
    # shelf_mlp params: Linear(input_dim, embed) -> LeakyReLU -> Linear(embed, embed) -> LeakyReLU
    sW1 = jax.random.normal(ks[7], (INPUT_DIM, EMBED_DIM), dtype=jnp.float32) * (1.0 / np.sqrt(INPUT_DIM))
    sb1 = jax.random.normal(ks[8], (EMBED_DIM,), dtype=jnp.float32) * 0.01
    sW2 = jax.random.normal(ks[9], (EMBED_DIM, EMBED_DIM), dtype=jnp.float32) * (1.0 / np.sqrt(EMBED_DIM))
    sb2 = jax.random.normal(ks[10], (EMBED_DIM,), dtype=jnp.float32) * 0.01
    placeholder = jax.random.normal(ks[11], (EMBED_DIM,), dtype=jnp.float32)
    return {
        "shelf": shelf,
        "coord": coord,
        "inventory": inventory,
        "rW1": rW1, "rb1": rb1, "rW2": rW2, "rb2": rb2,
        "sW1": sW1, "sb1": sb1, "sW2": sW2, "sb2": sb2,
        "placeholder": placeholder,
    }


def _leaky_relu(x):
    return jnp.where(x > 0, x, 0.01 * x)


def reference(shelf, coord, inventory, rW1, rb1, rW2, rb2, sW1, sb1, sW2, sb2, placeholder):
    # robot_out = robot_mlp(coord).unsqueeze(1)
    r = _leaky_relu(coord @ rW1 + rb1)
    r = _leaky_relu(r @ rW2 + rb2)
    robot_out = r[:, None, :]

    Bn = shelf.shape[0]
    # carry mask: shelf == n_shelves means 'no shelf' -> placeholder
    no_shelf = (shelf == N_SHELVES)
    safe_idx = jnp.where(no_shelf, 0, shelf)
    # gather: s_feat = inventory[carry_idx, shelf[carry_idx]] (memory-bound gather)
    s_feat = inventory[jnp.arange(Bn), safe_idx]
    s = _leaky_relu(s_feat @ sW1 + sb1)
    s_out = _leaky_relu(s @ sW2 + sb2)
    # scatter-overwrite semantics: placeholder rows where no shelf, computed rows otherwise
    shelf_out = jnp.where(no_shelf[:, None], placeholder[None, :], s_out)
    shelf_out = shelf_out[:, None, :]
    return robot_out + shelf_out

if __name__ == "__main__":
    import jax
    _d = setup_inputs()
    print(jax.jit(kernel)(*tuple(_d.values())))

</pallas_src>

<mosaic_0001>
#map = affine_map<(d0, d1) -> (0)>
#map1 = affine_map<(d0, d1) -> (0, 0, 0)>
#map2 = affine_map<(d0, d1) -> (0, 0)>
module attributes {stable_mosaic.version = 14 : i64} {
  func.func @_sc_gather(%arg0: i32, %arg1: i32, %arg2: memref<16384xi32, #tpu.memory_space<hbm>>, %arg3: memref<16384x100x64xf32, #tpu.memory_space<hbm>>, %arg4: memref<16384x64xf32, #tpu.memory_space<hbm>>, %arg5: memref<512xi32, #tpu.memory_space<vmem>>, %arg6: memref<512x64xf32, #tpu.memory_space<vmem>>, %arg7: memref<!tpu.dma_semaphore, #tpu.memory_space<semaphore_mem>>) attributes {dimension_semantics = [#tpu.dimension_semantics<core_parallel>, #tpu.dimension_semantics<subcore_parallel>], iteration_bounds = array<i64: 2, 16>, scalar_prefetch = 0 : i64, scratch_operands = 3 : i64, tpu.core_type = #tpu.core_type<sc_vector_subcore>, window_params = [{transform_indices = #map}, {transform_indices = #map1}, {transform_indices = #map2}]} {
    %mul3A = arith.constant 2 : i32
    %mul3A_0 = arith.muli %arg1, %mul3A : i32
    %add3A = arith.addi %mul3A_0, %arg0 : i32
    %mul3A_1 = arith.constant 512 : i32
    %mul3A_2 = arith.muli %add3A, %mul3A_1 : i32
    "tpu.region"() ({
      %run_scoped3A = tpu.sem_alloc : memref<!tpu.dma_semaphore, #tpu.memory_space<semaphore_mem>>
      %dma_start3A_1264 = tpu.memref_slice %arg2[%mul3A_2] : memref<16384xi32, #tpu.memory_space<hbm>> -> memref<512xi32, #tpu.memory_space<hbm>>
      %dma_start3A_1265 = tpu.memref_slice %arg2[%mul3A_2] : memref<16384xi32, #tpu.memory_space<hbm>> -> memref<512xi32, #tpu.memory_space<hbm>>
      tpu.enqueue_dma source(%dma_start3A_1265 : memref<512xi32, #tpu.memory_space<hbm>>) target(%arg5 : memref<512xi32, #tpu.memory_space<vmem>>) target_semaphore(%run_scoped3A : memref<!tpu.dma_semaphore, #tpu.memory_space<semaphore_mem>>)
      %dma_wait3A_1266 = tpu.memref_slice %arg2[%mul3A_2] : memref<16384xi32, #tpu.memory_space<hbm>> -> memref<512xi32, #tpu.memory_space<hbm>>
      %dma_wait3A_1267 = tpu.memref_slice %arg2[%mul3A_2] : memref<16384xi32, #tpu.memory_space<hbm>> -> memref<512xi32, #tpu.memory_space<hbm>>
      tpu.wait_dma2 semaphore(%run_scoped3A : memref<!tpu.dma_semaphore, #tpu.memory_space<semaphore_mem>>) src(%dma_wait3A_1267 : memref<512xi32, #tpu.memory_space<hbm>>) dst(%arg5 : memref<512xi32, #tpu.memory_space<vmem>>)
      tpu.yield
    }) : () -> ()
    %iota3A = tpu.iota {dimensions = array<i32: 0>} : vector<16xi32>
    %get3A = arith.constant 0 : index
    %get3A_3 = tpu.vector_load %arg5[%get3A] {strides = array<i32>} : memref<512xi32, #tpu.memory_space<vmem>>, vector<16xi32>,
    %eq3A = arith.constant 100 : i32
    %eq3A_4 = vector.broadcast %eq3A : i32 to vector<16xi32>
    %eq3A_5 = arith.cmpi eq, %get3A_3, %eq3A_4 : vector<16xi32>
    %jit3A = arith.constant 0 : i32
    %broadcast_in_dim3A = vector.broadcast %jit3A : i32 to vector<16xi32>
    %select_n3A = arith.select %eq3A_5, %broadcast_in_dim3A, %get3A_3 : vector<16xi1>, vector<16xi32>
    %eq3A_6 = arith.constant 0 : i32
    %eq3A_7 = vector.broadcast %eq3A_6 : i32 to vector<16xi32>
    %eq3A_8 = arith.cmpi eq, %iota3A, %eq3A_7 : vector<16xi32>
    %jit3A_9 = arith.constant 0 : i32
    %broadcast_in_dim3A_10 = vector.broadcast %jit3A_9 : i32 to vector<16xi32>
    %select_n3A_11 = arith.select %eq3A_8, %select_n3A, %broadcast_in_dim3A_10 : vector<16xi1>, vector<16xi32>
    %reduce_sum3A = arith.constant true
    %reduce_sum3A_12 = vector.broadcast %reduce_sum3A : i1 to vector<16xi1>
    %reduce_sum3A_13 = tpu.scan <sum>, %select_n3A_11 masked %reduce_sum3A_12 : vector<16xi32>, vector<16xi1> -> vector<16xi32>
    %reduce_sum3A_14 = vector.extract %reduce_sum3A_13[15] : i32 from vector<16xi32>
    %add3A_15 = arith.constant 0 : i32
    %add3A_16 = arith.addi %mul3A_2, %add3A_15 : i32
    %dma_start3A = arith.constant 0 : i32
    %dma_start3A_17 = arith.constant 0 : i32
    %dma_start3A_18 = tpu.memref_slice %arg6[%dma_start3A, %dma_start3A_17] : memref<512x64xf32, #tpu.memory_space<vmem>> -> memref<1x64xf32, #tpu.memory_space<vmem>>
    %dma_start3A_19 = tpu.memref_squeeze %dma_start3A_18 : memref<1x64xf32, #tpu.memory_space<vmem>> -> memref<64xf32, #tpu.memory_space<vmem>>
    %dma_start3A_20 = arith.constant 0 : i32
    %dma_start3A_21 = tpu.memref_slice %arg3[%add3A_16, %reduce_sum3A_14, %dma_start3A_20] : memref<16384x100x64xf32, #tpu.memory_space<hbm>> -> memref<1x1x64xf32, #tpu.memory_space<hbm>>
    %dma_start3A_22 = tpu.memref_squeeze %dma_start3A_21 : memref<1x1x64xf32, #tpu.memory_space<hbm>> -> memref<64xf32, #tpu.memory_space<hbm>>
    %dma_start3A_23 = arith.constant 0 : i32
    %dma_start3A_24 = tpu.memref_slice %arg6[%dma_start3A, %dma_start3A_23] : memref<512x64xf32, #tpu.memory_space<vmem>> -> memref<1x64xf32, #tpu.memory_space<vmem>>
    %dma_start3A_25 = tpu.memref_squeeze %dma_start3A_24 : memref<1x64xf32, #tpu.memory_space<vmem>> -> memref<64xf32, #tpu.memory_space<vmem>>
    %dma_start3A_26 = arith.constant 0 : i32
    %dma_start3A_27 = tpu.memref_slice %arg3[%add3A_16, %reduce_sum3A_14, %dma_start3A_26] : memref<16384x100x64xf32, #tpu.memory_space<hbm>> -> memref<1x1x64xf32, #tpu.memory_space<hbm>>
    %dma_start3A_28 = tpu.memref_squeeze %dma_start3A_27 : memref<1x1x64xf32, #tpu.memory_space<hbm>> -> memref<64xf32, #tpu.memory_space<hbm>>
    tpu.enqueue_dma source(%dma_start3A_28 : memref<64xf32, #tpu.memory_space<hbm>>) target(%dma_start3A_25 : memref<64xf32, #tpu.memory_space<vmem>>) target_semaphore(%arg7 : memref<!tpu.dma_semaphore, #tpu.memory_space<semaphore_mem>>)
    %eq3A_29 = arith.constant 1 : i32
    %eq3A_30 = vector.broadcast %eq3A_29 : i32 to vector<16xi32>
    %eq3A_31 = arith.cmpi eq, %iota3A, %eq3A_30 : vector<16xi32>
    %jit3A_32 = arith.constant 0 : i32
    %broadcast_in_dim3A_33 = vector.broadcast %jit3A_32 : i32 to vector<16xi32>
    %select_n3A_34 = arith.select %eq3A_31, %select_n3A, %broadcast_in_dim3A_33 : vector<16xi1>, vector<16xi32>
    %reduce_sum3A_35 = arith.constant true
    %reduce_sum3A_36 = vector.broadcast %reduce_sum3A_35 : i1 to vector<16xi1>
    %reduce_sum3A_37 = tpu.scan <sum>, %select_n3A_34 masked %reduce_sum3A_36 : vector<16xi32>, vector<16xi1> -> vector<16xi32>
    %reduce_sum3A_38 = vector.extract %reduce_sum3A_37[15] : i32 from vector<16xi32>
    %add3A_39 = arith.constant 1 : i32
    %add3A_40 = arith.addi %mul3A_2, %add3A_39 : i32
    %dma_start3A_41 = arith.constant 1 : i32
    %dma_start3A_42 = arith.constant 0 : i32
    %dma_start3A_43 = tpu.memref_slice %arg6[%dma_start3A_41, %dma_start3A_42] : memref<512x64xf32, #tpu.memory_space<vmem>> -> memref<1x64xf32, #tpu.memory_space<vmem>>
    %dma_start3A_44 = tpu.memref_squeeze %dma_start3A_43 : memref<1x64xf32, #tpu.memory_space<vmem>> -> memref<64xf32, #tpu.memory_space<vmem>>
    %dma_start3A_45 = arith.constant 0 : i32
    %dma_start3A_46 = tpu.memref_slice %arg3[%add3A_40, %reduce_sum3A_38, %dma_start3A_45] : memref<16384x100x64xf32, #tpu.memory_space<hbm>> -> memref<1x1x64xf32, #tpu.memory_space<hbm>>
    %dma_start3A_47 = tpu.memref_squeeze %dma_start3A_46 : memref<1x1x64xf32, #tpu.memory_space<hbm>> -> memref<64xf32, #tpu.memory_space<hbm>>
    %dma_start3A_48 = arith.constant 0 : i32
    %dma_start3A_49 = tpu.memref_slice %arg6[%dma_start3A_41, %dma_start3A_48] : memref<512x64xf32, #tpu.memory_space<vmem>> -> memref<1x64xf32, #tpu.memory_space<vmem>>
    %dma_start3A_50 = tpu.memref_squeeze %dma_start3A_49 : memref<1x64xf32, #tpu.memory_space<vmem>> -> memref<64xf32, #tpu.memory_space<vmem>>
    %dma_start3A_51 = arith.constant 0 : i32
    %dma_start3A_52 = tpu.memref_slice %arg3[%add3A_40, %reduce_sum3A_38, %dma_start3A_51] : memref<16384x100x64xf32, #tpu.memory_space<hbm>> -> memref<1x1x64xf32, #tpu.memory_space<hbm>>
    %dma_start3A_53 = tpu.memref_squeeze %dma_start3A_52 : memref<1x1x64xf32, #tpu.memory_space<hbm>> -> memref<64xf32, #tpu.memory_space<hbm>>
    tpu.enqueue_dma source(%dma_start3A_53 : memref<64xf32, #tpu.memory_space<hbm>>) target(%dma_start3A_50 : memref<64xf32, #tpu.memory_space<vmem>>) target_semaphore(%arg7 : memref<!tpu.dma_semaphore, #tpu.memory_space<semaphore_mem>>)
    %eq3A_54 = arith.constant 2 : i32
    %eq3A_55 = vector.broadcast %eq3A_54 : i32 to vector<16xi32>
    %eq3A_56 = arith.cmpi eq, %iota3A, %eq3A_55 : vector<16xi32>
    %jit3A_57 = arith.constant 0 : i32
    %broadcast_in_dim3A_58 = vector.broadcast %jit3A_57 : i32 to vector<16xi32>
    %select_n3A_59 = arith.select %eq3A_56, %select_n3A, %broadcast_in_dim3A_58 : vector<16xi1>, vector<16xi32>
    %reduce_sum3A_60 = arith.constant true
    %reduce_sum3A_61 = vector.broadcast %reduce_sum3A_60 : i1 to vector<16xi1>
    %reduce_sum3A_62 = tpu.scan <sum>, %select_n3A_59 masked %reduce_sum3A_61 : vector<16xi32>, vector<16xi1> -> vector<16xi32>
    %reduce_sum3A_63 = vector.extract %reduce_sum3A_62[15] : i32 from vector<16xi32>
    %add3A_64 = arith.constant 2 : i32
    %add3A_65 = arith.addi %mul3A_2, %add3A_64 : i32
    %dma_start3A_66 = arith.constant 2 : i32
    %dma_start3A_67 = arith.constant 0 : i32
    %dma_start3A_68 = tpu.memref_slice %arg6[%dma_start3A_66, %dma_start3A_67] : memref<512x64xf32, #tpu.memory_space<vmem>> -> memref<1x64xf32, #tpu.memory_space<vmem>>
    %dma_start3A_69 = tpu.memref_squeeze %dma_start3A_68 : memref<1x64xf32, #tpu.memory_space<vmem>> -> memref<64xf32, #tpu.memory_space<vmem>>
    %dma_start3A_70 = arith.constant 0 : i32
    %dma_start3A_71 = tpu.memref_slice %arg3[%add3A_65, %reduce_sum3A_63, %dma_start3A_70] : memref<16384x100x64xf32, #tpu.memory_space<hbm>> -> memref<1x1x64xf32, #tpu.memory_space<hbm>>
    %dma_start3A_72 = tpu.memref_squeeze %dma_start3A_71 : memref<1x1x64xf32, #tpu.memory_space<hbm>> -> memref<64xf32, #tpu.memory_space<hbm>>
    %dma_start3A_73 = arith.constant 0 : i32
    %dma_start3A_74 = tpu.memref_slice %arg6[%dma_start3A_66, %dma_start3A_73] : memref<512x64xf32, #tpu.memory_space<vmem>> -> memref<1x64xf32, #tpu.memory_space<vmem>>
    %dma_start3A_75 = tpu.memref_squeeze %dma_start3A_74 : memref<1x64xf32, #tpu.memory_space<vmem>> -> memref<64xf32, #tpu.memory_space<vmem>>
    %dma_start3A_76 = arith.constant 0 : i32
    %dma_start3A_77 = tpu.memref_slice %arg3[%add3A_65, %reduce_sum3A_63, %dma_start3A_76] : memref<16384x100x64xf32, #tpu.memory_space<hbm>> -> memref<1x1x64xf32, #tpu.memory_space<hbm>>
    %dma_start3A_78 = tpu.memref_squeeze %dma_start3A_77 : memref<1x1x64xf32, #tpu.memory_space<hbm>> -> memref<64xf32, #tpu.memory_space<hbm>>
    tpu.enqueue_dma source(%dma_start3A_78 : memref<64xf32, #tpu.memory_space<hbm>>) target(%dma_start3A_75 : memref<64xf32, #tpu.memory_space<vmem>>) target_semaphore(%arg7 : memref<!tpu.dma_semaphore, #tpu.memory_space<semaphore_mem>>)
    %eq3A_79 = arith.constant 3 : i32
    %eq3A_80 = vector.broadcast %eq3A_79 : i32 to vector<16xi32>
    %eq3A_81 = arith.cmpi eq, %iota3A, %eq3A_80 : vector<16xi32>
    %jit3A_82 = arith.constant 0 : i32
    %broadcast_in_dim3A_83 = vector.broadcast %jit3A_82 : i32 to vector<16xi32>
    %select_n3A_84 = arith.select %eq3A_81, %select_n3A, %broadcast_in_dim3A_83 : vector<16xi1>, vector<16xi32>
    %reduce_sum3A_85 = arith.constant true
    %reduce_sum3A_86 = vector.broadcast %reduce_sum3A_85 : i1 to vector<16xi1>
    %reduce_sum3A_87 = tpu.scan <sum>, %select_n3A_84 masked %reduce_sum3A_86 : vector<16xi32>, vector<16xi1> -> vector<16xi32>
    %reduce_sum3A_88 = vector.extract %reduce_sum3A_87[15] : i32 from vector<16xi32>
    %add3A_89 = arith.constant 3 : i32
    %add3A_90 = arith.addi %mul3A_2, %add3A_89 : i32
    %dma_start3A_91 = arith.constant 3 : i32
    %dma_start3A_92 = arith.constant 0 : i32
    %dma_start3A_93 = tpu.memref_slice %arg6[%dma_start3A_91, %dma_start3A_92] : memref<512x64xf32, #tpu.memory_space<vmem>> -> memref<1x64xf32, #tpu.memory_space<vmem>>
    %dma_start3A_94 = tpu.memref_squeeze %dma_start3A_93 : memref<1x64xf32, #tpu.memory_space<vmem>> -> memref<64xf32, #tpu.memory_space<vmem>>
    %dma_start3A_95 = arith.constant 0 : i32
    %dma_start3A_96 = tpu.memref_slice %arg3[%add3A_90, %reduce_sum3A_88, %dma_start3A_95] : memref<16384x100x64xf32, #tpu.memory_space<hbm>> -> memref<1x1x64xf32, #tpu.memory_space<hbm>>
    %dma_start3A_97 = tpu.memref_squeeze %dma_start3A_96 : memref<1x1x64xf32, #tpu.memory_space<hbm>> -> memref<64xf32, #tpu.memory_space<hbm>>
    %dma_start3A_98 = arith.constant 0 : i32
    %dma_start3A_99 = tpu.memref_slice %arg6[%dma_start3A_91, %dma_start3A_98] : memref<512x64xf32, #tpu.memory_space<vmem>> -> memref<1x64xf32, #tpu.memory_space<vmem>>
    %dma_start3A_100 = tpu.memref_squeeze %dma_start3A_99 : memref<1x64xf32, #tpu.memory_space<vmem>> -> memref<64xf32, #tpu.memory_space<vmem>>
    %dma_start3A_101 = arith.constant 0 : i32
    %dma_start3A_102 = tpu.memref_slice %arg3[%add3A_90, %reduce_sum3A_88, %dma_start3A_101] : memref<16384x100x64xf32, #tpu.memory_space<hbm>> -> memref<1x1x64xf32, #tpu.memory_space<hbm>>
    %dma_start3A_103 = tpu.memref_squeeze %dma_start3A_102 : memref<1x1x64xf32, #tpu.memory_space<hbm>> -> memref<64xf32, #tpu.memory_space<hbm>>
    tpu.enqueue_dma source(%dma_start3A_103 : memref<64xf32, #tpu.memory_space<hbm>>) target(%dma_start3A_100 : memref<64xf32, #tpu.memory_space<vmem>>) target_semaphore(%arg7 : memref<!tpu.dma_semaphore, #tpu.memory_space<semaphore_mem>>)
    %eq3A_104 = arith.constant 4 : i32
    %eq3A_105 = vector.broadcast %eq3A_104 : i32 to vector<16xi32>
    %eq3A_106 = arith.cmpi eq, %iota3A, %eq3A_105 : vector<16xi32>
    %jit3A_107 = arith.constant 0 : i32
    %broadcast_in_dim3A_108 = vector.broadcast %jit3A_107 : i32 to vector<16xi32>
    %select_n3A_109 = arith.select %eq3A_106, %select_n3A, %broadcast_in_dim3A_108 : vector<16xi1>, vector<16xi32>
    %reduce_sum3A_110 = arith.constant true
    %reduce_sum3A_111 = vector.broadcast %reduce_sum3A_110 : i1 to vector<16xi1>
    %reduce_sum3A_112 = tpu.scan <sum>, %select_n3A_109 masked %reduce_sum3A_111 : vector<16xi32>, vector<16xi1> -> vector<16xi32>
    %reduce_sum3A_113 = vector.extract %reduce_sum3A_112[15] : i32 from vector<16xi32>
    %add3A_114 = arith.constant 4 : i32
    %add3A_115 = arith.addi %mul3A_2, %add3A_114 : i32
    %dma_start3A_116 = arith.constant 4 : i32
    %dma_start3A_117 = arith.constant 0 : i32
    %dma_start3A_118 = tpu.memref_slice %arg6[%dma_start3A_116, %dma_start3A_117] : memref<512x64xf32, #tpu.memory_space<vmem>> -> memref<1x64xf32, #tpu.memory_space<vmem>>
    %dma_start3A_119 = tpu.memref_squeeze %dma_start3A_118 : memref<1x64xf32, #tpu.memory_space<vmem>> -> memref<64xf32, #tpu.memory_space<vmem>>
    %dma_start3A_120 = arith.constant 0 : i32
    %dma_start3A_121 = tpu.memref_slice %arg3[%add3A_115, %reduce_sum3A_113, %dma_start3A_120] : memref<16384x100x64xf32, #tpu.memory_space<hbm>> -> memref<1x1x64xf32, #tpu.memory_space<hbm>>
    %dma_start3A_122 = tpu.memref_squeeze %dma_start3A_121 : memref<1x1x64xf32, #tpu.memory_space<hbm>> -> memref<64xf32, #tpu.memory_space<hbm>>
    %dma_start3A_123 = arith.constant 0 : i32
    %dma_start3A_124 = tpu.memref_slice %arg6[%dma_start3A_116, %dma_start3A_123] : memref<512x64xf32, #tpu.memory_space<vmem>> -> memref<1x64xf32, #tpu.memory_space<vmem>>
    %dma_start3A_125 = tpu.memref_squeeze %dma_start3A_124 : memref<1x64xf32, #tpu.memory_space<vmem>> -> memref<64xf32, #tpu.memory_space<vmem>>
    %dma_start3A_126 = arith.constant 0 : i32
    %dma_start3A_127 = tpu.memref_slice %arg3[%add3A_115, %reduce_sum3A_113, %dma_start3A_126] : memref<16384x100x64xf32, #tpu.memory_space<hbm>> -> memref<1x1x64xf32, #tpu.memory_space<hbm>>
    %dma_start3A_128 = tpu.memref_squeeze %dma_start3A_127 : memref<1x1x64xf32, #tpu.memory_space<hbm>> -> memref<64xf32, #tpu.memory_space<hbm>>
    tpu.enqueue_dma source(%dma_start3A_128 : memref<64xf32, #tpu.memory_space<hbm>>) target(%dma_start3A_125 : memref<64xf32, #tpu.memory_space<vmem>>) target_semaphore(%arg7 : memref<!tpu.dma_semaphore, #tpu.memory_space<semaphore_mem>>)
    %eq3A_129 = arith.constant 5 : i32
    %eq3A_130 = vector.broadcast %eq3A_129 : i32 to vector<16xi32>
    %eq3A_131 = arith.cmpi eq, %iota3A, %eq3A_130 : vector<16xi32>
    %jit3A_132 = arith.constant 0 : i32
    %broadcast_in_dim3A_133 = vector.broadcast %jit3A_132 : i32 to vector<16xi32>
    %select_n3A_134 = arith.select %eq3A_131, %select_n3A, %broadcast_in_dim3A_133 : vector<16xi1>, vector<16xi32>
    %reduce_sum3A_135 = arith.constant true
    %reduce_sum3A_136 = vector.broadcast %reduce_sum3A_135 : i1 to vector<16xi1>
    %reduce_sum3A_137 = tpu.scan <sum>, %select_n3A_134 masked %reduce_sum3A_136 : vector<16xi32>, vector<16xi1> -> vector<16xi32>
    %reduce_sum3A_138 = vector.extract %reduce_sum3A_137[15] : i32 from vector<16xi32>
    %add3A_139 = arith.constant 5 : i32
    %add3A_140 = arith.addi %mul3A_2, %add3A_139 : i32
    %dma_start3A_141 = arith.constant 5 : i32
    %dma_start3A_142 = arith.constant 0 : i32
    %dma_start3A_143 = tpu.memref_slice %arg6[%dma_start3A_141, %dma_start3A_142] : memref<512x64xf32, #tpu.memory_space<vmem>> -> memref<1x64xf32, #tpu.memory_space<vmem>>
    %dma_start3A_144 = tpu.memref_squeeze %dma_start3A_143 : memref<1x64xf32, #tpu.memory_space<vmem>> -> memref<64xf32, #tpu.memory_space<vmem>>
    %dma_start3A_145 = arith.constant 0 : i32
    %dma_start3A_146 = tpu.memref_slice %arg3[%add3A_140, %reduce_sum3A_138, %dma_start3A_145] : memref<16384x100x64xf32, #tpu.memory_space<hbm>> -> memref<1x1x64xf32, #tpu.memory_space<hbm>>
    %dma_start3A_147 = tpu.memref_squeeze %dma_start3A_146 : memref<1x1x64xf32, #tpu.memory_space<hbm>> -> memref<64xf32, #tpu.memory_space<hbm>>
    %dma_start3A_148 = arith.constant 0 : i32
    %dma_start3A_149 = tpu.memref_slice %arg6[%dma_start3A_141, %dma_start3A_148] : memref<512x64xf32, #tpu.memory_space<vmem>> -> memref<1x64xf32, #tpu.memory_space<vmem>>
    %dma_start3A_150 = tpu.memref_squeeze %dma_start3A_149 : memref<1x64xf32, #tpu.memory_space<vmem>> -> memref<64xf32, #tpu.memory_space<vmem>>
    %dma_start3A_151 = arith.constant 0 : i32
    %dma_start3A_152 = tpu.memref_slice %arg3[%add3A_140, %reduce_sum3A_138, %dma_start3A_151] : memref<16384x100x64xf32, #tpu.memory_space<hbm>> -> memref<1x1x64xf32, #tpu.memory_space<hbm>>
    %dma_start3A_153 = tpu.memref_squeeze %dma_start3A_152 : memref<1x1x64xf32, #tpu.memory_space<hbm>> -> memref<64xf32, #tpu.memory_space<hbm>>
    tpu.enqueue_dma source(%dma_start3A_153 : memref<64xf32, #tpu.memory_space<hbm>>) target(%dma_start3A_150 : memref<64xf32, #tpu.memory_space<vmem>>) target_semaphore(%arg7 : memref<!tpu.dma_semaphore, #tpu.memory_space<semaphore_mem>>)
    %eq3A_154 = arith.constant 6 : i32
    %eq3A_155 = vector.broadcast %eq3A_154 : i32 to vector<16xi32>
    %eq3A_156 = arith.cmpi eq, %iota3A, %eq3A_155 : vector<16xi32>
    %jit3A_157 = arith.constant 0 : i32
    %broadcast_in_dim3A_158 = vector.broadcast %jit3A_157 : i32 to vector<16xi32>
    %select_n3A_159 = arith.select %eq3A_156, %select_n3A, %broadcast_in_dim3A_158 : vector<16xi1>, vector<16xi32>
    %reduce_sum3A_160 = arith.constant true
    %reduce_sum3A_161 = vector.broadcast %reduce_sum3A_160 : i1 to vector<16xi1>
    %reduce_sum3A_162 = tpu.scan <sum>, %select_n3A_159 masked %reduce_sum3A_161 : vector<16xi32>, vector<16xi1> -> vector<16xi32>
    %reduce_sum3A_163 = vector.extract %reduce_sum3A_162[15] : i32 from vector<16xi32>
    %add3A_164 = arith.constant 6 : i32
    %add3A_165 = arith.addi %mul3A_2, %add3A_164 : i32
    %dma_start3A_166 = arith.constant 6 : i32
    %dma_start3A_167 = arith.constant 0 : i32
    %dma_start3A_168 = tpu.memref_slice %arg6[%dma_start3A_166, %dma_start3A_167] : memref<512x64xf32, #tpu.memory_space<vmem>> -> memref<1x64xf32, #tpu.memory_space<vmem>>
    %dma_start3A_169 = tpu.memref_squeeze %dma_start3A_168 : memref<1x64xf32, #tpu.memory_space<vmem>> -> memref<64xf32, #tpu.memory_space<vmem>>
    %dma_start3A_170 = arith.constant 0 : i32
    %dma_start3A_171 = tpu.memref_slice %arg3[%add3A_165, %reduce_sum3A_163, %dma_start3A_170] : memref<16384x100x64xf32, #tpu.memory_space<hbm>> -> memref<1x1x64xf32, #tpu.memory_space<hbm>>
    %dma_start3A_172 = tpu.memref_squeeze %dma_start3A_171 : memref<1x1x64xf32, #tpu.memory_space<hbm>> -> memref<64xf32, #tpu.memory_space<hbm>>
    %dma_start3A_173 = arith.constant 0 : i32
    %dma_start3A_174 = tpu.memref_slice %arg6[%dma_start3A_166, %dma_start3A_173] : memref<512x64xf32, #tpu.memory_space<vmem>> -> memref<1x64xf32, #tpu.memory_space<vmem>>
    %dma_start3A_175 = tpu.memref_squeeze %dma_start3A_174 : memref<1x64xf32, #tpu.memory_space<vmem>> -> memref<64xf32, #tpu.memory_space<vmem>>
    %dma_start3A_176 = arith.constant 0 : i32
    %dma_start3A_177 = tpu.memref_slice %arg3[%add3A_165, %reduce_sum3A_163, %dma_start3A_176] : memref<16384x100x64xf32, #tpu.memory_space<hbm>> -> memref<1x1x64xf32, #tpu.memory_space<hbm>>
    %dma_start3A_178 = tpu.memref_squeeze %dma_start3A_177 : memref<1x1x64xf32, #tpu.memory_space<hbm>> -> memref<64xf32, #tpu.memory_space<hbm>>
    tpu.enqueue_dma source(%dma_start3A_178 : memref<64xf32, #tpu.memory_space<hbm>>) target(%dma_start3A_175 : memref<64xf32, #tpu.memory_space<vmem>>) target_semaphore(%arg7 : memref<!tpu.dma_semaphore, #tpu.memory_space<semaphore_mem>>)
    %eq3A_179 = arith.constant 7 : i32
    %eq3A_180 = vector.broadcast %eq3A_179 : i32 to vector<16xi32>
    %eq3A_181 = arith.cmpi eq, %iota3A, %eq3A_180 : vector<16xi32>
    %jit3A_182 = arith.constant 0 : i32
    %broadcast_in_dim3A_183 = vector.broadcast %jit3A_182 : i32 to vector<16xi32>
    %select_n3A_184 = arith.select %eq3A_181, %select_n3A, %broadcast_in_dim3A_183 : vector<16xi1>, vector<16xi32>
    %reduce_sum3A_185 = arith.constant true
    %reduce_sum3A_186 = vector.broadcast %reduce_sum3A_185 : i1 to vector<16xi1>
    %reduce_sum3A_187 = tpu.scan <sum>, %select_n3A_184 masked %reduce_sum3A_186 : vector<16xi32>, vector<16xi1> -> vector<16xi32>
    %reduce_sum3A_188 = vector.extract %reduce_sum3A_187[15] : i32 from vector<16xi32>
    %add3A_189 = arith.constant 7 : i32
    %add3A_190 = arith.addi %mul3A_2, %add3A_189 : i32
    %dma_start3A_191 = arith.constant 7 : i32
    %dma_start3A_192 = arith.constant 0 : i32
    %dma_start3A_193 = tpu.memref_slice %arg6[%dma_start3A_191, %dma_start3A_192] : memref<512x64xf32, #tpu.memory_space<vmem>> -> memref<1x64xf32, #tpu.memory_space<vmem>>
    %dma_start3A_194 = tpu.memref_squeeze %dma_start3A_193 : memref<1x64xf32, #tpu.memory_space<vmem>> -> memref<64xf32, #tpu.memory_space<vmem>>
    %dma_start3A_195 = arith.constant 0 : i32
    %dma_start3A_196 = tpu.memref_slice %arg3[%add3A_190, %reduce_sum3A_188, %dma_start3A_195] : memref<16384x100x64xf32, #tpu.memory_space<hbm>> -> memref<1x1x64xf32, #tpu.memory_space<hbm>>
    %dma_start3A_197 = tpu.memref_squeeze %dma_start3A_196 : memref<1x1x64xf32, #tpu.memory_space<hbm>> -> memref<64xf32, #tpu.memory_space<hbm>>
    %dma_start3A_198 = arith.constant 0 : i32
    %dma_start3A_199 = tpu.memref_slice %arg6[%dma_start3A_191, %dma_start3A_198] : memref<512x64xf32, #tpu.memory_space<vmem>> -> memref<1x64xf32, #tpu.memory_space<vmem>>
    %dma_start3A_200 = tpu.memref_squeeze %dma_start3A_199 : memref<1x64xf32, #tpu.memory_space<vmem>> -> memref<64xf32, #tpu.memory_space<vmem>>
    %dma_start3A_201 = arith.constant 0 : i32
    %dma_start3A_202 = tpu.memref_slice %arg3[%add3A_190, %reduce_sum3A_188, %dma_start3A_201] : memref<16384x100x64xf32, #tpu.memory_space<hbm>> -> memref<1x1x64xf32, #tpu.memory_space<hbm>>
    %dma_start3A_203 = tpu.memref_squeeze %dma_start3A_202 : memref<1x1x64xf32, #tpu.memory_space<hbm>> -> memref<64xf32, #tpu.memory_space<hbm>>
    tpu.enqueue_dma source(%dma_start3A_203 : memref<64xf32, #tpu.memory_space<hbm>>) target(%dma_start3A_200 : memref<64xf32, #tpu.memory_space<vmem>>) target_semaphore(%arg7 : memref<!tpu.dma_semaphore, #tpu.memory_space<semaphore_mem>>)
    %eq3A_204 = arith.constant 8 : i32
    %eq3A_205 = vector.broadcast %eq3A_204 : i32 to vector<16xi32>
    %eq3A_206 = arith.cmpi eq, %iota3A, %eq3A_205 : vector<16xi32>
    %jit3A_207 = arith.constant 0 : i32
    %broadcast_in_dim3A_208 = vector.broadcast %jit3A_207 : i32 to vector<16xi32>
    %select_n3A_209 = arith.select %eq3A_206, %select_n3A, %broadcast_in_dim3A_208 : vector<16xi1>, vector<16xi32>
    %reduce_sum3A_210 = arith.constant true
    %reduce_sum3A_211 = vector.broadcast %reduce_sum3A_210 : i1 to vector<16xi1>
    %reduce_sum3A_212 = tpu.scan <sum>, %select_n3A_209 masked %reduce_sum3A_211 : vector<16xi32>, vector<16xi1> -> vector<16xi32>
    %reduce_sum3A_213 = vector.extract %reduce_sum3A_212[15] : i32 from vector<16xi32>
    %add3A_214 = arith.constant 8 : i32
    %add3A_215 = arith.addi %mul3A_2, %add3A_214 : i32
    %dma_start3A_216 = arith.constant 8 : i32
    %dma_start3A_217 = arith.constant 0 : i32
    %dma_start3A_218 = tpu.memref_slice %arg6[%dma_start3A_216, %dma_start3A_217] : memref<512x64xf32, #tpu.memory_space<vmem>> -> memref<1x64xf32, #tpu.memory_space<vmem>>
    %dma_start3A_219 = tpu.memref_squeeze %dma_start3A_218 : memref<1x64xf32, #tpu.memory_space<vmem>> -> memref<64xf32, #tpu.memory_space<vmem>>
    %dma_start3A_220 = arith.constant 0 : i32
    %dma_start3A_221 = tpu.memref_slice %arg3[%add3A_215, %reduce_sum3A_213, %dma_start3A_220] : memref<16384x100x64xf32, #tpu.memory_space<hbm>> -> memref<1x1x64xf32, #tpu.memory_space<hbm>>
    %dma_start3A_222 = tpu.memref_squeeze %dma_start3A_221 : memref<1x1x64xf32, #tpu.memory_space<hbm>> -> memref<64xf32, #tpu.memory_space<hbm>>
    %dma_start3A_223 = arith.constant 0 : i32
    %dma_start3A_224 = tpu.memref_slice %arg6[%dma_start3A_216, %dma_start3A_223] : memref<512x64xf32, #tpu.memory_space<vmem>> -> memref<1x64xf32, #tpu.memory_space<vmem>>
    %dma_start3A_225 = tpu.memref_squeeze %dma_start3A_224 : memref<1x64xf32, #tpu.memory_space<vmem>> -> memref<64xf32, #tpu.memory_space<vmem>>
    %dma_start3A_226 = arith.constant 0 : i32
    %dma_start3A_227 = tpu.memref_slice %arg3[%add3A_215, %reduce_sum3A_213, %dma_start3A_226] : memref<16384x100x64xf32, #tpu.memory_space<hbm>> -> memref<1x1x64xf32, #tpu.memory_space<hbm>>
    %dma_start3A_228 = tpu.memref_squeeze %dma_start3A_227 : memref<1x1x64xf32, #tpu.memory_space<hbm>> -> memref<64xf32, #tpu.memory_space<hbm>>
    tpu.enqueue_dma source(%dma_start3A_228 : memref<64xf32, #tpu.memory_space<hbm>>) target(%dma_start3A_225 : memref<64xf32, #tpu.memory_space<vmem>>) target_semaphore(%arg7 : memref<!tpu.dma_semaphore, #tpu.memory_space<semaphore_mem>>)
    %eq3A_229 = arith.constant 9 : i32
    %eq3A_230 = vector.broadcast %eq3A_229 : i32 to vector<16xi32>
    %eq3A_231 = arith.cmpi eq, %iota3A, %eq3A_230 : vector<16xi32>
    %jit3A_232 = arith.constant 0 : i32
    %broadcast_in_dim3A_233 = vector.broadcast %jit3A_232 : i32 to vector<16xi32>
    %select_n3A_234 = arith.select %eq3A_231, %select_n3A, %broadcast_in_dim3A_233 : vector<16xi1>, vector<16xi32>
    %reduce_sum3A_235 = arith.constant true
    %reduce_sum3A_236 = vector.broadcast %reduce_sum3A_235 : i1 to vector<16xi1>
    %reduce_sum3A_237 = tpu.scan <sum>, %select_n3A_234 masked %reduce_sum3A_236 : vector<16xi32>, vector<16xi1> -> vector<16xi32>
    %reduce_sum3A_238 = vector.extract %reduce_sum3A_237[15] : i32 from vector<16xi32>
    %add3A_239 = arith.constant 9 : i32
    %add3A_240 = arith.addi %mul3A_2, %add3A_239 : i32
    %dma_start3A_241 = arith.constant 9 : i32
    %dma_start3A_242 = arith.constant 0 : i32
    %dma_start3A_243 = tpu.memref_slice %arg6[%dma_start3A_241, %dma_start3A_242] : memref<512x64xf32, #tpu.memory_space<vmem>> -> memref<1x64xf32, #tpu.memory_space<vmem>>
    %dma_start3A_244 = tpu.memref_squeeze %dma_start3A_243 : memref<1x64xf32, #tpu.memory_space<vmem>> -> memref<64xf32, #tpu.memory_space<vmem>>
    %dma_start3A_245 = arith.constant 0 : i32
    %dma_start3A_246 = tpu.memref_slice %arg3[%add3A_240, %reduce_sum3A_238, %dma_start3A_245] : memref<16384x100x64xf32, #tpu.memory_space<hbm>> -> memref<1x1x64xf32, #tpu.memory_space<hbm>>
    %dma_start3A_247 = tpu.memref_squeeze %dma_start3A_246 : memref<1x1x64xf32, #tpu.memory_space<hbm>> -> memref<64xf32, #tpu.memory_space<hbm>>
    %dma_start3A_248 = arith.constant 0 : i32
    %dma_start3A_249 = tpu.memref_slice %arg6[%dma_start3A_241, %dma_start3A_248] : memref<512x64xf32, #tpu.memory_space<vmem>> -> memref<1x64xf32, #tpu.memory_space<vmem>>
    %dma_start3A_250 = tpu.memref_squeeze %dma_start3A_249 : memref<1x64xf32, #tpu.memory_space<vmem>> -> memref<64xf32, #tpu.memory_space<vmem>>
    %dma_start3A_251 = arith.constant 0 : i32
    %dma_start3A_252 = tpu.memref_slice %arg3[%add3A_240, %reduce_sum3A_238, %dma_start3A_251] : memref<16384x100x64xf32, #tpu.memory_space<hbm>> -> memref<1x1x64xf32, #tpu.memory_space<hbm>>
    %dma_start3A_253 = tpu.memref_squeeze %dma_start3A_252 : memref<1x1x64xf32, #tpu.memory_space<hbm>> -> memref<64xf32, #tpu.memory_space<hbm>>
    tpu.enqueue_dma source(%dma_start3A_253 : memref<64xf32, #tpu.memory_space<hbm>>) target(%dma_start3A_250 : memref<64xf32, #tpu.memory_space<vmem>>) target_semaphore(%arg7 : memref<!tpu.dma_semaphore, #tpu.memory_space<semaphore_mem>>)
    %eq3A_254 = arith.constant 10 : i32
    %eq3A_255 = vector.broadcast %eq3A_254 : i32 to vector<16xi32>
    %eq3A_256 = arith.cmpi eq, %iota3A, %eq3A_255 : vector<16xi32>
    %jit3A_257 = arith.constant 0 : i32
    %broadcast_in_dim3A_258 = vector.broadcast %jit3A_257 : i32 to vector<16xi32>
    %select_n3A_259 = arith.select %eq3A_256, %select_n3A, %broadcast_in_dim3A_258 : vector<16xi1>, vector<16xi32>
    %reduce_sum3A_260 = arith.constant true
    %reduce_sum3A_261 = vector.broadcast %reduce_sum3A_260 : i1 to vector<16xi1>
    %reduce_sum3A_262 = tpu.scan <sum>, %select_n3A_259 masked %reduce_sum3A_261 : vector<16xi32>, vector<16xi1> -> vector<16xi32>
    %reduce_sum3A_263 = vector.extract %reduce_sum3A_262[15] : i32 from vector<16xi32>
    %add3A_264 = arith.constant 10 : i32
    %add3A_265 = arith.addi %mul3A_2, %add3A_264 : i32
    %dma_start3A_266 = arith.constant 10 : i32
    %dma_start3A_267 = arith.constant 0 : i32
    %dma_start3A_268 = tpu.memref_slice %arg6[%dma_start3A_266, %dma_start3A_267] : memref<512x64xf32, #tpu.memory_space<vmem>> -> memref<1x64xf32, #tpu.memory_space<vmem>>
    %dma_start3A_269 = tpu.memref_squeeze %dma_start3A_268 : memref<1x64xf32, #tpu.memory_space<vmem>> -> memref<64xf32, #tpu.memory_space<vmem>>
    %dma_start3A_270 = arith.constant 0 : i32
    %dma_start3A_271 = tpu.memref_slice %arg3[%add3A_265, %reduce_sum3A_263, %dma_start3A_270] : memref<16384x100x64xf32, #tpu.memory_space<hbm>> -> memref<1x1x64xf32, #tpu.memory_space<hbm>>
    %dma_start3A_272 = tpu.memref_squeeze %dma_start3A_271 : memref<1x1x64xf32, #tpu.memory_space<hbm>> -> memref<64xf32, #tpu.memory_space<hbm>>
    %dma_start3A_273 = arith.constant 0 : i32
    %dma_start3A_274 = tpu.memref_slice %arg6[%dma_start3A_266, %dma_start3A_273] : memref<512x64xf32, #tpu.memory_space<vmem>> -> memref<1x64xf32, #tpu.memory_space<vmem>>
    %dma_start3A_275 = tpu.memref_squeeze %dma_start3A_274 : memref<1x64xf32, #tpu.memory_space<vmem>> -> memref<64xf32, #tpu.memory_space<vmem>>
    %dma_start3A_276 = arith.constant 0 : i32
    %dma_start3A_277 = tpu.memref_slice %arg3[%add3A_265, %reduce_sum3A_263, %dma_start3A_276] : memref<16384x100x64xf32, #tpu.memory_space<hbm>> -> memref<1x1x64xf32, #tpu.memory_space<hbm>>
    %dma_start3A_278 = tpu.memref_squeeze %dma_start3A_277 : memref<1x1x64xf32, #tpu.memory_space<hbm>> -> memref<64xf32, #tpu.memory_space<hbm>>
    tpu.enqueue_dma source(%dma_start3A_278 : memref<64xf32, #tpu.memory_space<hbm>>) target(%dma_start3A_275 : memref<64xf32, #tpu.memory_space<vmem>>) target_semaphore(%arg7 : memref<!tpu.dma_semaphore, #tpu.memory_space<semaphore_mem>>)
    %eq3A_279 = arith.constant 11 : i32
    %eq3A_280 = vector.broadcast %eq3A_279 : i32 to vector<16xi32>
    %eq3A_281 = arith.cmpi eq, %iota3A, %eq3A_280 : vector<16xi32>
    %jit3A_282 = arith.constant 0 : i32
    %broadcast_in_dim3A_283 = vector.broadcast %jit3A_282 : i32 to vector<16xi32>
    %select_n3A_284 = arith.select %eq3A_281, %select_n3A, %broadcast_in_dim3A_283 : vector<16xi1>, vector<16xi32>
    %reduce_sum3A_285 = arith.constant true
    %reduce_sum3A_286 = vector.broadcast %reduce_sum3A_285 : i1 to vector<16xi1>
    %reduce_sum3A_287 = tpu.scan <sum>, %select_n3A_284 masked %reduce_sum3A_286 : vector<16xi32>, vector<16xi1> -> vector<16xi32>
    %reduce_sum3A_288 = vector.extract %reduce_sum3A_287[15] : i32 from vector<16xi32>
    %add3A_289 = arith.constant 11 : i32
    %add3A_290 = arith.addi %mul3A_2, %add3A_289 : i32
    %dma_start3A_291 = arith.constant 11 : i32
    %dma_start3A_292 = arith.constant 0 : i32
    %dma_start3A_293 = tpu.memref_slice %arg6[%dma_start3A_291, %dma_start3A_292] : memref<512x64xf32, #tpu.memory_space<vmem>> -> memref<1x64xf32, #tpu.memory_space<vmem>>
    %dma_start3A_294 = tpu.memref_squeeze %dma_start3A_293 : memref<1x64xf32, #tpu.memory_space<vmem>> -> memref<64xf32, #tpu.memory_space<vmem>>
    %dma_start3A_295 = arith.constant 0 : i32
    %dma_start3A_296 = tpu.memref_slice %arg3[%add3A_290, %reduce_sum3A_288, %dma_start3A_295] : memref<16384x100x64xf32, #tpu.memory_space<hbm>> -> memref<1x1x64xf32, #tpu.memory_space<hbm>>
    %dma_start3A_297 = tpu.memref_squeeze %dma_start3A_296 : memref<1x1x64xf32, #tpu.memory_space<hbm>> -> memref<64xf32, #tpu.memory_space<hbm>>
    %dma_start3A_298 = arith.constant 0 : i32
    %dma_start3A_299 = tpu.memref_slice %arg6[%dma_start3A_291, %dma_start3A_298] : memref<512x64xf32, #tpu.memory_space<vmem>> -> memref<1x64xf32, #tpu.memory_space<vmem>>
    %dma_start3A_300 = tpu.memref_squeeze %dma_start3A_299 : memref<1x64xf32, #tpu.memory_space<vmem>> -> memref<64xf32, #tpu.memory_space<vmem>>
    %dma_start3A_301 = arith.constant 0 : i32
    %dma_start3A_302 = tpu.memref_slice %arg3[%add3A_290, %reduce_sum3A_288, %dma_start3A_301] : memref<16384x100x64xf32, #tpu.memory_space<hbm>> -> memref<1x1x64xf32, #tpu.memory_space<hbm>>
    %dma_start3A_303 = tpu.memref_squeeze %dma_start3A_302 : memref<1x1x64xf32, #tpu.memory_space<hbm>> -> memref<64xf32, #tpu.memory_space<hbm>>
    tpu.enqueue_dma source(%dma_start3A_303 : memref<64xf32, #tpu.memory_space<hbm>>) target(%dma_start3A_300 : memref<64xf32, #tpu.memory_space<vmem>>) target_semaphore(%arg7 : memref<!tpu.dma_semaphore, #tpu.memory_space<semaphore_mem>>)
    %eq3A_304 = arith.constant 12 : i32
    %eq3A_305 = vector.broadcast %eq3A_304 : i32 to vector<16xi32>
    %eq3A_306 = arith.cmpi eq, %iota3A, %eq3A_305 : vector<16xi32>
    %jit3A_307 = arith.constant 0 : i32
    %broadcast_in_dim3A_308 = vector.broadcast %jit3A_307 : i32 to vector<16xi32>
    %select_n3A_309 = arith.select %eq3A_306, %select_n3A, %broadcast_in_dim3A_308 : vector<16xi1>, vector<16xi32>
    %reduce_sum3A_310 = arith.constant true
    %reduce_sum3A_311 = vector.broadcast %reduce_sum3A_310 : i1 to vector<16xi1>
    %reduce_sum3A_312 = tpu.scan <sum>, %select_n3A_309 masked %reduce_sum3A_311 : vector<16xi32>, vector<16xi1> -> vector<16xi32>
    %reduce_sum3A_313 = vector.extract %reduce_sum3A_312[15] : i32 from vector<16xi32>
    %add3A_314 = arith.constant 12 : i32
    %add3A_315 = arith.addi %mul3A_2, %add3A_314 : i32
    %dma_start3A_316 = arith.constant 12 : i32
    %dma_start3A_317 = arith.constant 0 : i32
    %dma_start3A_318 = tpu.memref_slice %arg6[%dma_start3A_316, %dma_start3A_317] : memref<512x64xf32, #tpu.memory_space<vmem>> -> memref<1x64xf32, #tpu.memory_space<vmem>>
    %dma_start3A_319 = tpu.memref_squeeze %dma_start3A_318 : memref<1x64xf32, #tpu.memory_space<vmem>> -> memref<64xf32, #tpu.memory_space<vmem>>
    %dma_start3A_320 = arith.constant 0 : i32
    %dma_start3A_321 = tpu.memref_slice %arg3[%add3A_315, %reduce_sum3A_313, %dma_start3A_320] : memref<16384x100x64xf32, #tpu.memory_space<hbm>> -> memref<1x1x64xf32, #tpu.memory_space<hbm>>
    %dma_start3A_322 = tpu.memref_squeeze %dma_start3A_321 : memref<1x1x64xf32, #tpu.memory_space<hbm>> -> memref<64xf32, #tpu.memory_space<hbm>>
    %dma_start3A_323 = arith.constant 0 : i32
    %dma_start3A_324 = tpu.memref_slice %arg6[%dma_start3A_316, %dma_start3A_323] : memref<512x64xf32, #tpu.memory_space<vmem>> -> memref<1x64xf32, #tpu.memory_space<vmem>>
    %dma_start3A_325 = tpu.memref_squeeze %dma_start3A_324 : memref<1x64xf32, #tpu.memory_space<vmem>> -> memref<64xf32, #tpu.memory_space<vmem>>
    %dma_start3A_326 = arith.constant 0 : i32
    %dma_start3A_327 = tpu.memref_slice %arg3[%add3A_315, %reduce_sum3A_313, %dma_start3A_326] : memref<16384x100x64xf32, #tpu.memory_space<hbm>> -> memref<1x1x64xf32, #tpu.memory_space<hbm>>
    %dma_start3A_328 = tpu.memref_squeeze %dma_start3A_327 : memref<1x1x64xf32, #tpu.memory_space<hbm>> -> memref<64xf32, #tpu.memory_space<hbm>>
    tpu.enqueue_dma source(%dma_start3A_328 : memref<64xf32, #tpu.memory_space<hbm>>) target(%dma_start3A_325 : memref<64xf32, #tpu.memory_space<vmem>>) target_semaphore(%arg7 : memref<!tpu.dma_semaphore, #tpu.memory_space<semaphore_mem>>)
    %eq3A_329 = arith.constant 13 : i32
    %eq3A_330 = vector.broadcast %eq3A_329 : i32 to vector<16xi32>
    %eq3A_331 = arith.cmpi eq, %iota3A, %eq3A_330 : vector<16xi32>
    %jit3A_332 = arith.constant 0 : i32
    %broadcast_in_dim3A_333 = vector.broadcast %jit3A_332 : i32 to vector<16xi32>
    %select_n3A_334 = arith.select %eq3A_331, %select_n3A, %broadcast_in_dim3A_333 : vector<16xi1>, vector<16xi32>
    %reduce_sum3A_335 = arith.constant true
    %reduce_sum3A_336 = vector.broadcast %reduce_sum3A_335 : i1 to vector<16xi1>
    %reduce_sum3A_337 = tpu.scan <sum>, %select_n3A_334 masked %reduce_sum3A_336 : vector<16xi32>, vector<16xi1> -> vector<16xi32>
    %reduce_sum3A_338 = vector.extract %reduce_sum3A_337[15] : i32 from vector<16xi32>
    %add3A_339 = arith.constant 13 : i32
    %add3A_340 = arith.addi %mul3A_2, %add3A_339 : i32
    %dma_start3A_341 = arith.constant 13 : i32
    %dma_start3A_342 = arith.constant 0 : i32
    %dma_start3A_343 = tpu.memref_slice %arg6[%dma_start3A_341, %dma_start3A_342] : memref<512x64xf32, #tpu.memory_space<vmem>> -> memref<1x64xf32, #tpu.memory_space<vmem>>
    %dma_start3A_344 = tpu.memref_squeeze %dma_start3A_343 : memref<1x64xf32, #tpu.memory_space<vmem>> -> memref<64xf32, #tpu.memory_space<vmem>>
    %dma_start3A_345 = arith.constant 0 : i32
    %dma_start3A_346 = tpu.memref_slice %arg3[%add3A_340, %reduce_sum3A_338, %dma_start3A_345] : memref<16384x100x64xf32, #tpu.memory_space<hbm>> -> memref<1x1x64xf32, #tpu.memory_space<hbm>>
    %dma_start3A_347 = tpu.memref_squeeze %dma_start3A_346 : memref<1x1x64xf32, #tpu.memory_space<hbm>> -> memref<64xf32, #tpu.memory_space<hbm>>
    %dma_start3A_348 = arith.constant 0 : i32
    %dma_start3A_349 = tpu.memref_slice %arg6[%dma_start3A_341, %dma_start3A_348] : memref<512x64xf32, #tpu.memory_space<vmem>> -> memref<1x64xf32, #tpu.memory_space<vmem>>
    %dma_start3A_350 = tpu.memref_squeeze %dma_start3A_349 : memref<1x64xf32, #tpu.memory_space<vmem>> -> memref<64xf32, #tpu.memory_space<vmem>>
    %dma_start3A_351 = arith.constant 0 : i32
    %dma_start3A_352 = tpu.memref_slice %arg3[%add3A_340, %reduce_sum3A_338, %dma_start3A_351] : memref<16384x100x64xf32, #tpu.memory_space<hbm>> -> memref<1x1x64xf32, #tpu.memory_space<hbm>>
    %dma_start3A_353 = tpu.memref_squeeze %dma_start3A_352 : memref<1x1x64xf32, #tpu.memory_space<hbm>> -> memref<64xf32, #tpu.memory_space<hbm>>
    tpu.enqueue_dma source(%dma_start3A_353 : memref<64xf32, #tpu.memory_space<hbm>>) target(%dma_start3A_350 : memref<64xf32, #tpu.memory_space<vmem>>) target_semaphore(%arg7 : memref<!tpu.dma_semaphore, #tpu.memory_space<semaphore_mem>>)
    %eq3A_354 = arith.constant 14 : i32
    %eq3A_355 = vector.broadcast %eq3A_354 : i32 to vector<16xi32>
    %eq3A_356 = arith.cmpi eq, %iota3A, %eq3A_355 : vector<16xi32>
    %jit3A_357 = arith.constant 0 : i32
    %broadcast_in_dim3A_358 = vector.broadcast %jit3A_357 : i32 to vector<16xi32>
    %select_n3A_359 = arith.select %eq3A_356, %select_n3A, %broadcast_in_dim3A_358 : vector<16xi1>, vector<16xi32>
    %reduce_sum3A_360 = arith.constant true
    %reduce_sum3A_361 = vector.broadcast %reduce_sum3A_360 : i1 to vector<16xi1>
    %reduce_sum3A_362 = tpu.scan <sum>, %select_n3A_359 masked %reduce_sum3A_361 : vector<16xi32>, vector<16xi1> -> vector<16xi32>
    %reduce_sum3A_363 = vector.extract %reduce_sum3A_362[15] : i32 from vector<16xi32>
    %add3A_364 = arith.constant 14 : i32
    %add3A_365 = arith.addi %mul3A_2, %add3A_364 : i32
    %dma_start3A_366 = arith.constant 14 : i32
    %dma_start3A_367 = arith.constant 0 : i32
    %dma_start3A_368 = tpu.memref_slice %arg6[%dma_start3A_366, %dma_start3A_367] : memref<512x64xf32, #tpu.memory_space<vmem>> -> memref<1x64xf32, #tpu.memory_space<vmem>>
    %dma_start3A_369 = tpu.memref_squeeze %dma_start3A_368 : memref<1x64xf32, #tpu.memory_space<vmem>> -> memref<64xf32, #tpu.memory_space<vmem>>
    %dma_start3A_370 = arith.constant 0 : i32
    %dma_start3A_371 = tpu.memref_slice %arg3[%add3A_365, %reduce_sum3A_363, %dma_start3A_370] : memref<16384x100x64xf32, #tpu.memory_space<hbm>> -> memref<1x1x64xf32, #tpu.memory_space<hbm>>
    %dma_start3A_372 = tpu.memref_squeeze %dma_start3A_371 : memref<1x1x64xf32, #tpu.memory_space<hbm>> -> memref<64xf32, #tpu.memory_space<hbm>>
    %dma_start3A_373 = arith.constant 0 : i32
    %dma_start3A_374 = tpu.memref_slice %arg6[%dma_start3A_366, %dma_start3A_373] : memref<512x64xf32, #tpu.memory_space<vmem>> -> memref<1x64xf32, #tpu.memory_space<vmem>>
    %dma_start3A_375 = tpu.memref_squeeze %dma_start3A_374 : memref<1x64xf32, #tpu.memory_space<vmem>> -> memref<64xf32, #tpu.memory_space<vmem>>
    %dma_start3A_376 = arith.constant 0 : i32
    %dma_start3A_377 = tpu.memref_slice %arg3[%add3A_365, %reduce_sum3A_363, %dma_start3A_376] : memref<16384x100x64xf32, #tpu.memory_space<hbm>> -> memref<1x1x64xf32, #tpu.memory_space<hbm>>
    %dma_start3A_378 = tpu.memref_squeeze %dma_start3A_377 : memref<1x1x64xf32, #tpu.memory_space<hbm>> -> memref<64xf32, #tpu.memory_space<hbm>>
    tpu.enqueue_dma source(%dma_start3A_378 : memref<64xf32, #tpu.memory_space<hbm>>) target(%dma_start3A_375 : memref<64xf32, #tpu.memory_space<vmem>>) target_semaphore(%arg7 : memref<!tpu.dma_semaphore, #tpu.memory_space<semaphore_mem>>)
    %eq3A_379 = arith.constant 15 : i32
    %eq3A_380 = vector.broadcast %eq3A_379 : i32 to vector<16xi32>
    %eq3A_381 = arith.cmpi eq, %iota3A, %eq3A_380 : vector<16xi32>
    %jit3A_382 = arith.constant 0 : i32
    %broadcast_in_dim3A_383 = vector.broadcast %jit3A_382 : i32 to vector<16xi32>
    %select_n3A_384 = arith.select %eq3A_381, %select_n3A, %broadcast_in_dim3A_383 : vector<16xi1>, vector<16xi32>
    %reduce_sum3A_385 = arith.constant true
    %reduce_sum3A_386 = vector.broadcast %reduce_sum3A_385 : i1 to vector<16xi1>
    %reduce_sum3A_387 = tpu.scan <sum>, %select_n3A_384 masked %reduce_sum3A_386 : vector<16xi32>, vector<16xi1> -> vector<16xi32>
    %reduce_sum3A_388 = vector.extract %reduce_sum3A_387[15] : i32 from vector<16xi32>
    %add3A_389 = arith.constant 15 : i32
    %add3A_390 = arith.addi %mul3A_2, %add3A_389 : i32
    %dma_start3A_391 = arith.constant 15 : i32
    %dma_start3A_392 = arith.constant 0 : i32
    %dma_start3A_393 = tpu.memref_slice %arg6[%dma_start3A_391, %dma_start3A_392] : memref<512x64xf32, #tpu.memory_space<vmem>> -> memref<1x64xf32, #tpu.memory_space<vmem>>
    %dma_start3A_394 = tpu.memref_squeeze %dma_start3A_393 : memref<1x64xf32, #tpu.memory_space<vmem>> -> memref<64xf32, #tpu.memory_space<vmem>>
    %dma_start3A_395 = arith.constant 0 : i32
    %dma_start3A_396 = tpu.memref_slice %arg3[%add3A_390, %reduce_sum3A_388, %dma_start3A_395] : memref<16384x100x64xf32, #tpu.memory_space<hbm>> -> memref<1x1x64xf32, #tpu.memory_space<hbm>>
    %dma_start3A_397 = tpu.memref_squeeze %dma_start3A_396 : memref<1x1x64xf32, #tpu.memory_space<hbm>> -> memref<64xf32, #tpu.memory_space<hbm>>
    %dma_start3A_398 = arith.constant 0 : i32
    %dma_start3A_399 = tpu.memref_slice %arg6[%dma_start3A_391, %dma_start3A_398] : memref<512x64xf32, #tpu.memory_space<vmem>> -> memref<1x64xf32, #tpu.memory_space<vmem>>
    %dma_start3A_400 = tpu.memref_squeeze %dma_start3A_399 : memref<1x64xf32, #tpu.memory_space<vmem>> -> memref<64xf32, #tpu.memory_space<vmem>>
    %dma_start3A_401 = arith.constant 0 : i32
    %dma_start3A_402 = tpu.memref_slice %arg3[%add3A_390, %reduce_sum3A_388, %dma_start3A_401] : memref<16384x100x64xf32, #tpu.memory_space<hbm>> -> memref<1x1x64xf32, #tpu.memory_space<hbm>>
    %dma_start3A_403 = tpu.memref_squeeze %dma_start3A_402 : memref<1x1x64xf32, #tpu.memory_space<hbm>> -> memref<64xf32, #tpu.memory_space<hbm>>
    tpu.enqueue_dma source(%dma_start3A_403 : memref<64xf32, #tpu.memory_space<hbm>>) target(%dma_start3A_400 : memref<64xf32, #tpu.memory_space<vmem>>) target_semaphore(%arg7 : memref<!tpu.dma_semaphore, #tpu.memory_space<semaphore_mem>>)
    %get3A_404 = arith.constant 16 : index
    %get3A_405 = tpu.vector_load %arg5[%get3A_404] {strides = array<i32>} : memref<512xi32, #tpu.memory_space<vmem>>, vector<16xi32>,
    %eq3A_406 = arith.constant 100 : i32
    %eq3A_407 = vector.broadcast %eq3A_406 : i32 to vector<16xi32>
    %eq3A_408 = arith.cmpi eq, %get3A_405, %eq3A_407 : vector<16xi32>
    %jit3A_409 = arith.constant 0 : i32
    %broadcast_in_dim3A_410 = vector.broadcast %jit3A_409 : i32 to vector<16xi32>
    %select_n3A_411 = arith.select %eq3A_408, %broadcast_in_dim3A_410, %get3A_405 : vector<16xi1>, vector<16xi32>
    %eq3A_412 = arith.constant 0 : i32
    %eq3A_413 = vector.broadcast %eq3A_412 : i32 to vector<16xi32>
    %eq3A_414 = arith.cmpi eq, %iota3A, %eq3A_413 : vector<16xi32>
    %jit3A_415 = arith.constant 0 : i32
    %broadcast_in_dim3A_416 = vector.broadcast %jit3A_415 : i32 to vector<16xi32>
    %select_n3A_417 = arith.select %eq3A_414, %select_n3A_411, %broadcast_in_dim3A_416 : vector<16xi1>, vector<16xi32>
    %reduce_sum3A_418 = arith.constant true
    %reduce_sum3A_419 = vector.broadcast %reduce_sum3A_418 : i1 to vector<16xi1>
    %reduce_sum3A_420 = tpu.scan <sum>, %select_n3A_417 masked %reduce_sum3A_419 : vector<16xi32>, vector<16xi1> -> vector<16xi32>
    %reduce_sum3A_421 = vector.extract %reduce_sum3A_420[15] : i32 from vector<16xi32>
    %add3A_422 = arith.constant 16 : i32
    %add3A_423 = arith.addi %mul3A_2, %add3A_422 : i32
    %dma_start3A_424 = arith.constant 16 : i32
    %dma_start3A_425 = arith.constant 0 : i32
    %dma_start3A_426 = tpu.memref_slice %arg6[%dma_start3A_424, %dma_start3A_425] : memref<512x64xf32, #tpu.memory_space<vmem>> -> memref<1x64xf32, #tpu.memory_space<vmem>>
    %dma_start3A_427 = tpu.memref_squeeze %dma_start3A_426 : memref<1x64xf32, #tpu.memory_space<vmem>> -> memref<64xf32, #tpu.memory_space<vmem>>
    %dma_start3A_428 = arith.constant 0 : i32
    %dma_start3A_429 = tpu.memref_slice %arg3[%add3A_423, %reduce_sum3A_421, %dma_start3A_428] : memref<16384x100x64xf32, #tpu.memory_space<hbm>> -> memref<1x1x64xf32, #tpu.memory_space<hbm>>
    %dma_start3A_430 = tpu.memref_squeeze %dma_start3A_429 : memref<1x1x64xf32, #tpu.memory_space<hbm>> -> memref<64xf32, #tpu.memory_space<hbm>>
    %dma_start3A_431 = arith.constant 0 : i32
    %dma_start3A_432 = tpu.memref_slice %arg6[%dma_start3A_424, %dma_start3A_431] : memref<512x64xf32, #tpu.memory_space<vmem>> -> memref<1x64xf32, #tpu.memory_space<vmem>>
    %dma_start3A_433 = tpu.memref_squeeze %dma_start3A_432 : memref<1x64xf32, #tpu.memory_space<vmem>> -> memref<64xf32, #tpu.memory_space<vmem>>
    %dma_start3A_434 = arith.constant 0 : i32
    %dma_start3A_435 = tpu.memref_slice %arg3[%add3A_423, %reduce_sum3A_421, %dma_start3A_434] : memref<16384x100x64xf32, #tpu.memory_space<hbm>> -> memref<1x1x64xf32, #tpu.memory_space<hbm>>
    %dma_start3A_436 = tpu.memref_squeeze %dma_start3A_435 : memref<1x1x64xf32, #tpu.memory_space<hbm>> -> memref<64xf32, #tpu.memory_space<hbm>>
    tpu.enqueue_dma source(%dma_start3A_436 : memref<64xf32, #tpu.memory_space<hbm>>) target(%dma_start3A_433 : memref<64xf32, #tpu.memory_space<vmem>>) target_semaphore(%arg7 : memref<!tpu.dma_semaphore, #tpu.memory_space<semaphore_mem>>)
    %eq3A_437 = arith.constant 1 : i32
    %eq3A_438 = vector.broadcast %eq3A_437 : i32 to vector<16xi32>
    %eq3A_439 = arith.cmpi eq, %iota3A, %eq3A_438 : vector<16xi32>
    %jit3A_440 = arith.constant 0 : i32
    %broadcast_in_dim3A_441 = vector.broadcast %jit3A_440 : i32 to vector<16xi32>
    %select_n3A_442 = arith.select %eq3A_439, %select_n3A_411, %broadcast_in_dim3A_441 : vector<16xi1>, vector<16xi32>
    %reduce_sum3A_443 = arith.constant true
    %reduce_sum3A_444 = vector.broadcast %reduce_sum3A_443 : i1 to vector<16xi1>
    %reduce_sum3A_445 = tpu.scan <sum>, %select_n3A_442 masked %reduce_sum3A_444 : vector<16xi32>, vector<16xi1> -> vector<16xi32>
    %reduce_sum3A_446 = vector.extract %reduce_sum3A_445[15] : i32 from vector<16xi32>
    %add3A_447 = arith.constant 17 : i32
    %add3A_448 = arith.addi %mul3A_2, %add3A_447 : i32
    %dma_start3A_449 = arith.constant 17 : i32
    %dma_start3A_450 = arith.constant 0 : i32
    %dma_start3A_451 = tpu.memref_slice %arg6[%dma_start3A_449, %dma_start3A_450] : memref<512x64xf32, #tpu.memory_space<vmem>> -> memref<1x64xf32, #tpu.memory_space<vmem>>
    %dma_start3A_452 = tpu.memref_squeeze %dma_start3A_451 : memref<1x64xf32, #tpu.memory_space<vmem>> -> memref<64xf32, #tpu.memory_space<vmem>>
    %dma_start3A_453 = arith.constant 0 : i32
    %dma_start3A_454 = tpu.memref_slice %arg3[%add3A_448, %reduce_sum3A_446, %dma_start3A_453] : memref<16384x100x64xf32, #tpu.memory_space<hbm>> -> memref<1x1x64xf32, #tpu.memory_space<hbm>>
    %dma_start3A_455 = tpu.memref_squeeze %dma_start3A_454 : memref<1x1x64xf32, #tpu.memory_space<hbm>> -> memref<64xf32, #tpu.memory_space<hbm>>
    %dma_start3A_456 = arith.constant 0 : i32
    %dma_start3A_457 = tpu.memref_slice %arg6[%dma_start3A_449, %dma_start3A_456] : memref<512x64xf32, #tpu.memory_space<vmem>> -> memref<1x64xf32, #tpu.memory_space<vmem>>
    %dma_start3A_458 = tpu.memref_squeeze %dma_start3A_457 : memref<1x64xf32, #tpu.memory_space<vmem>> -> memref<64xf32, #tpu.memory_space<vmem>>
    %dma_start3A_459 = arith.constant 0 : i32
    %dma_start3A_460 = tpu.memref_slice %arg3[%add3A_448, %reduce_sum3A_446, %dma_start3A_459] : memref<16384x100x64xf32, #tpu.memory_space<hbm>> -> memref<1x1x64xf32, #tpu.memory_space<hbm>>
    %dma_start3A_461 = tpu.memref_squeeze %dma_start3A_460 : memref<1x1x64xf32, #tpu.memory_space<hbm>> -> memref<64xf32, #tpu.memory_space<hbm>>
    tpu.enqueue_dma source(%dma_start3A_461 : memref<64xf32, #tpu.memory_space<hbm>>) target(%dma_start3A_458 : memref<64xf32, #tpu.memory_space<vmem>>) target_semaphore(%arg7 : memref<!tpu.dma_semaphore, #tpu.memory_space<semaphore_mem>>)
    %eq3A_462 = arith.constant 2 : i32
    %eq3A_463 = vector.broadcast %eq3A_462 : i32 to vector<16xi32>
    %eq3A_464 = arith.cmpi eq, %iota3A, %eq3A_463 : vector<16xi32>
    %jit3A_465 = arith.constant 0 : i32
    %broadcast_in_dim3A_466 = vector.broadcast %jit3A_465 : i32 to vector<16xi32>
    %select_n3A_467 = arith.select %eq3A_464, %select_n3A_411, %broadcast_in_dim3A_466 : vector<16xi1>, vector<16xi32>
    %reduce_sum3A_468 = arith.constant true
    %reduce_sum3A_469 = vector.broadcast %reduce_sum3A_468 : i1 to vector<16xi1>
    %reduce_sum3A_470 = tpu.scan <sum>, %select_n3A_467 masked %reduce_sum3A_469 : vector<16xi32>, vector<16xi1> -> vector<16xi32>
    %reduce_sum3A_471 = vector.extract %reduce_sum3A_470[15] : i32 from vector<16xi32>
    %add3A_472 = arith.constant 18 : i32
    %add3A_473 = arith.addi %mul3A_2, %add3A_472 : i32
    %dma_start3A_474 = arith.constant 18 : i32
    %dma_start3A_475 = arith.constant 0 : i32
    %dma_start3A_476 = tpu.memref_slice %arg6[%dma_start3A_474, %dma_start3A_475] : memref<512x64xf32, #tpu.memory_space<vmem>> -> memref<1x64xf32, #tpu.memory_space<vmem>>
    %dma_start3A_477 = tpu.memref_squeeze %dma_start3A_476 : memref<1x64xf32, #tpu.memory_space<vmem>> -> memref<64xf32, #tpu.memory_space<vmem>>
    %dma_start3A_478 = arith.constant 0 : i32
    %dma_start3A_479 = tpu.memref_slice %arg3[%add3A_473, %reduce_sum3A_471, %dma_start3A_478] : memref<16384x100x64xf32, #tpu.memory_space<hbm>> -> memref<1x1x64xf32, #tpu.memory_space<hbm>>
    %dma_start3A_480 = tpu.memref_squeeze %dma_start3A_479 : memref<1x1x64xf32, #tpu.memory_space<hbm>> -> memref<64xf32, #tpu.memory_space<hbm>>
    %dma_start3A_481 = arith.constant 0 : i32
    %dma_start3A_482 = tpu.memref_slice %arg6[%dma_start3A_474, %dma_start3A_481] : memref<512x64xf32, #tpu.memory_space<vmem>> -> memref<1x64xf32, #tpu.memory_space<vmem>>
    %dma_start3A_483 = tpu.memref_squeeze %dma_start3A_482 : memref<1x64xf32, #tpu.memory_space<vmem>> -> memref<64xf32, #tpu.memory_space<vmem>>
    %dma_start3A_484 = arith.constant 0 : i32
    %dma_start3A_485 = tpu.memref_slice %arg3[%add3A_473, %reduce_sum3A_471, %dma_start3A_484] : memref<16384x100x64xf32, #tpu.memory_space<hbm>> -> memref<1x1x64xf32, #tpu.memory_space<hbm>>
    %dma_start3A_486 = tpu.memref_squeeze %dma_start3A_485 : memref<1x1x64xf32, #tpu.memory_space<hbm>> -> memref<64xf32, #tpu.memory_space<hbm>>
    tpu.enqueue_dma source(%dma_start3A_486 : memref<64xf32, #tpu.memory_space<hbm>>) target(%dma_start3A_483 : memref<64xf32, #tpu.memory_space<vmem>>) target_semaphore(%arg7 : memref<!tpu.dma_semaphore, #tpu.memory_space<semaphore_mem>>)
    %eq3A_487 = arith.constant 3 : i32
    %eq3A_488 = vector.broadcast %eq3A_487 : i32 to vector<16xi32>
    %eq3A_489 = arith.cmpi eq, %iota3A, %eq3A_488 : vector<16xi32>
    %jit3A_490 = arith.constant 0 : i32
    %broadcast_in_dim3A_491 = vector.broadcast %jit3A_490 : i32 to vector<16xi32>
    %select_n3A_492 = arith.select %eq3A_489, %select_n3A_411, %broadcast_in_dim3A_491 : vector<16xi1>, vector<16xi32>
    %reduce_sum3A_493 = arith.constant true
    %reduce_sum3A_494 = vector.broadcast %reduce_sum3A_493 : i1 to vector<16xi1>
    %reduce_sum3A_495 = tpu.scan <sum>, %select_n3A_492 masked %reduce_sum3A_494 : vector<16xi32>, vector<16xi1> -> vector<16xi32>
    %reduce_sum3A_496 = vector.extract %reduce_sum3A_495[15] : i32 from vector<16xi32>
    %add3A_497 = arith.constant 19 : i32
    %add3A_498 = arith.addi %mul3A_2, %add3A_497 : i32
    %dma_start3A_499 = arith.constant 19 : i32
    %dma_start3A_500 = arith.constant 0 : i32
    %dma_start3A_501 = tpu.memref_slice %arg6[%dma_start3A_499, %dma_start3A_500] : memref<512x64xf32, #tpu.memory_space<vmem>> -> memref<1x64xf32, #tpu.memory_space<vmem>>
    %dma_start3A_502 = tpu.memref_squeeze %dma_start3A_501 : memref<1x64xf32, #tpu.memory_space<vmem>> -> memref<64xf32, #tpu.memory_space<vmem>>
    %dma_start3A_503 = arith.constant 0 : i32
    %dma_start3A_504 = tpu.memref_slice %arg3[%add3A_498, %reduce_sum3A_496, %dma_start3A_503] : memref<16384x100x64xf32, #tpu.memory_space<hbm>> -> memref<1x1x64xf32, #tpu.memory_space<hbm>>
    %dma_start3A_505 = tpu.memref_squeeze %dma_start3A_504 : memref<1x1x64xf32, #tpu.memory_space<hbm>> -> memref<64xf32, #tpu.memory_space<hbm>>
    %dma_start3A_506 = arith.constant 0 : i32
    %dma_start3A_507 = tpu.memref_slice %arg6[%dma_start3A_499, %dma_start3A_506] : memref<512x64xf32, #tpu.memory_space<vmem>> -> memref<1x64xf32, #tpu.memory_space<vmem>>
    %dma_start3A_508 = tpu.memref_squeeze %dma_start3A_507 : memref<1x64xf32, #tpu.memory_space<vmem>> -> memref<64xf32, #tpu.memory_space<vmem>>
    %dma_start3A_509 = arith.constant 0 : i32
    %dma_start3A_510 = tpu.memref_slice %arg3[%add3A_498, %reduce_sum3A_496, %dma_start3A_509] : memref<16384x100x64xf32, #tpu.memory_space<hbm>> -> memref<1x1x64xf32, #tpu.memory_space<hbm>>
    %dma_start3A_511 = tpu.memref_squeeze %dma_start3A_510 : memref<1x1x64xf32, #tpu.memory_space<hbm>> -> memref<64xf32, #tpu.memory_space<hbm>>
    tpu.enqueue_dma source(%dma_start3A_511 : memref<64xf32, #tpu.memory_space<hbm>>) target(%dma_start3A_508 : memref<64xf32, #tpu.memory_space<vmem>>) target_semaphore(%arg7 : memref<!tpu.dma_semaphore, #tpu.memory_space<semaphore_mem>>)
    %eq3A_512 = arith.constant 4 : i32
    %eq3A_513 = vector.broadcast %eq3A_512 : i32 to vector<16xi32>
    %eq3A_514 = arith.cmpi eq, %iota3A, %eq3A_513 : vector<16xi32>
    %jit3A_515 = arith.constant 0 : i32
    %broadcast_in_dim3A_516 = vector.broadcast %jit3A_515 : i32 to vector<16xi32>
    %select_n3A_517 = arith.select %eq3A_514, %select_n3A_411, %broadcast_in_dim3A_516 : vector<16xi1>, vector<16xi32>
    %reduce_sum3A_518 = arith.constant true
    %reduce_sum3A_519 = vector.broadcast %reduce_sum3A_518 : i1 to vector<16xi1>
    %reduce_sum3A_520 = tpu.scan <sum>, %select_n3A_517 masked %reduce_sum3A_519 : vector<16xi32>, vector<16xi1> -> vector<16xi32>
    %reduce_sum3A_521 = vector.extract %reduce_sum3A_520[15] : i32 from vector<16xi32>
    %add3A_522 = arith.constant 20 : i32
    %add3A_523 = arith.addi %mul3A_2, %add3A_522 : i32
    %dma_start3A_524 = arith.constant 20 : i32
    %dma_start3A_525 = arith.constant 0 : i32
    %dma_start3A_526 = tpu.memref_slice %arg6[%dma_start3A_524, %dma_start3A_525] : memref<512x64xf32, #tpu.memory_space<vmem>> -> memref<1x64xf32, #tpu.memory_space<vmem>>
    %dma_start3A_527 = tpu.memref_squeeze %dma_start3A_526 : memref<1x64xf32, #tpu.memory_space<vmem>> -> memref<64xf32, #tpu.memory_space<vmem>>
    %dma_start3A_528 = arith.constant 0 : i32
    %dma_start3A_529 = tpu.memref_slice %arg3[%add3A_523, %reduce_sum3A_521, %dma_start3A_528] : memref<16384x100x64xf32, #tpu.memory_space<hbm>> -> memref<1x1x64xf32, #tpu.memory_space<hbm>>
    %dma_start3A_530 = tpu.memref_squeeze %dma_start3A_529 : memref<1x1x64xf32, #tpu.memory_space<hbm>> -> memref<64xf32, #tpu.memory_space<hbm>>
    %dma_start3A_531 = arith.constant 0 : i32
    %dma_start3A_532 = tpu.memref_slice %arg6[%dma_start3A_524, %dma_start3A_531] : memref<512x64xf32, #tpu.memory_space<vmem>> -> memref<1x64xf32, #tpu.memory_space<vmem>>
    %dma_start3A_533 = tpu.memref_squeeze %dma_start3A_532 : memref<1x64xf32, #tpu.memory_space<vmem>> -> memref<64xf32, #tpu.memory_space<vmem>>
    %dma_start3A_534 = arith.constant 0 : i32
    %dma_start3A_535 = tpu.memref_slice %arg3[%add3A_523, %reduce_sum3A_521, %dma_start3A_534] : memref<16384x100x64xf32, #tpu.memory_space<hbm>> -> memref<1x1x64xf32, #tpu.memory_space<hbm>>
    %dma_start3A_536 = tpu.memref_squeeze %dma_start3A_535 : memref<1x1x64xf32, #tpu.memory_space<hbm>> -> memref<64xf32, #tpu.memory_space<hbm>>
    tpu.enqueue_dma source(%dma_start3A_536 : memref<64xf32, #tpu.memory_space<hbm>>) target(%dma_start3A_533 : memref<64xf32, #tpu.memory_space<vmem>>) target_semaphore(%arg7 : memref<!tpu.dma_semaphore, #tpu.memory_space<semaphore_mem>>)
    %eq3A_537 = arith.constant 5 : i32
    %eq3A_538 = vector.broadcast %eq3A_537 : i32 to vector<16xi32>
    %eq3A_539 = arith.cmpi eq, %iota3A, %eq3A_538 : vector<16xi32>
    %jit3A_540 = arith.constant 0 : i32
    %broadcast_in_dim3A_541 = vector.broadcast %jit3A_540 : i32 to vector<16xi32>
    %select_n3A_542 = arith.select %eq3A_539, %select_n3A_411, %broadcast_in_dim3A_541 : vector<16xi1>, vector<16xi32>
    %reduce_sum3A_543 = arith.constant true
    %reduce_sum3A_544 = vector.broadcast %reduce_sum3A_543 : i1 to vector<16xi1>
    %reduce_sum3A_545 = tpu.scan <sum>, %select_n3A_542 masked %reduce_sum3A_544 : vector<16xi32>, vector<16xi1> -> vector<16xi32>
    %reduce_sum3A_546 = vector.extract %reduce_sum3A_545[15] : i32 from vector<16xi32>
    %add3A_547 = arith.constant 21 : i32
    %add3A_548 = arith.addi %mul3A_2, %add3A_547 : i32
    %dma_start3A_549 = arith.constant 21 : i32
    %dma_start3A_550 = arith.constant 0 : i32
    %dma_start3A_551 = tpu.memref_slice %arg6[%dma_start3A_549, %dma_start3A_550] : memref<512x64xf32, #tpu.memory_space<vmem>> -> memref<1x64xf32, #tpu.memory_space<vmem>>
    %dma_start3A_552 = tpu.memref_squeeze %dma_start3A_551 : memref<1x64xf32, #tpu.memory_space<vmem>> -> memref<64xf32, #tpu.memory_space<vmem>>
    %dma_start3A_553 = arith.constant 0 : i32
    %dma_start3A_554 = tpu.memref_slice %arg3[%add3A_548, %reduce_sum3A_546, %dma_start3A_553] : memref<16384x100x64xf32, #tpu.memory_space<hbm>> -> memref<1x1x64xf32, #tpu.memory_space<hbm>>
    %dma_start3A_555 = tpu.memref_squeeze %dma_start3A_554 : memref<1x1x64xf32, #tpu.memory_space<hbm>> -> memref<64xf32, #tpu.memory_space<hbm>>
    %dma_start3A_556 = arith.constant 0 : i32
    %dma_start3A_557 = tpu.memref_slice %arg6[%dma_start3A_549, %dma_start3A_556] : memref<512x64xf32, #tpu.memory_space<vmem>> -> memref<1x64xf32, #tpu.memory_space<vmem>>
    %dma_start3A_558 = tpu.memref_squeeze %dma_start3A_557 : memref<1x64xf32, #tpu.memory_space<vmem>> -> memref<64xf32, #tpu.memory_space<vmem>>
    %dma_start3A_559 = arith.constant 0 : i32
    %dma_start3A_560 = tpu.memref_slice %arg3[%add3A_548, %reduce_sum3A_546, %dma_start3A_559] : memref<16384x100x64xf32, #tpu.memory_space<hbm>> -> memref<1x1x64xf32, #tpu.memory_space<hbm>>
    %dma_start3A_561 = tpu.memref_squeeze %dma_start3A_560 : memref<1x1x64xf32, #tpu.memory_space<hbm>> -> memref<64xf32, #tpu.memory_space<hbm>>
    tpu.enqueue_dma source(%dma_start3A_561 : memref<64xf32, #tpu.memory_space<hbm>>) target(%dma_start3A_558 : memref<64xf32, #tpu.memory_space<vmem>>) target_semaphore(%arg7 : memref<!tpu.dma_semaphore, #tpu.memory_space<semaphore_mem>>)
    %eq3A_562 = arith.constant 6 : i32
    %eq3A_563 = vector.broadcast %eq3A_562 : i32 to vector<16xi32>
    %eq3A_564 = arith.cmpi eq, %iota3A, %eq3A_563 : vector<16xi32>
    %jit3A_565 = arith.constant 0 : i32
    %broadcast_in_dim3A_566 = vector.broadcast %jit3A_565 : i32 to vector<16xi32>
    %select_n3A_567 = arith.select %eq3A_564, %select_n3A_411, %broadcast_in_dim3A_566 : vector<16xi1>, vector<16xi32>
    %reduce_sum3A_568 = arith.constant true
    %reduce_sum3A_569 = vector.broadcast %reduce_sum3A_568 : i1 to vector<16xi1>
    %reduce_sum3A_570 = tpu.scan <sum>, %select_n3A_567 masked %reduce_sum3A_569 : vector<16xi32>, vector<16xi1> -> vector<16xi32>
    %reduce_sum3A_571 = vector.extract %reduce_sum3A_570[15] : i32 from vector<16xi32>
    %add3A_572 = arith.constant 22 : i32
    %add3A_573 = arith.addi %mul3A_2, %add3A_572 : i32
    %dma_start3A_574 = arith.constant 22 : i32
    %dma_start3A_575 = arith.constant 0 : i32
    %dma_start3A_576 = tpu.memref_slice %arg6[%dma_start3A_574, %dma_start3A_575] : memref<512x64xf32, #tpu.memory_space<vmem>> -> memref<1x64xf32, #tpu.memory_space<vmem>>
    %dma_start3A_577 = tpu.memref_squeeze %dma_start3A_576 : memref<1x64xf32, #tpu.memory_space<vmem>> -> memref<64xf32, #tpu.memory_space<vmem>>
    %dma_start3A_578 = arith.constant 0 : i32
    %dma_start3A_579 = tpu.memref_slice %arg3[%add3A_573, %reduce_sum3A_571, %dma_start3A_578] : memref<16384x100x64xf32, #tpu.memory_space<hbm>> -> memref<1x1x64xf32, #tpu.memory_space<hbm>>
    %dma_start3A_580 = tpu.memref_squeeze %dma_start3A_579 : memref<1x1x64xf32, #tpu.memory_space<hbm>> -> memref<64xf32, #tpu.memory_space<hbm>>
    %dma_start3A_581 = arith.constant 0 : i32
    %dma_start3A_582 = tpu.memref_slice %arg6[%dma_start3A_574, %dma_start3A_581] : memref<512x64xf32, #tpu.memory_space<vmem>> -> memref<1x64xf32, #tpu.memory_space<vmem>>
    %dma_start3A_583 = tpu.memref_squeeze %dma_start3A_582 : memref<1x64xf32, #tpu.memory_space<vmem>> -> memref<64xf32, #tpu.memory_space<vmem>>
    %dma_start3A_584 = arith.constant 0 : i32
    %dma_start3A_585 = tpu.memref_slice %arg3[%add3A_573, %reduce_sum3A_571, %dma_start3A_584] : memref<16384x100x64xf32, #tpu.memory_space<hbm>> -> memref<1x1x64xf32, #tpu.memory_space<hbm>>
    %dma_start3A_586 = tpu.memref_squeeze %dma_start3A_585 : memref<1x1x64xf32, #tpu.memory_space<hbm>> -> memref<64xf32, #tpu.memory_space<hbm>>
    tpu.enqueue_dma source(%dma_start3A_586 : memref<64xf32, #tpu.memory_space<hbm>>) target(%dma_start3A_583 : memref<64xf32, #tpu.memory_space<vmem>>) target_semaphore(%arg7 : memref<!tpu.dma_semaphore, #tpu.memory_space<semaphore_mem>>)
    %eq3A_587 = arith.constant 7 : i32
    %eq3A_588 = vector.broadcast %eq3A_587 : i32 to vector<16xi32>
    %eq3A_589 = arith.cmpi eq, %iota3A, %eq3A_588 : vector<16xi32>
    %jit3A_590 = arith.constant 0 : i32
    %broadcast_in_dim3A_591 = vector.broadcast %jit3A_590 : i32 to vector<16xi32>
    %select_n3A_592 = arith.select %eq3A_589, %select_n3A_411, %broadcast_in_dim3A_591 : vector<16xi1>, vector<16xi32>
    %reduce_sum3A_593 = arith.constant true
    %reduce_sum3A_594 = vector.broadcast %reduce_sum3A_593 : i1 to vector<16xi1>
    %reduce_sum3A_595 = tpu.scan <sum>, %select_n3A_592 masked %reduce_sum3A_594 : vector<16xi32>, vector<16xi1> -> vector<16xi32>
    %reduce_sum3A_596 = vector.extract %reduce_sum3A_595[15] : i32 from vector<16xi32>
    %add3A_597 = arith.constant 23 : i32
    %add3A_598 = arith.addi %mul3A_2, %add3A_597 : i32
    %dma_start3A_599 = arith.constant 23 : i32
    %dma_start3A_600 = arith.constant 0 : i32
    %dma_start3A_601 = tpu.memref_slice %arg6[%dma_start3A_599, %dma_start3A_600] : memref<512x64xf32, #tpu.memory_space<vmem>> -> memref<1x64xf32, #tpu.memory_space<vmem>>
    %dma_start3A_602 = tpu.memref_squeeze %dma_start3A_601 : memref<1x64xf32, #tpu.memory_space<vmem>> -> memref<64xf32, #tpu.memory_space<vmem>>
    %dma_start3A_603 = arith.constant 0 : i32
    %dma_start3A_604 = tpu.memref_slice %arg3[%add3A_598, %reduce_sum3A_596, %dma_start3A_603] : memref<16384x100x64xf32, #tpu.memory_space<hbm>> -> memref<1x1x64xf32, #tpu.memory_space<hbm>>
    %dma_start3A_605 = tpu.memref_squeeze %dma_start3A_604 : memref<1x1x64xf32, #tpu.memory_space<hbm>> -> memref<64xf32, #tpu.memory_space<hbm>>
    %dma_start3A_606 = arith.constant 0 : i32
    %dma_start3A_607 = tpu.memref_slice %arg6[%dma_start3A_599, %dma_start3A_606] : memref<512x64xf32, #tpu.memory_space<vmem>> -> memref<1x64xf32, #tpu.memory_space<vmem>>
    %dma_start3A_608 = tpu.memref_squeeze %dma_start3A_607 : memref<1x64xf32, #tpu.memory_space<vmem>> -> memref<64xf32, #tpu.memory_space<vmem>>
    %dma_start3A_609 = arith.constant 0 : i32
    %dma_start3A_610 = tpu.memref_slice %arg3[%add3A_598, %reduce_sum3A_596, %dma_start3A_609] : memref<16384x100x64xf32, #tpu.memory_space<hbm>> -> memref<1x1x64xf32, #tpu.memory_space<hbm>>
    %dma_start3A_611 = tpu.memref_squeeze %dma_start3A_610 : memref<1x1x64xf32, #tpu.memory_space<hbm>> -> memref<64xf32, #tpu.memory_space<hbm>>
    tpu.enqueue_dma source(%dma_start3A_611 : memref<64xf32, #tpu.memory_space<hbm>>) target(%dma_start3A_608 : memref<64xf32, #tpu.memory_space<vmem>>) target_semaphore(%arg7 : memref<!tpu.dma_semaphore, #tpu.memory_space<semaphore_mem>>)
    %eq3A_612 = arith.constant 8 : i32
    %eq3A_613 = vector.broadcast %eq3A_612 : i32 to vector<16xi32>
    %eq3A_614 = arith.cmpi eq, %iota3A, %eq3A_613 : vector<16xi32>
    %jit3A_615 = arith.constant 0 : i32
    %broadcast_in_dim3A_616 = vector.broadcast %jit3A_615 : i32 to vector<16xi32>
    %select_n3A_617 = arith.select %eq3A_614, %select_n3A_411, %broadcast_in_dim3A_616 : vector<16xi1>, vector<16xi32>
    %reduce_sum3A_618 = arith.constant true
    %reduce_sum3A_619 = vector.broadcast %reduce_sum3A_618 : i1 to vector<16xi1>
    %reduce_sum3A_620 = tpu.scan <sum>, %select_n3A_617 masked %reduce_sum3A_619 : vector<16xi32>, vector<16xi1> -> vector<16xi32>
    %reduce_sum3A_621 = vector.extract %reduce_sum3A_620[15] : i32 from vector<16xi32>
    %add3A_622 = arith.constant 24 : i32
    %add3A_623 = arith.addi %mul3A_2, %add3A_622 : i32
    %dma_start3A_624 = arith.constant 24 : i32
    %dma_start3A_625 = arith.constant 0 : i32
    %dma_start3A_626 = tpu.memref_slice %arg6[%dma_start3A_624, %dma_start3A_625] : memref<512x64xf32, #tpu.memory_space<vmem>> -> memref<1x64xf32, #tpu.memory_space<vmem>>
    %dma_start3A_627 = tpu.memref_squeeze %dma_start3A_626 : memref<1x64xf32, #tpu.memory_space<vmem>> -> memref<64xf32, #tpu.memory_space<vmem>>
    %dma_start3A_628 = arith.constant 0 : i32
    %dma_start3A_629 = tpu.memref_slice %arg3[%add3A_623, %reduce_sum3A_621, %dma_start3A_628] : memref<16384x100x64xf32, #tpu.memory_space<hbm>> -> memref<1x1x64xf32, #tpu.memory_space<hbm>>
    %dma_start3A_630 = tpu.memref_squeeze %dma_start3A_629 : memref<1x1x64xf32, #tpu.memory_space<hbm>> -> memref<64xf32, #tpu.memory_space<hbm>>
    %dma_start3A_631 = arith.constant 0 : i32
    %dma_start3A_632 = tpu.memref_slice %arg6[%dma_start3A_624, %dma_start3A_631] : memref<512x64xf32, #tpu.memory_space<vmem>> -> memref<1x64xf32, #tpu.memory_space<vmem>>
    %dma_start3A_633 = tpu.memref_squeeze %dma_start3A_632 : memref<1x64xf32, #tpu.memory_space<vmem>> -> memref<64xf32, #tpu.memory_space<vmem>>
    %dma_start3A_634 = arith.constant 0 : i32
    %dma_start3A_635 = tpu.memref_slice %arg3[%add3A_623, %reduce_sum3A_621, %dma_start3A_634] : memref<16384x100x64xf32, #tpu.memory_space<hbm>> -> memref<1x1x64xf32, #tpu.memory_space<hbm>>
    %dma_start3A_636 = tpu.memref_squeeze %dma_start3A_635 : memref<1x1x64xf32, #tpu.memory_space<hbm>> -> memref<64xf32, #tpu.memory_space<hbm>>
    tpu.enqueue_dma source(%dma_start3A_636 : memref<64xf32, #tpu.memory_space<hbm>>) target(%dma_start3A_633 : memref<64xf32, #tpu.memory_space<vmem>>) target_semaphore(%arg7 : memref<!tpu.dma_semaphore, #tpu.memory_space<semaphore_mem>>)
    %eq3A_637 = arith.constant 9 : i32
    %eq3A_638 = vector.broadcast %eq3A_637 : i32 to vector<16xi32>
    %eq3A_639 = arith.cmpi eq, %iota3A, %eq3A_638 : vector<16xi32>
    %jit3A_640 = arith.constant 0 : i32
    %broadcast_in_dim3A_641 = vector.broadcast %jit3A_640 : i32 to vector<16xi32>
    %select_n3A_642 = arith.select %eq3A_639, %select_n3A_411, %broadcast_in_dim3A_641 : vector<16xi1>, vector<16xi32>
    %reduce_sum3A_643 = arith.constant true
    %reduce_sum3A_644 = vector.broadcast %reduce_sum3A_643 : i1 to vector<16xi1>
    %reduce_sum3A_645 = tpu.scan <sum>, %select_n3A_642 masked %reduce_sum3A_644 : vector<16xi32>, vector<16xi1> -> vector<16xi32>
    %reduce_sum3A_646 = vector.extract %reduce_sum3A_645[15] : i32 from vector<16xi32>
    %add3A_647 = arith.constant 25 : i32
    %add3A_648 = arith.addi %mul3A_2, %add3A_647 : i32
    %dma_start3A_649 = arith.constant 25 : i32
    %dma_start3A_650 = arith.constant 0 : i32
    %dma_start3A_651 = tpu.memref_slice %arg6[%dma_start3A_649, %dma_start3A_650] : memref<512x64xf32, #tpu.memory_space<vmem>> -> memref<1x64xf32, #tpu.memory_space<vmem>>
    %dma_start3A_652 = tpu.memref_squeeze %dma_start3A_651 : memref<1x64xf32, #tpu.memory_space<vmem>> -> memref<64xf32, #tpu.memory_space<vmem>>
    %dma_start3A_653 = arith.constant 0 : i32
    %dma_start3A_654 = tpu.memref_slice %arg3[%add3A_648, %reduce_sum3A_646, %dma_start3A_653] : memref<16384x100x64xf32, #tpu.memory_space<hbm>> -> memref<1x1x64xf32, #tpu.memory_space<hbm>>
    %dma_start3A_655 = tpu.memref_squeeze %dma_start3A_654 : memref<1x1x64xf32, #tpu.memory_space<hbm>> -> memref<64xf32, #tpu.memory_space<hbm>>
    %dma_start3A_656 = arith.constant 0 : i32
    %dma_start3A_657 = tpu.memref_slice %arg6[%dma_start3A_649, %dma_start3A_656] : memref<512x64xf32, #tpu.memory_space<vmem>> -> memref<1x64xf32, #tpu.memory_space<vmem>>
    %dma_start3A_658 = tpu.memref_squeeze %dma_start3A_657 : memref<1x64xf32, #tpu.memory_space<vmem>> -> memref<64xf32, #tpu.memory_space<vmem>>
    %dma_start3A_659 = arith.constant 0 : i32
    %dma_start3A_660 = tpu.memref_slice %arg3[%add3A_648, %reduce_sum3A_646, %dma_start3A_659] : memref<16384x100x64xf32, #tpu.memory_space<hbm>> -> memref<1x1x64xf32, #tpu.memory_space<hbm>>
    %dma_start3A_661 = tpu.memref_squeeze %dma_start3A_660 : memref<1x1x64xf32, #tpu.memory_space<hbm>> -> memref<64xf32, #tpu.memory_space<hbm>>
    tpu.enqueue_dma source(%dma_start3A_661 : memref<64xf32, #tpu.memory_space<hbm>>) target(%dma_start3A_658 : memref<64xf32, #tpu.memory_space<vmem>>) target_semaphore(%arg7 : memref<!tpu.dma_semaphore, #tpu.memory_space<semaphore_mem>>)
    %eq3A_662 = arith.constant 10 : i32
    %eq3A_663 = vector.broadcast %eq3A_662 : i32 to vector<16xi32>
    %eq3A_664 = arith.cmpi eq, %iota3A, %eq3A_663 : vector<16xi32>
    %jit3A_665 = arith.constant 0 : i32
    %broadcast_in_dim3A_666 = vector.broadcast %jit3A_665 : i32 to vector<16xi32>
    %select_n3A_667 = arith.select %eq3A_664, %select_n3A_411, %broadcast_in_dim3A_666 : vector<16xi1>, vector<16xi32>
    %reduce_sum3A_668 = arith.constant true
    %reduce_sum3A_669 = vector.broadcast %reduce_sum3A_668 : i1 to vector<16xi1>
    %reduce_sum3A_670 = tpu.scan <sum>, %select_n3A_667 masked %reduce_sum3A_669 : vector<16xi32>, vector<16xi1> -> vector<16xi32>
    %reduce_sum3A_671 = vector.extract %reduce_sum3A_670[15] : i32 from vector<16xi32>
    %add3A_672 = arith.constant 26 : i32
    %add3A_673 = arith.addi %mul3A_2, %add3A_672 : i32
    %dma_start3A_674 = arith.constant 26 : i32
    %dma_start3A_675 = arith.constant 0 : i32
    %dma_start3A_676 = tpu.memref_slice %arg6[%dma_start3A_674, %dma_start3A_675] : memref<512x64xf32, #tpu.memory_space<vmem>> -> memref<1x64xf32, #tpu.memory_space<vmem>>
    %dma_start3A_677 = tpu.memref_squeeze %dma_start3A_676 : memref<1x64xf32, #tpu.memory_space<vmem>> -> memref<64xf32, #tpu.memory_space<vmem>>
    %dma_start3A_678 = arith.constant 0 : i32
    %dma_start3A_679 = tpu.memref_slice %arg3[%add3A_673, %reduce_sum3A_671, %dma_start3A_678] : memref<16384x100x64xf32, #tpu.memory_space<hbm>> -> memref<1x1x64xf32, #tpu.memory_space<hbm>>
    %dma_start3A_680 = tpu.memref_squeeze %dma_start3A_679 : memref<1x1x64xf32, #tpu.memory_space<hbm>> -> memref<64xf32, #tpu.memory_space<hbm>>
    %dma_start3A_681 = arith.constant 0 : i32
    %dma_start3A_682 = tpu.memref_slice %arg6[%dma_start3A_674, %dma_start3A_681] : memref<512x64xf32, #tpu.memory_space<vmem>> -> memref<1x64xf32, #tpu.memory_space<vmem>>
    %dma_start3A_683 = tpu.memref_squeeze %dma_start3A_682 : memref<1x64xf32, #tpu.memory_space<vmem>> -> memref<64xf32, #tpu.memory_space<vmem>>
    %dma_start3A_684 = arith.constant 0 : i32
    %dma_start3A_685 = tpu.memref_slice %arg3[%add3A_673, %reduce_sum3A_671, %dma_start3A_684] : memref<16384x100x64xf32, #tpu.memory_space<hbm>> -> memref<1x1x64xf32, #tpu.memory_space<hbm>>
    %dma_start3A_686 = tpu.memref_squeeze %dma_start3A_685 : memref<1x1x64xf32, #tpu.memory_space<hbm>> -> memref<64xf32, #tpu.memory_space<hbm>>
    tpu.enqueue_dma source(%dma_start3A_686 : memref<64xf32, #tpu.memory_space<hbm>>) target(%dma_start3A_683 : memref<64xf32, #tpu.memory_space<vmem>>) target_semaphore(%arg7 : memref<!tpu.dma_semaphore, #tpu.memory_space<semaphore_mem>>)
    %eq3A_687 = arith.constant 11 : i32
    %eq3A_688 = vector.broadcast %eq3A_687 : i32 to vector<16xi32>
    %eq3A_689 = arith.cmpi eq, %iota3A, %eq3A_688 : vector<16xi32>
    %jit3A_690 = arith.constant 0 : i32
    %broadcast_in_dim3A_691 = vector.broadcast %jit3A_690 : i32 to vector<16xi32>
    %select_n3A_692 = arith.select %eq3A_689, %select_n3A_411, %broadcast_in_dim3A_691 : vector<16xi1>, vector<16xi32>
    %reduce_sum3A_693 = arith.constant true
    %reduce_sum3A_694 = vector.broadcast %reduce_sum3A_693 : i1 to vector<16xi1>
    %reduce_sum3A_695 = tpu.scan <sum>, %select_n3A_692 masked %reduce_sum3A_694 : vector<16xi32>, vector<16xi1> -> vector<16xi32>
    %reduce_sum3A_696 = vector.extract %reduce_sum3A_695[15] : i32 from vector<16xi32>
    %add3A_697 = arith.constant 27 : i32
    %add3A_698 = arith.addi %mul3A_2, %add3A_697 : i32
    %dma_start3A_699 = arith.constant 27 : i32
    %dma_start3A_700 = arith.constant 0 : i32
    %dma_start3A_701 = tpu.memref_slice %arg6[%dma_start3A_699, %dma_start3A_700] : memref<512x64xf32, #tpu.memory_space<vmem>> -> memref<1x64xf32, #tpu.memory_space<vmem>>
    %dma_start3A_702 = tpu.memref_squeeze %dma_start3A_701 : memref<1x64xf32, #tpu.memory_space<vmem>> -> memref<64xf32, #tpu.memory_space<vmem>>
    %dma_start3A_703 = arith.constant 0 : i32
    %dma_start3A_704 = tpu.memref_slice %arg3[%add3A_698, %reduce_sum3A_696, %dma_start3A_703] : memref<16384x100x64xf32, #tpu.memory_space<hbm>> -> memref<1x1x64xf32, #tpu.memory_space<hbm>>
    %dma_start3A_705 = tpu.memref_squeeze %dma_start3A_704 : memref<1x1x64xf32, #tpu.memory_space<hbm>> -> memref<64xf32, #tpu.memory_space<hbm>>
    %dma_start3A_706 = arith.constant 0 : i32
    %dma_start3A_707 = tpu.memref_slice %arg6[%dma_start3A_699, %dma_start3A_706] : memref<512x64xf32, #tpu.memory_space<vmem>> -> memref<1x64xf32, #tpu.memory_space<vmem>>
    %dma_start3A_708 = tpu.memref_squeeze %dma_start3A_707 : memref<1x64xf32, #tpu.memory_space<vmem>> -> memref<64xf32, #tpu.memory_space<vmem>>
    %dma_start3A_709 = arith.constant 0 : i32
    %dma_start3A_710 = tpu.memref_slice %arg3[%add3A_698, %reduce_sum3A_696, %dma_start3A_709] : memref<16384x100x64xf32, #tpu.memory_space<hbm>> -> memref<1x1x64xf32, #tpu.memory_space<hbm>>
    %dma_start3A_711 = tpu.memref_squeeze %dma_start3A_710 : memref<1x1x64xf32, #tpu.memory_space<hbm>> -> memref<64xf32, #tpu.memory_space<hbm>>
    tpu.enqueue_dma source(%dma_start3A_711 : memref<64xf32, #tpu.memory_space<hbm>>) target(%dma_start3A_708 : memref<64xf32, #tpu.memory_space<vmem>>) target_semaphore(%arg7 : memref<!tpu.dma_semaphore, #tpu.memory_space<semaphore_mem>>)
    %eq3A_712 = arith.constant 12 : i32
    %eq3A_713 = vector.broadcast %eq3A_712 : i32 to vector<16xi32>
    %eq3A_714 = arith.cmpi eq, %iota3A, %eq3A_713 : vector<16xi32>
    %jit3A_715 = arith.constant 0 : i32
    %broadcast_in_dim3A_716 = vector.broadcast %jit3A_715 : i32 to vector<16xi32>
    %select_n3A_717 = arith.select %eq3A_714, %select_n3A_411, %broadcast_in_dim3A_716 : vector<16xi1>, vector<16xi32>
    %reduce_sum3A_718 = arith.constant true
    %reduce_sum3A_719 = vector.broadcast %reduce_sum3A_718 : i1 to vector<16xi1>
    %reduce_sum3A_720 = tpu.scan <sum>, %select_n3A_717 masked %reduce_sum3A_719 : vector<16xi32>, vector<16xi1> -> vector<16xi32>
    %reduce_sum3A_721 = vector.extract %reduce_sum3A_720[15] : i32 from vector<16xi32>
    %add3A_722 = arith.constant 28 : i32
    %add3A_723 = arith.addi %mul3A_2, %add3A_722 : i32
    %dma_start3A_724 = arith.constant 28 : i32
    %dma_start3A_725 = arith.constant 0 : i32
    %dma_start3A_726 = tpu.memref_slice %arg6[%dma_start3A_724, %dma_start3A_725] : memref<512x64xf32, #tpu.memory_space<vmem>> -> memref<1x64xf32, #tpu.memory_space<vmem>>
    %dma_start3A_727 = tpu.memref_squeeze %dma_start3A_726 : memref<1x64xf32, #tpu.memory_space<vmem>> -> memref<64xf32, #tpu.memory_space<vmem>>
    %dma_start3A_728 = arith.constant 0 : i32
    %dma_start3A_729 = tpu.memref_slice %arg3[%add3A_723, %reduce_sum3A_721, %dma_start3A_728] : memref<16384x100x64xf32, #tpu.memory_space<hbm>> -> memref<1x1x64xf32, #tpu.memory_space<hbm>>
    %dma_start3A_730 = tpu.memref_squeeze %dma_start3A_729 : memref<1x1x64xf32, #tpu.memory_space<hbm>> -> memref<64xf32, #tpu.memory_space<hbm>>
    %dma_start3A_731 = arith.constant 0 : i32
    %dma_start3A_732 = tpu.memref_slice %arg6[%dma_start3A_724, %dma_start3A_731] : memref<512x64xf32, #tpu.memory_space<vmem>> -> memref<1x64xf32, #tpu.memory_space<vmem>>
    %dma_start3A_733 = tpu.memref_squeeze %dma_start3A_732 : memref<1x64xf32, #tpu.memory_space<vmem>> -> memref<64xf32, #tpu.memory_space<vmem>>
    %dma_start3A_734 = arith.constant 0 : i32
    %dma_start3A_735 = tpu.memref_slice %arg3[%add3A_723, %reduce_sum3A_721, %dma_start3A_734] : memref<16384x100x64xf32, #tpu.memory_space<hbm>> -> memref<1x1x64xf32, #tpu.memory_space<hbm>>
    %dma_start3A_736 = tpu.memref_squeeze %dma_start3A_735 : memref<1x1x64xf32, #tpu.memory_space<hbm>> -> memref<64xf32, #tpu.memory_space<hbm>>
    tpu.enqueue_dma source(%dma_start3A_736 : memref<64xf32, #tpu.memory_space<hbm>>) target(%dma_start3A_733 : memref<64xf32, #tpu.memory_space<vmem>>) target_semaphore(%arg7 : memref<!tpu.dma_semaphore, #tpu.memory_space<semaphore_mem>>)
    %eq3A_737 = arith.constant 13 : i32
    %eq3A_738 = vector.broadcast %eq3A_737 : i32 to vector<16xi32>
    %eq3A_739 = arith.cmpi eq, %iota3A, %eq3A_738 : vector<16xi32>
    %jit3A_740 = arith.constant 0 : i32
    %broadcast_in_dim3A_741 = vector.broadcast %jit3A_740 : i32 to vector<16xi32>
    %select_n3A_742 = arith.select %eq3A_739, %select_n3A_411, %broadcast_in_dim3A_741 : vector<16xi1>, vector<16xi32>
    %reduce_sum3A_743 = arith.constant true
    %reduce_sum3A_744 = vector.broadcast %reduce_sum3A_743 : i1 to vector<16xi1>
    %reduce_sum3A_745 = tpu.scan <sum>, %select_n3A_742 masked %reduce_sum3A_744 : vector<16xi32>, vector<16xi1> -> vector<16xi32>
    %reduce_sum3A_746 = vector.extract %reduce_sum3A_745[15] : i32 from vector<16xi32>
    %add3A_747 = arith.constant 29 : i32
    %add3A_748 = arith.addi %mul3A_2, %add3A_747 : i32
    %dma_start3A_749 = arith.constant 29 : i32
    %dma_start3A_750 = arith.constant 0 : i32
    %dma_start3A_751 = tpu.memref_slice %arg6[%dma_start3A_749, %dma_start3A_750] : memref<512x64xf32, #tpu.memory_space<vmem>> -> memref<1x64xf32, #tpu.memory_space<vmem>>
    %dma_start3A_752 = tpu.memref_squeeze %dma_start3A_751 : memref<1x64xf32, #tpu.memory_space<vmem>> -> memref<64xf32, #tpu.memory_space<vmem>>
    %dma_start3A_753 = arith.constant 0 : i32
    %dma_start3A_754 = tpu.memref_slice %arg3[%add3A_748, %reduce_sum3A_746, %dma_start3A_753] : memref<16384x100x64xf32, #tpu.memory_space<hbm>> -> memref<1x1x64xf32, #tpu.memory_space<hbm>>
    %dma_start3A_755 = tpu.memref_squeeze %dma_start3A_754 : memref<1x1x64xf32, #tpu.memory_space<hbm>> -> memref<64xf32, #tpu.memory_space<hbm>>
    %dma_start3A_756 = arith.constant 0 : i32
    %dma_start3A_757 = tpu.memref_slice %arg6[%dma_start3A_749, %dma_start3A_756] : memref<512x64xf32, #tpu.memory_space<vmem>> -> memref<1x64xf32, #tpu.memory_space<vmem>>
    %dma_start3A_758 = tpu.memref_squeeze %dma_start3A_757 : memref<1x64xf32, #tpu.memory_space<vmem>> -> memref<64xf32, #tpu.memory_space<vmem>>
    %dma_start3A_759 = arith.constant 0 : i32
    %dma_start3A_760 = tpu.memref_slice %arg3[%add3A_748, %reduce_sum3A_746, %dma_start3A_759] : memref<16384x100x64xf32, #tpu.memory_space<hbm>> -> memref<1x1x64xf32, #tpu.memory_space<hbm>>
    %dma_start3A_761 = tpu.memref_squeeze %dma_start3A_760 : memref<1x1x64xf32, #tpu.memory_space<hbm>> -> memref<64xf32, #tpu.memory_space<hbm>>
    tpu.enqueue_dma source(%dma_start3A_761 : memref<64xf32, #tpu.memory_space<hbm>>) target(%dma_start3A_758 : memref<64xf32, #tpu.memory_space<vmem>>) target_semaphore(%arg7 : memref<!tpu.dma_semaphore, #tpu.memory_space<semaphore_mem>>)
    %eq3A_762 = arith.constant 14 : i32
    %eq3A_763 = vector.broadcast %eq3A_762 : i32 to vector<16xi32>
    %eq3A_764 = arith.cmpi eq, %iota3A, %eq3A_763 : vector<16xi32>
    %jit3A_765 = arith.constant 0 : i32
    %broadcast_in_dim3A_766 = vector.broadcast %jit3A_765 : i32 to vector<16xi32>
    %select_n3A_767 = arith.select %eq3A_764, %select_n3A_411, %broadcast_in_dim3A_766 : vector<16xi1>, vector<16xi32>
    %reduce_sum3A_768 = arith.constant true
    %reduce_sum3A_769 = vector.broadcast %reduce_sum3A_768 : i1 to vector<16xi1>
    %reduce_sum3A_770 = tpu.scan <sum>, %select_n3A_767 masked %reduce_sum3A_769 : vector<16xi32>, vector<16xi1> -> vector<16xi32>
    %reduce_sum3A_771 = vector.extract %reduce_sum3A_770[15] : i32 from vector<16xi32>
    %add3A_772 = arith.constant 30 : i32
    %add3A_773 = arith.addi %mul3A_2, %add3A_772 : i32
    %dma_start3A_774 = arith.constant 30 : i32
    %dma_start3A_775 = arith.constant 0 : i32
    %dma_start3A_776 = tpu.memref_slice %arg6[%dma_start3A_774, %dma_start3A_775] : memref<512x64xf32, #tpu.memory_space<vmem>> -> memref<1x64xf32, #tpu.memory_space<vmem>>
    %dma_start3A_777 = tpu.memref_squeeze %dma_start3A_776 : memref<1x64xf32, #tpu.memory_space<vmem>> -> memref<64xf32, #tpu.memory_space<vmem>>
    %dma_start3A_778 = arith.constant 0 : i32
    %dma_start3A_779 = tpu.memref_slice %arg3[%add3A_773, %reduce_sum3A_771, %dma_start3A_778] : memref<16384x100x64xf32, #tpu.memory_space<hbm>> -> memref<1x1x64xf32, #tpu.memory_space<hbm>>
    %dma_start3A_780 = tpu.memref_squeeze %dma_start3A_779 : memref<1x1x64xf32, #tpu.memory_space<hbm>> -> memref<64xf32, #tpu.memory_space<hbm>>
    %dma_start3A_781 = arith.constant 0 : i32
    %dma_start3A_782 = tpu.memref_slice %arg6[%dma_start3A_774, %dma_start3A_781] : memref<512x64xf32, #tpu.memory_space<vmem>> -> memref<1x64xf32, #tpu.memory_space<vmem>>
    %dma_start3A_783 = tpu.memref_squeeze %dma_start3A_782 : memref<1x64xf32, #tpu.memory_space<vmem>> -> memref<64xf32, #tpu.memory_space<vmem>>
    %dma_start3A_784 = arith.constant 0 : i32
    %dma_start3A_785 = tpu.memref_slice %arg3[%add3A_773, %reduce_sum3A_771, %dma_start3A_784] : memref<16384x100x64xf32, #tpu.memory_space<hbm>> -> memref<1x1x64xf32, #tpu.memory_space<hbm>>
    %dma_start3A_786 = tpu.memref_squeeze %dma_start3A_785 : memref<1x1x64xf32, #tpu.memory_space<hbm>> -> memref<64xf32, #tpu.memory_space<hbm>>
    tpu.enqueue_dma source(%dma_start3A_786 : memref<64xf32, #tpu.memory_space<hbm>>) target(%dma_start3A_783 : memref<64xf32, #tpu.memory_space<vmem>>) target_semaphore(%arg7 : memref<!tpu.dma_semaphore, #tpu.memory_space<semaphore_mem>>)
    %eq3A_787 = arith.constant 15 : i32
    %eq3A_788 = vector.broadcast %eq3A_787 : i32 to vector<16xi32>
    %eq3A_789 = arith.cmpi eq, %iota3A, %eq3A_788 : vector<16xi32>
    %jit3A_790 = arith.constant 0 : i32
    %broadcast_in_dim3A_791 = vector.broadcast %jit3A_790 : i32 to vector<16xi32>
    %select_n3A_792 = arith.select %eq3A_789, %select_n3A_411, %broadcast_in_dim3A_791 : vector<16xi1>, vector<16xi32>
    %reduce_sum3A_793 = arith.constant true
    %reduce_sum3A_794 = vector.broadcast %reduce_sum3A_793 : i1 to vector<16xi1>
    %reduce_sum3A_795 = tpu.scan <sum>, %select_n3A_792 masked %reduce_sum3A_794 : vector<16xi32>, vector<16xi1> -> vector<16xi32>
    %reduce_sum3A_796 = vector.extract %reduce_sum3A_795[15] : i32 from vector<16xi32>
    %add3A_797 = arith.constant 31 : i32
    %add3A_798 = arith.addi %mul3A_2, %add3A_797 : i32
    %dma_start3A_799 = arith.constant 31 : i32
    %dma_start3A_800 = arith.constant 0 : i32
    %dma_start3A_801 = tpu.memref_slice %arg6[%dma_start3A_799, %dma_start3A_800] : memref<512x64xf32, #tpu.memory_space<vmem>> -> memref<1x64xf32, #tpu.memory_space<vmem>>
    %dma_start3A_802 = tpu.memref_squeeze %dma_start3A_801 : memref<1x64xf32, #tpu.memory_space<vmem>> -> memref<64xf32, #tpu.memory_space<vmem>>
    %dma_start3A_803 = arith.constant 0 : i32
    %dma_start3A_804 = tpu.memref_slice %arg3[%add3A_798, %reduce_sum3A_796, %dma_start3A_803] : memref<16384x100x64xf32, #tpu.memory_space<hbm>> -> memref<1x1x64xf32, #tpu.memory_space<hbm>>
    %dma_start3A_805 = tpu.memref_squeeze %dma_start3A_804 : memref<1x1x64xf32, #tpu.memory_space<hbm>> -> memref<64xf32, #tpu.memory_space<hbm>>
    %dma_start3A_806 = arith.constant 0 : i32
    %dma_start3A_807 = tpu.memref_slice %arg6[%dma_start3A_799, %dma_start3A_806] : memref<512x64xf32, #tpu.memory_space<vmem>> -> memref<1x64xf32, #tpu.memory_space<vmem>>
    %dma_start3A_808 = tpu.memref_squeeze %dma_start3A_807 : memref<1x64xf32, #tpu.memory_space<vmem>> -> memref<64xf32, #tpu.memory_space<vmem>>
    %dma_start3A_809 = arith.constant 0 : i32
    %dma_start3A_810 = tpu.memref_slice %arg3[%add3A_798, %reduce_sum3A_796, %dma_start3A_809] : memref<16384x100x64xf32, #tpu.memory_space<hbm>> -> memref<1x1x64xf32, #tpu.memory_space<hbm>>
    %dma_start3A_811 = tpu.memref_squeeze %dma_start3A_810 : memref<1x1x64xf32, #tpu.memory_space<hbm>> -> memref<64xf32, #tpu.memory_space<hbm>>
    tpu.enqueue_dma source(%dma_start3A_811 : memref<64xf32, #tpu.memory_space<hbm>>) target(%dma_start3A_808 : memref<64xf32, #tpu.memory_space<vmem>>) target_semaphore(%arg7 : memref<!tpu.dma_semaphore, #tpu.memory_space<semaphore_mem>>)
    %scan3A = arith.constant 0 : i32
    %scan3A_812 = arith.constant 2 : i32
    %scan3A_813 = arith.constant 30 : i32
    %scan3A_814 = arith.addi %scan3A_812, %scan3A_813 : i32
    %scan3A_815 = arith.constant 1 : i32
    scf.for %scan3A_1264 = %scan3A_812 to %scan3A_814 step %scan3A_815  : i32 {
      %mul3A_1265 = arith.constant 16 : i32
      %mul3A_1266 = arith.muli %scan3A_1264, %mul3A_1265 : i32
      %get3A_1267 = arith.index_cast %mul3A_1266 : i32 to index
      %get3A_1268 = tpu.vector_load %arg5[%get3A_1267] {strides = array<i32>} : memref<512xi32, #tpu.memory_space<vmem>>, vector<16xi32>,
      %eq3A_1269 = arith.constant 100 : i32
      %eq3A_1270 = vector.broadcast %eq3A_1269 : i32 to vector<16xi32>
      %eq3A_1271 = arith.cmpi eq, %get3A_1268, %eq3A_1270 : vector<16xi32>
      %jit3A_1272 = arith.constant 0 : i32
      %broadcast_in_dim3A_1273 = vector.broadcast %jit3A_1272 : i32 to vector<16xi32>
      %select_n3A_1274 = arith.select %eq3A_1271, %broadcast_in_dim3A_1273, %get3A_1268 : vector<16xi1>, vector<16xi32>
      %eq3A_1275 = arith.constant 0 : i32
      %eq3A_1276 = vector.broadcast %eq3A_1275 : i32 to vector<16xi32>
      %eq3A_1277 = arith.cmpi eq, %iota3A, %eq3A_1276 : vector<16xi32>
      %jit3A_1278 = arith.constant 0 : i32
      %broadcast_in_dim3A_1279 = vector.broadcast %jit3A_1278 : i32 to vector<16xi32>
      %select_n3A_1280 = arith.select %eq3A_1277, %select_n3A_1274, %broadcast_in_dim3A_1279 : vector<16xi1>, vector<16xi32>
      %reduce_sum3A_1281 = arith.constant true
      %reduce_sum3A_1282 = vector.broadcast %reduce_sum3A_1281 : i1 to vector<16xi1>
      %reduce_sum3A_1283 = tpu.scan <sum>, %select_n3A_1280 masked %reduce_sum3A_1282 : vector<16xi32>, vector<16xi1> -> vector<16xi32>
      %reduce_sum3A_1284 = vector.extract %reduce_sum3A_1283[15] : i32 from vector<16xi32>
      %mul3A_1285 = arith.constant 16 : i32
      %mul3A_1286 = arith.muli %scan3A_1264, %mul3A_1285 : i32
      %add3A_1287 = arith.constant 0 : i32
      %add3A_1288 = arith.addi %mul3A_1286, %add3A_1287 : i32
      %add3A_1289 = arith.addi %mul3A_2, %add3A_1288 : i32
      %dma_start3A_1290 = arith.constant 0 : i32
      %dma_start3A_1291 = tpu.memref_slice %arg6[%add3A_1288, %dma_start3A_1290] : memref<512x64xf32, #tpu.memory_space<vmem>> -> memref<1x64xf32, #tpu.memory_space<vmem>>
      %dma_start3A_1292 = tpu.memref_squeeze %dma_start3A_1291 : memref<1x64xf32, #tpu.memory_space<vmem>> -> memref<64xf32, #tpu.memory_space<vmem>>
      %dma_start3A_1293 = arith.constant 0 : i32
      %dma_start3A_1294 = tpu.memref_slice %arg3[%add3A_1289, %reduce_sum3A_1284, %dma_start3A_1293] : memref<16384x100x64xf32, #tpu.memory_space<hbm>> -> memref<1x1x64xf32, #tpu.memory_space<hbm>>
      %dma_start3A_1295 = tpu.memref_squeeze %dma_start3A_1294 : memref<1x1x64xf32, #tpu.memory_space<hbm>> -> memref<64xf32, #tpu.memory_space<hbm>>
      %dma_start3A_1296 = arith.constant 0 : i32
      %dma_start3A_1297 = tpu.memref_slice %arg6[%add3A_1288, %dma_start3A_1296] : memref<512x64xf32, #tpu.memory_space<vmem>> -> memref<1x64xf32, #tpu.memory_space<vmem>>
      %dma_start3A_1298 = tpu.memref_squeeze %dma_start3A_1297 : memref<1x64xf32, #tpu.memory_space<vmem>> -> memref<64xf32, #tpu.memory_space<vmem>>
      %dma_start3A_1299 = arith.constant 0 : i32
      %dma_start3A_1300 = tpu.memref_slice %arg3[%add3A_1289, %reduce_sum3A_1284, %dma_start3A_1299] : memref<16384x100x64xf32, #tpu.memory_space<hbm>> -> memref<1x1x64xf32, #tpu.memory_space<hbm>>
      %dma_start3A_1301 = tpu.memref_squeeze %dma_start3A_1300 : memref<1x1x64xf32, #tpu.memory_space<hbm>> -> memref<64xf32, #tpu.memory_space<hbm>>
      tpu.enqueue_dma source(%dma_start3A_1301 : memref<64xf32, #tpu.memory_space<hbm>>) target(%dma_start3A_1298 : memref<64xf32, #tpu.memory_space<vmem>>) target_semaphore(%arg7 : memref<!tpu.dma_semaphore, #tpu.memory_space<semaphore_mem>>)
      %eq3A_1302 = arith.constant 1 : i32
      %eq3A_1303 = vector.broadcast %eq3A_1302 : i32 to vector<16xi32>
      %eq3A_1304 = arith.cmpi eq, %iota3A, %eq3A_1303 : vector<16xi32>
      %jit3A_1305 = arith.constant 0 : i32
      %broadcast_in_dim3A_1306 = vector.broadcast %jit3A_1305 : i32 to vector<16xi32>
      %select_n3A_1307 = arith.select %eq3A_1304, %select_n3A_1274, %broadcast_in_dim3A_1306 : vector<16xi1>, vector<16xi32>
      %reduce_sum3A_1308 = arith.constant true
      %reduce_sum3A_1309 = vector.broadcast %reduce_sum3A_1308 : i1 to vector<16xi1>
      %reduce_sum3A_1310 = tpu.scan <sum>, %select_n3A_1307 masked %reduce_sum3A_1309 : vector<16xi32>, vector<16xi1> -> vector<16xi32>
      %reduce_sum3A_1311 = vector.extract %reduce_sum3A_1310[15] : i32 from vector<16xi32>
      %mul3A_1312 = arith.constant 16 : i32
      %mul3A_1313 = arith.muli %scan3A_1264, %mul3A_1312 : i32
      %add3A_1314 = arith.constant 1 : i32
      %add3A_1315 = arith.addi %mul3A_1313, %add3A_1314 : i32
      %add3A_1316 = arith.addi %mul3A_2, %add3A_1315 : i32
      %dma_start3A_1317 = arith.constant 0 : i32
      %dma_start3A_1318 = tpu.memref_slice %arg6[%add3A_1315, %dma_start3A_1317] : memref<512x64xf32, #tpu.memory_space<vmem>> -> memref<1x64xf32, #tpu.memory_space<vmem>>
      %dma_start3A_1319 = tpu.memref_squeeze %dma_start3A_1318 : memref<1x64xf32, #tpu.memory_space<vmem>> -> memref<64xf32, #tpu.memory_space<vmem>>
      %dma_start3A_1320 = arith.constant 0 : i32
      %dma_start3A_1321 = tpu.memref_slice %arg3[%add3A_1316, %reduce_sum3A_1311, %dma_start3A_1320] : memref<16384x100x64xf32, #tpu.memory_space<hbm>> -> memref<1x1x64xf32, #tpu.memory_space<hbm>>
      %dma_start3A_1322 = tpu.memref_squeeze %dma_start3A_1321 : memref<1x1x64xf32, #tpu.memory_space<hbm>> -> memref<64xf32, #tpu.memory_space<hbm>>
      %dma_start3A_1323 = arith.constant 0 : i32
      %dma_start3A_1324 = tpu.memref_slice %arg6[%add3A_1315, %dma_start3A_1323] : memref<512x64xf32, #tpu.memory_space<vmem>> -> memref<1x64xf32, #tpu.memory_space<vmem>>
      %dma_start3A_1325 = tpu.memref_squeeze %dma_start3A_1324 : memref<1x64xf32, #tpu.memory_space<vmem>> -> memref<64xf32, #tpu.memory_space<vmem>>
      %dma_start3A_1326 = arith.constant 0 : i32
      %dma_start3A_1327 = tpu.memref_slice %arg3[%add3A_1316, %reduce_sum3A_1311, %dma_start3A_1326] : memref<16384x100x64xf32, #tpu.memory_space<hbm>> -> memref<1x1x64xf32, #tpu.memory_space<hbm>>
      %dma_start3A_1328 = tpu.memref_squeeze %dma_start3A_1327 : memref<1x1x64xf32, #tpu.memory_space<hbm>> -> memref<64xf32, #tpu.memory_space<hbm>>
      tpu.enqueue_dma source(%dma_start3A_1328 : memref<64xf32, #tpu.memory_space<hbm>>) target(%dma_start3A_1325 : memref<64xf32, #tpu.memory_space<vmem>>) target_semaphore(%arg7 : memref<!tpu.dma_semaphore, #tpu.memory_space<semaphore_mem>>)
      %eq3A_1329 = arith.constant 2 : i32
      %eq3A_1330 = vector.broadcast %eq3A_1329 : i32 to vector<16xi32>
      %eq3A_1331 = arith.cmpi eq, %iota3A, %eq3A_1330 : vector<16xi32>
      %jit3A_1332 = arith.constant 0 : i32
      %broadcast_in_dim3A_1333 = vector.broadcast %jit3A_1332 : i32 to vector<16xi32>
      %select_n3A_1334 = arith.select %eq3A_1331, %select_n3A_1274, %broadcast_in_dim3A_1333 : vector<16xi1>, vector<16xi32>
      %reduce_sum3A_1335 = arith.constant true
      %reduce_sum3A_1336 = vector.broadcast %reduce_sum3A_1335 : i1 to vector<16xi1>
      %reduce_sum3A_1337 = tpu.scan <sum>, %select_n3A_1334 masked %reduce_sum3A_1336 : vector<16xi32>, vector<16xi1> -> vector<16xi32>
      %reduce_sum3A_1338 = vector.extract %reduce_sum3A_1337[15] : i32 from vector<16xi32>
      %mul3A_1339 = arith.constant 16 : i32
      %mul3A_1340 = arith.muli %scan3A_1264, %mul3A_1339 : i32
      %add3A_1341 = arith.constant 2 : i32
      %add3A_1342 = arith.addi %mul3A_1340, %add3A_1341 : i32
      %add3A_1343 = arith.addi %mul3A_2, %add3A_1342 : i32
      %dma_start3A_1344 = arith.constant 0 : i32
      %dma_start3A_1345 = tpu.memref_slice %arg6[%add3A_1342, %dma_start3A_1344] : memref<512x64xf32, #tpu.memory_space<vmem>> -> memref<1x64xf32, #tpu.memory_space<vmem>>
      %dma_start3A_1346 = tpu.memref_squeeze %dma_start3A_1345 : memref<1x64xf32, #tpu.memory_space<vmem>> -> memref<64xf32, #tpu.memory_space<vmem>>
      %dma_start3A_1347 = arith.constant 0 : i32
      %dma_start3A_1348 = tpu.memref_slice %arg3[%add3A_1343, %reduce_sum3A_1338, %dma_start3A_1347] : memref<16384x100x64xf32, #tpu.memory_space<hbm>> -> memref<1x1x64xf32, #tpu.memory_space<hbm>>
      %dma_start3A_1349 = tpu.memref_squeeze %dma_start3A_1348 : memref<1x1x64xf32, #tpu.memory_space<hbm>> -> memref<64xf32, #tpu.memory_space<hbm>>
      %dma_start3A_1350 = arith.constant 0 : i32
      %dma_start3A_1351 = tpu.memref_slice %arg6[%add3A_1342, %dma_start3A_1350] : memref<512x64xf32, #tpu.memory_space<vmem>> -> memref<1x64xf32, #tpu.memory_space<vmem>>
      %dma_start3A_1352 = tpu.memref_squeeze %dma_start3A_1351 : memref<1x64xf32, #tpu.memory_space<vmem>> -> memref<64xf32, #tpu.memory_space<vmem>>
      %dma_start3A_1353 = arith.constant 0 : i32
      %dma_start3A_1354 = tpu.memref_slice %arg3[%add3A_1343, %reduce_sum3A_1338, %dma_start3A_1353] : memref<16384x100x64xf32, #tpu.memory_space<hbm>> -> memref<1x1x64xf32, #tpu.memory_space<hbm>>
      %dma_start3A_1355 = tpu.memref_squeeze %dma_start3A_1354 : memref<1x1x64xf32, #tpu.memory_space<hbm>> -> memref<64xf32, #tpu.memory_space<hbm>>
      tpu.enqueue_dma source(%dma_start3A_1355 : memref<64xf32, #tpu.memory_space<hbm>>) target(%dma_start3A_1352 : memref<64xf32, #tpu.memory_space<vmem>>) target_semaphore(%arg7 : memref<!tpu.dma_semaphore, #tpu.memory_space<semaphore_mem>>)
      %eq3A_1356 = arith.constant 3 : i32
      %eq3A_1357 = vector.broadcast %eq3A_1356 : i32 to vector<16xi32>
      %eq3A_1358 = arith.cmpi eq, %iota3A, %eq3A_1357 : vector<16xi32>
      %jit3A_1359 = arith.constant 0 : i32
      %broadcast_in_dim3A_1360 = vector.broadcast %jit3A_1359 : i32 to vector<16xi32>
      %select_n3A_1361 = arith.select %eq3A_1358, %select_n3A_1274, %broadcast_in_dim3A_1360 : vector<16xi1>, vector<16xi32>
      %reduce_sum3A_1362 = arith.constant true
      %reduce_sum3A_1363 = vector.broadcast %reduce_sum3A_1362 : i1 to vector<16xi1>
      %reduce_sum3A_1364 = tpu.scan <sum>, %select_n3A_1361 masked %reduce_sum3A_1363 : vector<16xi32>, vector<16xi1> -> vector<16xi32>
      %reduce_sum3A_1365 = vector.extract %reduce_sum3A_1364[15] : i32 from vector<16xi32>
      %mul3A_1366 = arith.constant 16 : i32
      %mul3A_1367 = arith.muli %scan3A_1264, %mul3A_1366 : i32
      %add3A_1368 = arith.constant 3 : i32
      %add3A_1369 = arith.addi %mul3A_1367, %add3A_1368 : i32
      %add3A_1370 = arith.addi %mul3A_2, %add3A_1369 : i32
      %dma_start3A_1371 = arith.constant 0 : i32
      %dma_start3A_1372 = tpu.memref_slice %arg6[%add3A_1369, %dma_start3A_1371] : memref<512x64xf32, #tpu.memory_space<vmem>> -> memref<1x64xf32, #tpu.memory_space<vmem>>
      %dma_start3A_1373 = tpu.memref_squeeze %dma_start3A_1372 : memref<1x64xf32, #tpu.memory_space<vmem>> -> memref<64xf32, #tpu.memory_space<vmem>>
      %dma_start3A_1374 = arith.constant 0 : i32
      %dma_start3A_1375 = tpu.memref_slice %arg3[%add3A_1370, %reduce_sum3A_1365, %dma_start3A_1374] : memref<16384x100x64xf32, #tpu.memory_space<hbm>> -> memref<1x1x64xf32, #tpu.memory_space<hbm>>
      %dma_start3A_1376 = tpu.memref_squeeze %dma_start3A_1375 : memref<1x1x64xf32, #tpu.memory_space<hbm>> -> memref<64xf32, #tpu.memory_space<hbm>>
      %dma_start3A_1377 = arith.constant 0 : i32
      %dma_start3A_1378 = tpu.memref_slice %arg6[%add3A_1369, %dma_start3A_1377] : memref<512x64xf32, #tpu.memory_space<vmem>> -> memref<1x64xf32, #tpu.memory_space<vmem>>
      %dma_start3A_1379 = tpu.memref_squeeze %dma_start3A_1378 : memref<1x64xf32, #tpu.memory_space<vmem>> -> memref<64xf32, #tpu.memory_space<vmem>>
      %dma_start3A_1380 = arith.constant 0 : i32
      %dma_start3A_1381 = tpu.memref_slice %arg3[%add3A_1370, %reduce_sum3A_1365, %dma_start3A_1380] : memref<16384x100x64xf32, #tpu.memory_space<hbm>> -> memref<1x1x64xf32, #tpu.memory_space<hbm>>
      %dma_start3A_1382 = tpu.memref_squeeze %dma_start3A_1381 : memref<1x1x64xf32, #tpu.memory_space<hbm>> -> memref<64xf32, #tpu.memory_space<hbm>>
      tpu.enqueue_dma source(%dma_start3A_1382 : memref<64xf32, #tpu.memory_space<hbm>>) target(%dma_start3A_1379 : memref<64xf32, #tpu.memory_space<vmem>>) target_semaphore(%arg7 : memref<!tpu.dma_semaphore, #tpu.memory_space<semaphore_mem>>)
      %eq3A_1383 = arith.constant 4 : i32
      %eq3A_1384 = vector.broadcast %eq3A_1383 : i32 to vector<16xi32>
      %eq3A_1385 = arith.cmpi eq, %iota3A, %eq3A_1384 : vector<16xi32>
      %jit3A_1386 = arith.constant 0 : i32
      %broadcast_in_dim3A_1387 = vector.broadcast %jit3A_1386 : i32 to vector<16xi32>
      %select_n3A_1388 = arith.select %eq3A_1385, %select_n3A_1274, %broadcast_in_dim3A_1387 : vector<16xi1>, vector<16xi32>
      %reduce_sum3A_1389 = arith.constant true
      %reduce_sum3A_1390 = vector.broadcast %reduce_sum3A_1389 : i1 to vector<16xi1>
      %reduce_sum3A_1391 = tpu.scan <sum>, %select_n3A_1388 masked %reduce_sum3A_1390 : vector<16xi32>, vector<16xi1> -> vector<16xi32>
      %reduce_sum3A_1392 = vector.extract %reduce_sum3A_1391[15] : i32 from vector<16xi32>
      %mul3A_1393 = arith.constant 16 : i32
      %mul3A_1394 = arith.muli %scan3A_1264, %mul3A_1393 : i32
      %add3A_1395 = arith.constant 4 : i32
      %add3A_1396 = arith.addi %mul3A_1394, %add3A_1395 : i32
      %add3A_1397 = arith.addi %mul3A_2, %add3A_1396 : i32
      %dma_start3A_1398 = arith.constant 0 : i32
      %dma_start3A_1399 = tpu.memref_slice %arg6[%add3A_1396, %dma_start3A_1398] : memref<512x64xf32, #tpu.memory_space<vmem>> -> memref<1x64xf32, #tpu.memory_space<vmem>>
      %dma_start3A_1400 = tpu.memref_squeeze %dma_start3A_1399 : memref<1x64xf32, #tpu.memory_space<vmem>> -> memref<64xf32, #tpu.memory_space<vmem>>
      %dma_start3A_1401 = arith.constant 0 : i32
      %dma_start3A_1402 = tpu.memref_slice %arg3[%add3A_1397, %reduce_sum3A_1392, %dma_start3A_1401] : memref<16384x100x64xf32, #tpu.memory_space<hbm>> -> memref<1x1x64xf32, #tpu.memory_space<hbm>>
      %dma_start3A_1403 = tpu.memref_squeeze %dma_start3A_1402 : memref<1x1x64xf32, #tpu.memory_space<hbm>> -> memref<64xf32, #tpu.memory_space<hbm>>
      %dma_start3A_1404 = arith.constant 0 : i32
      %dma_start3A_1405 = tpu.memref_slice %arg6[%add3A_1396, %dma_start3A_1404] : memref<512x64xf32, #tpu.memory_space<vmem>> -> memref<1x64xf32, #tpu.memory_space<vmem>>
      %dma_start3A_1406 = tpu.memref_squeeze %dma_start3A_1405 : memref<1x64xf32, #tpu.memory_space<vmem>> -> memref<64xf32, #tpu.memory_space<vmem>>
      %dma_start3A_1407 = arith.constant 0 : i32
      %dma_start3A_1408 = tpu.memref_slice %arg3[%add3A_1397, %reduce_sum3A_1392, %dma_start3A_1407] : memref<16384x100x64xf32, #tpu.memory_space<hbm>> -> memref<1x1x64xf32, #tpu.memory_space<hbm>>
      %dma_start3A_1409 = tpu.memref_squeeze %dma_start3A_1408 : memref<1x1x64xf32, #tpu.memory_space<hbm>> -> memref<64xf32, #tpu.memory_space<hbm>>
      tpu.enqueue_dma source(%dma_start3A_1409 : memref<64xf32, #tpu.memory_space<hbm>>) target(%dma_start3A_1406 : memref<64xf32, #tpu.memory_space<vmem>>) target_semaphore(%arg7 : memref<!tpu.dma_semaphore, #tpu.memory_space<semaphore_mem>>)
      %eq3A_1410 = arith.constant 5 : i32
      %eq3A_1411 = vector.broadcast %eq3A_1410 : i32 to vector<16xi32>
      %eq3A_1412 = arith.cmpi eq, %iota3A, %eq3A_1411 : vector<16xi32>
      %jit3A_1413 = arith.constant 0 : i32
      %broadcast_in_dim3A_1414 = vector.broadcast %jit3A_1413 : i32 to vector<16xi32>
      %select_n3A_1415 = arith.select %eq3A_1412, %select_n3A_1274, %broadcast_in_dim3A_1414 : vector<16xi1>, vector<16xi32>
      %reduce_sum3A_1416 = arith.constant true
      %reduce_sum3A_1417 = vector.broadcast %reduce_sum3A_1416 : i1 to vector<16xi1>
      %reduce_sum3A_1418 = tpu.scan <sum>, %select_n3A_1415 masked %reduce_sum3A_1417 : vector<16xi32>, vector<16xi1> -> vector<16xi32>
      %reduce_sum3A_1419 = vector.extract %reduce_sum3A_1418[15] : i32 from vector<16xi32>
      %mul3A_1420 = arith.constant 16 : i32
      %mul3A_1421 = arith.muli %scan3A_1264, %mul3A_1420 : i32
      %add3A_1422 = arith.constant 5 : i32
      %add3A_1423 = arith.addi %mul3A_1421, %add3A_1422 : i32
      %add3A_1424 = arith.addi %mul3A_2, %add3A_1423 : i32
      %dma_start3A_1425 = arith.constant 0 : i32
      %dma_start3A_1426 = tpu.memref_slice %arg6[%add3A_1423, %dma_start3A_1425] : memref<512x64xf32, #tpu.memory_space<vmem>> -> memref<1x64xf32, #tpu.memory_space<vmem>>
      %dma_start3A_1427 = tpu.memref_squeeze %dma_start3A_1426 : memref<1x64xf32, #tpu.memory_space<vmem>> -> memref<64xf32, #tpu.memory_space<vmem>>
      %dma_start3A_1428 = arith.constant 0 : i32
      %dma_start3A_1429 = tpu.memref_slice %arg3[%add3A_1424, %reduce_sum3A_1419, %dma_start3A_1428] : memref<16384x100x64xf32, #tpu.memory_space<hbm>> -> memref<1x1x64xf32, #tpu.memory_space<hbm>>
      %dma_start3A_1430 = tpu.memref_squeeze %dma_start3A_1429 : memref<1x1x64xf32, #tpu.memory_space<hbm>> -> memref<64xf32, #tpu.memory_space<hbm>>
      %dma_start3A_1431 = arith.constant 0 : i32
      %dma_start3A_1432 = tpu.memref_slice %arg6[%add3A_1423, %dma_start3A_1431] : memref<512x64xf32, #tpu.memory_space<vmem>> -> memref<1x64xf32, #tpu.memory_space<vmem>>
      %dma_start3A_1433 = tpu.memref_squeeze %dma_start3A_1432 : memref<1x64xf32, #tpu.memory_space<vmem>> -> memref<64xf32, #tpu.memory_space<vmem>>
      %dma_start3A_1434 = arith.constant 0 : i32
      %dma_start3A_1435 = tpu.memref_slice %arg3[%add3A_1424, %reduce_sum3A_1419, %dma_start3A_1434] : memref<16384x100x64xf32, #tpu.memory_space<hbm>> -> memref<1x1x64xf32, #tpu.memory_space<hbm>>
      %dma_start3A_1436 = tpu.memref_squeeze %dma_start3A_1435 : memref<1x1x64xf32, #tpu.memory_space<hbm>> -> memref<64xf32, #tpu.memory_space<hbm>>
      tpu.enqueue_dma source(%dma_start3A_1436 : memref<64xf32, #tpu.memory_space<hbm>>) target(%dma_start3A_1433 : memref<64xf32, #tpu.memory_space<vmem>>) target_semaphore(%arg7 : memref<!tpu.dma_semaphore, #tpu.memory_space<semaphore_mem>>)
      %eq3A_1437 = arith.constant 6 : i32
      %eq3A_1438 = vector.broadcast %eq3A_1437 : i32 to vector<16xi32>
      %eq3A_1439 = arith.cmpi eq, %iota3A, %eq3A_1438 : vector<16xi32>
      %jit3A_1440 = arith.constant 0 : i32
      %broadcast_in_dim3A_1441 = vector.broadcast %jit3A_1440 : i32 to vector<16xi32>
      %select_n3A_1442 = arith.select %eq3A_1439, %select_n3A_1274, %broadcast_in_dim3A_1441 : vector<16xi1>, vector<16xi32>
      %reduce_sum3A_1443 = arith.constant true
      %reduce_sum3A_1444 = vector.broadcast %reduce_sum3A_1443 : i1 to vector<16xi1>
      %reduce_sum3A_1445 = tpu.scan <sum>, %select_n3A_1442 masked %reduce_sum3A_1444 : vector<16xi32>, vector<16xi1> -> vector<16xi32>
      %reduce_sum3A_1446 = vector.extract %reduce_sum3A_1445[15] : i32 from vector<16xi32>
      %mul3A_1447 = arith.constant 16 : i32
      %mul3A_1448 = arith.muli %scan3A_1264, %mul3A_1447 : i32
      %add3A_1449 = arith.constant 6 : i32
      %add3A_1450 = arith.addi %mul3A_1448, %add3A_1449 : i32
      %add3A_1451 = arith.addi %mul3A_2, %add3A_1450 : i32
      %dma_start3A_1452 = arith.constant 0 : i32
      %dma_start3A_1453 = tpu.memref_slice %arg6[%add3A_1450, %dma_start3A_1452] : memref<512x64xf32, #tpu.memory_space<vmem>> -> memref<1x64xf32, #tpu.memory_space<vmem>>
      %dma_start3A_1454 = tpu.memref_squeeze %dma_start3A_1453 : memref<1x64xf32, #tpu.memory_space<vmem>> -> memref<64xf32, #tpu.memory_space<vmem>>
      %dma_start3A_1455 = arith.constant 0 : i32
      %dma_start3A_1456 = tpu.memref_slice %arg3[%add3A_1451, %reduce_sum3A_1446, %dma_start3A_1455] : memref<16384x100x64xf32, #tpu.memory_space<hbm>> -> memref<1x1x64xf32, #tpu.memory_space<hbm>>
      %dma_start3A_1457 = tpu.memref_squeeze %dma_start3A_1456 : memref<1x1x64xf32, #tpu.memory_space<hbm>> -> memref<64xf32, #tpu.memory_space<hbm>>
      %dma_start3A_1458 = arith.constant 0 : i32
      %dma_start3A_1459 = tpu.memref_slice %arg6[%add3A_1450, %dma_start3A_1458] : memref<512x64xf32, #tpu.memory_space<vmem>> -> memref<1x64xf32, #tpu.memory_space<vmem>>
      %dma_start3A_1460 = tpu.memref_squeeze %dma_start3A_1459 : memref<1x64xf32, #tpu.memory_space<vmem>> -> memref<64xf32, #tpu.memory_space<vmem>>
      %dma_start3A_1461 = arith.constant 0 : i32
      %dma_start3A_1462 = tpu.memref_slice %arg3[%add3A_1451, %reduce_sum3A_1446, %dma_start3A_1461] : memref<16384x100x64xf32, #tpu.memory_space<hbm>> -> memref<1x1x64xf32, #tpu.memory_space<hbm>>
      %dma_start3A_1463 = tpu.memref_squeeze %dma_start3A_1462 : memref<1x1x64xf32, #tpu.memory_space<hbm>> -> memref<64xf32, #tpu.memory_space<hbm>>
      tpu.enqueue_dma source(%dma_start3A_1463 : memref<64xf32, #tpu.memory_space<hbm>>) target(%dma_start3A_1460 : memref<64xf32, #tpu.memory_space<vmem>>) target_semaphore(%arg7 : memref<!tpu.dma_semaphore, #tpu.memory_space<semaphore_mem>>)
      %eq3A_1464 = arith.constant 7 : i32
      %eq3A_1465 = vector.broadcast %eq3A_1464 : i32 to vector<16xi32>
      %eq3A_1466 = arith.cmpi eq, %iota3A, %eq3A_1465 : vector<16xi32>
      %jit3A_1467 = arith.constant 0 : i32
      %broadcast_in_dim3A_1468 = vector.broadcast %jit3A_1467 : i32 to vector<16xi32>
      %select_n3A_1469 = arith.select %eq3A_1466, %select_n3A_1274, %broadcast_in_dim3A_1468 : vector<16xi1>, vector<16xi32>
      %reduce_sum3A_1470 = arith.constant true
      %reduce_sum3A_1471 = vector.broadcast %reduce_sum3A_1470 : i1 to vector<16xi1>
      %reduce_sum3A_1472 = tpu.scan <sum>, %select_n3A_1469 masked %reduce_sum3A_1471 : vector<16xi32>, vector<16xi1> -> vector<16xi32>
      %reduce_sum3A_1473 = vector.extract %reduce_sum3A_1472[15] : i32 from vector<16xi32>
      %mul3A_1474 = arith.constant 16 : i32
      %mul3A_1475 = arith.muli %scan3A_1264, %mul3A_1474 : i32
      %add3A_1476 = arith.constant 7 : i32
      %add3A_1477 = arith.addi %mul3A_1475, %add3A_1476 : i32
      %add3A_1478 = arith.addi %mul3A_2, %add3A_1477 : i32
      %dma_start3A_1479 = arith.constant 0 : i32
      %dma_start3A_1480 = tpu.memref_slice %arg6[%add3A_1477, %dma_start3A_1479] : memref<512x64xf32, #tpu.memory_space<vmem>> -> memref<1x64xf32, #tpu.memory_space<vmem>>
      %dma_start3A_1481 = tpu.memref_squeeze %dma_start3A_1480 : memref<1x64xf32, #tpu.memory_space<vmem>> -> memref<64xf32, #tpu.memory_space<vmem>>
      %dma_start3A_1482 = arith.constant 0 : i32
      %dma_start3A_1483 = tpu.memref_slice %arg3[%add3A_1478, %reduce_sum3A_1473, %dma_start3A_1482] : memref<16384x100x64xf32, #tpu.memory_space<hbm>> -> memref<1x1x64xf32, #tpu.memory_space<hbm>>
      %dma_start3A_1484 = tpu.memref_squeeze %dma_start3A_1483 : memref<1x1x64xf32, #tpu.memory_space<hbm>> -> memref<64xf32, #tpu.memory_space<hbm>>
      %dma_start3A_1485 = arith.constant 0 : i32
      %dma_start3A_1486 = tpu.memref_slice %arg6[%add3A_1477, %dma_start3A_1485] : memref<512x64xf32, #tpu.memory_space<vmem>> -> memref<1x64xf32, #tpu.memory_space<vmem>>
      %dma_start3A_1487 = tpu.memref_squeeze %dma_start3A_1486 : memref<1x64xf32, #tpu.memory_space<vmem>> -> memref<64xf32, #tpu.memory_space<vmem>>
      %dma_start3A_1488 = arith.constant 0 : i32
      %dma_start3A_1489 = tpu.memref_slice %arg3[%add3A_1478, %reduce_sum3A_1473, %dma_start3A_1488] : memref<16384x100x64xf32, #tpu.memory_space<hbm>> -> memref<1x1x64xf32, #tpu.memory_space<hbm>>
      %dma_start3A_1490 = tpu.memref_squeeze %dma_start3A_1489 : memref<1x1x64xf32, #tpu.memory_space<hbm>> -> memref<64xf32, #tpu.memory_space<hbm>>
      tpu.enqueue_dma source(%dma_start3A_1490 : memref<64xf32, #tpu.memory_space<hbm>>) target(%dma_start3A_1487 : memref<64xf32, #tpu.memory_space<vmem>>) target_semaphore(%arg7 : memref<!tpu.dma_semaphore, #tpu.memory_space<semaphore_mem>>)
      %eq3A_1491 = arith.constant 8 : i32
      %eq3A_1492 = vector.broadcast %eq3A_1491 : i32 to vector<16xi32>
      %eq3A_1493 = arith.cmpi eq, %iota3A, %eq3A_1492 : vector<16xi32>
      %jit3A_1494 = arith.constant 0 : i32
      %broadcast_in_dim3A_1495 = vector.broadcast %jit3A_1494 : i32 to vector<16xi32>
      %select_n3A_1496 = arith.select %eq3A_1493, %select_n3A_1274, %broadcast_in_dim3A_1495 : vector<16xi1>, vector<16xi32>
      %reduce_sum3A_1497 = arith.constant true
      %reduce_sum3A_1498 = vector.broadcast %reduce_sum3A_1497 : i1 to vector<16xi1>
      %reduce_sum3A_1499 = tpu.scan <sum>, %select_n3A_1496 masked %reduce_sum3A_1498 : vector<16xi32>, vector<16xi1> -> vector<16xi32>
      %reduce_sum3A_1500 = vector.extract %reduce_sum3A_1499[15] : i32 from vector<16xi32>
      %mul3A_1501 = arith.constant 16 : i32
      %mul3A_1502 = arith.muli %scan3A_1264, %mul3A_1501 : i32
      %add3A_1503 = arith.constant 8 : i32
      %add3A_1504 = arith.addi %mul3A_1502, %add3A_1503 : i32
      %add3A_1505 = arith.addi %mul3A_2, %add3A_1504 : i32
      %dma_start3A_1506 = arith.constant 0 : i32
      %dma_start3A_1507 = tpu.memref_slice %arg6[%add3A_1504, %dma_start3A_1506] : memref<512x64xf32, #tpu.memory_space<vmem>> -> memref<1x64xf32, #tpu.memory_space<vmem>>
      %dma_start3A_1508 = tpu.memref_squeeze %dma_start3A_1507 : memref<1x64xf32, #tpu.memory_space<vmem>> -> memref<64xf32, #tpu.memory_space<vmem>>
      %dma_start3A_1509 = arith.constant 0 : i32
      %dma_start3A_1510 = tpu.memref_slice %arg3[%add3A_1505, %reduce_sum3A_1500, %dma_start3A_1509] : memref<16384x100x64xf32, #tpu.memory_space<hbm>> -> memref<1x1x64xf32, #tpu.memory_space<hbm>>
      %dma_start3A_1511 = tpu.memref_squeeze %dma_start3A_1510 : memref<1x1x64xf32, #tpu.memory_space<hbm>> -> memref<64xf32, #tpu.memory_space<hbm>>
      %dma_start3A_1512 = arith.constant 0 : i32
      %dma_start3A_1513 = tpu.memref_slice %arg6[%add3A_1504, %dma_start3A_1512] : memref<512x64xf32, #tpu.memory_space<vmem>> -> memref<1x64xf32, #tpu.memory_space<vmem>>
      %dma_start3A_1514 = tpu.memref_squeeze %dma_start3A_1513 : memref<1x64xf32, #tpu.memory_space<vmem>> -> memref<64xf32, #tpu.memory_space<vmem>>
      %dma_start3A_1515 = arith.constant 0 : i32
      %dma_start3A_1516 = tpu.memref_slice %arg3[%add3A_1505, %reduce_sum3A_1500, %dma_start3A_1515] : memref<16384x100x64xf32, #tpu.memory_space<hbm>> -> memref<1x1x64xf32, #tpu.memory_space<hbm>>
      %dma_start3A_1517 = tpu.memref_squeeze %dma_start3A_1516 : memref<1x1x64xf32, #tpu.memory_space<hbm>> -> memref<64xf32, #tpu.memory_space<hbm>>
      tpu.enqueue_dma source(%dma_start3A_1517 : memref<64xf32, #tpu.memory_space<hbm>>) target(%dma_start3A_1514 : memref<64xf32, #tpu.memory_space<vmem>>) target_semaphore(%arg7 : memref<!tpu.dma_semaphore, #tpu.memory_space<semaphore_mem>>)
      %eq3A_1518 = arith.constant 9 : i32
      %eq3A_1519 = vector.broadcast %eq3A_1518 : i32 to vector<16xi32>
      %eq3A_1520 = arith.cmpi eq, %iota3A, %eq3A_1519 : vector<16xi32>
      %jit3A_1521 = arith.constant 0 : i32
      %broadcast_in_dim3A_1522 = vector.broadcast %jit3A_1521 : i32 to vector<16xi32>
      %select_n3A_1523 = arith.select %eq3A_1520, %select_n3A_1274, %broadcast_in_dim3A_1522 : vector<16xi1>, vector<16xi32>
      %reduce_sum3A_1524 = arith.constant true
      %reduce_sum3A_1525 = vector.broadcast %reduce_sum3A_1524 : i1 to vector<16xi1>
      %reduce_sum3A_1526 = tpu.scan <sum>, %select_n3A_1523 masked %reduce_sum3A_1525 : vector<16xi32>, vector<16xi1> -> vector<16xi32>
      %reduce_sum3A_1527 = vector.extract %reduce_sum3A_1526[15] : i32 from vector<16xi32>
      %mul3A_1528 = arith.constant 16 : i32
      %mul3A_1529 = arith.muli %scan3A_1264, %mul3A_1528 : i32
      %add3A_1530 = arith.constant 9 : i32
      %add3A_1531 = arith.addi %mul3A_1529, %add3A_1530 : i32
      %add3A_1532 = arith.addi %mul3A_2, %add3A_1531 : i32
      %dma_start3A_1533 = arith.constant 0 : i32
      %dma_start3A_1534 = tpu.memref_slice %arg6[%add3A_1531, %dma_start3A_1533] : memref<512x64xf32, #tpu.memory_space<vmem>> -> memref<1x64xf32, #tpu.memory_space<vmem>>
      %dma_start3A_1535 = tpu.memref_squeeze %dma_start3A_1534 : memref<1x64xf32, #tpu.memory_space<vmem>> -> memref<64xf32, #tpu.memory_space<vmem>>
      %dma_start3A_1536 = arith.constant 0 : i32
      %dma_start3A_1537 = tpu.memref_slice %arg3[%add3A_1532, %reduce_sum3A_1527, %dma_start3A_1536] : memref<16384x100x64xf32, #tpu.memory_space<hbm>> -> memref<1x1x64xf32, #tpu.memory_space<hbm>>
      %dma_start3A_1538 = tpu.memref_squeeze %dma_start3A_1537 : memref<1x1x64xf32, #tpu.memory_space<hbm>> -> memref<64xf32, #tpu.memory_space<hbm>>
      %dma_start3A_1539 = arith.constant 0 : i32
      %dma_start3A_1540 = tpu.memref_slice %arg6[%add3A_1531, %dma_start3A_1539] : memref<512x64xf32, #tpu.memory_space<vmem>> -> memref<1x64xf32, #tpu.memory_space<vmem>>
      %dma_start3A_1541 = tpu.memref_squeeze %dma_start3A_1540 : memref<1x64xf32, #tpu.memory_space<vmem>> -> memref<64xf32, #tpu.memory_space<vmem>>
      %dma_start3A_1542 = arith.constant 0 : i32
      %dma_start3A_1543 = tpu.memref_slice %arg3[%add3A_1532, %reduce_sum3A_1527, %dma_start3A_1542] : memref<16384x100x64xf32, #tpu.memory_space<hbm>> -> memref<1x1x64xf32, #tpu.memory_space<hbm>>
      %dma_start3A_1544 = tpu.memref_squeeze %dma_start3A_1543 : memref<1x1x64xf32, #tpu.memory_space<hbm>> -> memref<64xf32, #tpu.memory_space<hbm>>
      tpu.enqueue_dma source(%dma_start3A_1544 : memref<64xf32, #tpu.memory_space<hbm>>) target(%dma_start3A_1541 : memref<64xf32, #tpu.memory_space<vmem>>) target_semaphore(%arg7 : memref<!tpu.dma_semaphore, #tpu.memory_space<semaphore_mem>>)
      %eq3A_1545 = arith.constant 10 : i32
      %eq3A_1546 = vector.broadcast %eq3A_1545 : i32 to vector<16xi32>
      %eq3A_1547 = arith.cmpi eq, %iota3A, %eq3A_1546 : vector<16xi32>
      %jit3A_1548 = arith.constant 0 : i32
      %broadcast_in_dim3A_1549 = vector.broadcast %jit3A_1548 : i32 to vector<16xi32>
      %select_n3A_1550 = arith.select %eq3A_1547, %select_n3A_1274, %broadcast_in_dim3A_1549 : vector<16xi1>, vector<16xi32>
      %reduce_sum3A_1551 = arith.constant true
      %reduce_sum3A_1552 = vector.broadcast %reduce_sum3A_1551 : i1 to vector<16xi1>
      %reduce_sum3A_1553 = tpu.scan <sum>, %select_n3A_1550 masked %reduce_sum3A_1552 : vector<16xi32>, vector<16xi1> -> vector<16xi32>
      %reduce_sum3A_1554 = vector.extract %reduce_sum3A_1553[15] : i32 from vector<16xi32>
      %mul3A_1555 = arith.constant 16 : i32
      %mul3A_1556 = arith.muli %scan3A_1264, %mul3A_1555 : i32
      %add3A_1557 = arith.constant 10 : i32
      %add3A_1558 = arith.addi %mul3A_1556, %add3A_1557 : i32
      %add3A_1559 = arith.addi %mul3A_2, %add3A_1558 : i32
      %dma_start3A_1560 = arith.constant 0 : i32
      %dma_start3A_1561 = tpu.memref_slice %arg6[%add3A_1558, %dma_start3A_1560] : memref<512x64xf32, #tpu.memory_space<vmem>> -> memref<1x64xf32, #tpu.memory_space<vmem>>
      %dma_start3A_1562 = tpu.memref_squeeze %dma_start3A_1561 : memref<1x64xf32, #tpu.memory_space<vmem>> -> memref<64xf32, #tpu.memory_space<vmem>>
      %dma_start3A_1563 = arith.constant 0 : i32
      %dma_start3A_1564 = tpu.memref_slice %arg3[%add3A_1559, %reduce_sum3A_1554, %dma_start3A_1563] : memref<16384x100x64xf32, #tpu.memory_space<hbm>> -> memref<1x1x64xf32, #tpu.memory_space<hbm>>
      %dma_start3A_1565 = tpu.memref_squeeze %dma_start3A_1564 : memref<1x1x64xf32, #tpu.memory_space<hbm>> -> memref<64xf32, #tpu.memory_space<hbm>>
      %dma_start3A_1566 = arith.constant 0 : i32
      %dma_start3A_1567 = tpu.memref_slice %arg6[%add3A_1558, %dma_start3A_1566] : memref<512x64xf32, #tpu.memory_space<vmem>> -> memref<1x64xf32, #tpu.memory_space<vmem>>
      %dma_start3A_1568 = tpu.memref_squeeze %dma_start3A_1567 : memref<1x64xf32, #tpu.memory_space<vmem>> -> memref<64xf32, #tpu.memory_space<vmem>>
      %dma_start3A_1569 = arith.constant 0 : i32
      %dma_start3A_1570 = tpu.memref_slice %arg3[%add3A_1559, %reduce_sum3A_1554, %dma_start3A_1569] : memref<16384x100x64xf32, #tpu.memory_space<hbm>> -> memref<1x1x64xf32, #tpu.memory_space<hbm>>
      %dma_start3A_1571 = tpu.memref_squeeze %dma_start3A_1570 : memref<1x1x64xf32, #tpu.memory_space<hbm>> -> memref<64xf32, #tpu.memory_space<hbm>>
      tpu.enqueue_dma source(%dma_start3A_1571 : memref<64xf32, #tpu.memory_space<hbm>>) target(%dma_start3A_1568 : memref<64xf32, #tpu.memory_space<vmem>>) target_semaphore(%arg7 : memref<!tpu.dma_semaphore, #tpu.memory_space<semaphore_mem>>)
      %eq3A_1572 = arith.constant 11 : i32
      %eq3A_1573 = vector.broadcast %eq3A_1572 : i32 to vector<16xi32>
      %eq3A_1574 = arith.cmpi eq, %iota3A, %eq3A_1573 : vector<16xi32>
      %jit3A_1575 = arith.constant 0 : i32
      %broadcast_in_dim3A_1576 = vector.broadcast %jit3A_1575 : i32 to vector<16xi32>
      %select_n3A_1577 = arith.select %eq3A_1574, %select_n3A_1274, %broadcast_in_dim3A_1576 : vector<16xi1>, vector<16xi32>
      %reduce_sum3A_1578 = arith.constant true
      %reduce_sum3A_1579 = vector.broadcast %reduce_sum3A_1578 : i1 to vector<16xi1>
      %reduce_sum3A_1580 = tpu.scan <sum>, %select_n3A_1577 masked %reduce_sum3A_1579 : vector<16xi32>, vector<16xi1> -> vector<16xi32>
      %reduce_sum3A_1581 = vector.extract %reduce_sum3A_1580[15] : i32 from vector<16xi32>
      %mul3A_1582 = arith.constant 16 : i32
      %mul3A_1583 = arith.muli %scan3A_1264, %mul3A_1582 : i32
      %add3A_1584 = arith.constant 11 : i32
      %add3A_1585 = arith.addi %mul3A_1583, %add3A_1584 : i32
      %add3A_1586 = arith.addi %mul3A_2, %add3A_1585 : i32
      %dma_start3A_1587 = arith.constant 0 : i32
      %dma_start3A_1588 = tpu.memref_slice %arg6[%add3A_1585, %dma_start3A_1587] : memref<512x64xf32, #tpu.memory_space<vmem>> -> memref<1x64xf32, #tpu.memory_space<vmem>>
      %dma_start3A_1589 = tpu.memref_squeeze %dma_start3A_1588 : memref<1x64xf32, #tpu.memory_space<vmem>> -> memref<64xf32, #tpu.memory_space<vmem>>
      %dma_start3A_1590 = arith.constant 0 : i32
      %dma_start3A_1591 = tpu.memref_slice %arg3[%add3A_1586, %reduce_sum3A_1581, %dma_start3A_1590] : memref<16384x100x64xf32, #tpu.memory_space<hbm>> -> memref<1x1x64xf32, #tpu.memory_space<hbm>>
      %dma_start3A_1592 = tpu.memref_squeeze %dma_start3A_1591 : memref<1x1x64xf32, #tpu.memory_space<hbm>> -> memref<64xf32, #tpu.memory_space<hbm>>
      %dma_start3A_1593 = arith.constant 0 : i32
      %dma_start3A_1594 = tpu.memref_slice %arg6[%add3A_1585, %dma_start3A_1593] : memref<512x64xf32, #tpu.memory_space<vmem>> -> memref<1x64xf32, #tpu.memory_space<vmem>>
      %dma_start3A_1595 = tpu.memref_squeeze %dma_start3A_1594 : memref<1x64xf32, #tpu.memory_space<vmem>> -> memref<64xf32, #tpu.memory_space<vmem>>
      %dma_start3A_1596 = arith.constant 0 : i32
      %dma_start3A_1597 = tpu.memref_slice %arg3[%add3A_1586, %reduce_sum3A_1581, %dma_start3A_1596] : memref<16384x100x64xf32, #tpu.memory_space<hbm>> -> memref<1x1x64xf32, #tpu.memory_space<hbm>>
      %dma_start3A_1598 = tpu.memref_squeeze %dma_start3A_1597 : memref<1x1x64xf32, #tpu.memory_space<hbm>> -> memref<64xf32, #tpu.memory_space<hbm>>
      tpu.enqueue_dma source(%dma_start3A_1598 : memref<64xf32, #tpu.memory_space<hbm>>) target(%dma_start3A_1595 : memref<64xf32, #tpu.memory_space<vmem>>) target_semaphore(%arg7 : memref<!tpu.dma_semaphore, #tpu.memory_space<semaphore_mem>>)
      %eq3A_1599 = arith.constant 12 : i32
      %eq3A_1600 = vector.broadcast %eq3A_1599 : i32 to vector<16xi32>
      %eq3A_1601 = arith.cmpi eq, %iota3A, %eq3A_1600 : vector<16xi32>
      %jit3A_1602 = arith.constant 0 : i32
      %broadcast_in_dim3A_1603 = vector.broadcast %jit3A_1602 : i32 to vector<16xi32>
      %select_n3A_1604 = arith.select %eq3A_1601, %select_n3A_1274, %broadcast_in_dim3A_1603 : vector<16xi1>, vector<16xi32>
      %reduce_sum3A_1605 = arith.constant true
      %reduce_sum3A_1606 = vector.broadcast %reduce_sum3A_1605 : i1 to vector<16xi1>
      %reduce_sum3A_1607 = tpu.scan <sum>, %select_n3A_1604 masked %reduce_sum3A_1606 : vector<16xi32>, vector<16xi1> -> vector<16xi32>
      %reduce_sum3A_1608 = vector.extract %reduce_sum3A_1607[15] : i32 from vector<16xi32>
      %mul3A_1609 = arith.constant 16 : i32
      %mul3A_1610 = arith.muli %scan3A_1264, %mul3A_1609 : i32
      %add3A_1611 = arith.constant 12 : i32
      %add3A_1612 = arith.addi %mul3A_1610, %add3A_1611 : i32
      %add3A_1613 = arith.addi %mul3A_2, %add3A_1612 : i32
      %dma_start3A_1614 = arith.constant 0 : i32
      %dma_start3A_1615 = tpu.memref_slice %arg6[%add3A_1612, %dma_start3A_1614] : memref<512x64xf32, #tpu.memory_space<vmem>> -> memref<1x64xf32, #tpu.memory_space<vmem>>
      %dma_start3A_1616 = tpu.memref_squeeze %dma_start3A_1615 : memref<1x64xf32, #tpu.memory_space<vmem>> -> memref<64xf32, #tpu.memory_space<vmem>>
      %dma_start3A_1617 = arith.constant 0 : i32
      %dma_start3A_1618 = tpu.memref_slice %arg3[%add3A_1613, %reduce_sum3A_1608, %dma_start3A_1617] : memref<16384x100x64xf32, #tpu.memory_space<hbm>> -> memref<1x1x64xf32, #tpu.memory_space<hbm>>
      %dma_start3A_1619 = tpu.memref_squeeze %dma_start3A_1618 : memref<1x1x64xf32, #tpu.memory_space<hbm>> -> memref<64xf32, #tpu.memory_space<hbm>>
      %dma_start3A_1620 = arith.constant 0 : i32
      %dma_start3A_1621 = tpu.memref_slice %arg6[%add3A_1612, %dma_start3A_1620] : memref<512x64xf32, #tpu.memory_space<vmem>> -> memref<1x64xf32, #tpu.memory_space<vmem>>
      %dma_start3A_1622 = tpu.memref_squeeze %dma_start3A_1621 : memref<1x64xf32, #tpu.memory_space<vmem>> -> memref<64xf32, #tpu.memory_space<vmem>>
      %dma_start3A_1623 = arith.constant 0 : i32
      %dma_start3A_1624 = tpu.memref_slice %arg3[%add3A_1613, %reduce_sum3A_1608, %dma_start3A_1623] : memref<16384x100x64xf32, #tpu.memory_space<hbm>> -> memref<1x1x64xf32, #tpu.memory_space<hbm>>
      %dma_start3A_1625 = tpu.memref_squeeze %dma_start3A_1624 : memref<1x1x64xf32, #tpu.memory_space<hbm>> -> memref<64xf32, #tpu.memory_space<hbm>>
      tpu.enqueue_dma source(%dma_start3A_1625 : memref<64xf32, #tpu.memory_space<hbm>>) target(%dma_start3A_1622 : memref<64xf32, #tpu.memory_space<vmem>>) target_semaphore(%arg7 : memref<!tpu.dma_semaphore, #tpu.memory_space<semaphore_mem>>)
      %eq3A_1626 = arith.constant 13 : i32
      %eq3A_1627 = vector.broadcast %eq3A_1626 : i32 to vector<16xi32>
      %eq3A_1628 = arith.cmpi eq, %iota3A, %eq3A_1627 : vector<16xi32>
      %jit3A_1629 = arith.constant 0 : i32
      %broadcast_in_dim3A_1630 = vector.broadcast %jit3A_1629 : i32 to vector<16xi32>
      %select_n3A_1631 = arith.select %eq3A_1628, %select_n3A_1274, %broadcast_in_dim3A_1630 : vector<16xi1>, vector<16xi32>
      %reduce_sum3A_1632 = arith.constant true
      %reduce_sum3A_1633 = vector.broadcast %reduce_sum3A_1632 : i1 to vector<16xi1>
      %reduce_sum3A_1634 = tpu.scan <sum>, %select_n3A_1631 masked %reduce_sum3A_1633 : vector<16xi32>, vector<16xi1> -> vector<16xi32>
      %reduce_sum3A_1635 = vector.extract %reduce_sum3A_1634[15] : i32 from vector<16xi32>
      %mul3A_1636 = arith.constant 16 : i32
      %mul3A_1637 = arith.muli %scan3A_1264, %mul3A_1636 : i32
      %add3A_1638 = arith.constant 13 : i32
      %add3A_1639 = arith.addi %mul3A_1637, %add3A_1638 : i32
      %add3A_1640 = arith.addi %mul3A_2, %add3A_1639 : i32
      %dma_start3A_1641 = arith.constant 0 : i32
      %dma_start3A_1642 = tpu.memref_slice %arg6[%add3A_1639, %dma_start3A_1641] : memref<512x64xf32, #tpu.memory_space<vmem>> -> memref<1x64xf32, #tpu.memory_space<vmem>>
      %dma_start3A_1643 = tpu.memref_squeeze %dma_start3A_1642 : memref<1x64xf32, #tpu.memory_space<vmem>> -> memref<64xf32, #tpu.memory_space<vmem>>
      %dma_start3A_1644 = arith.constant 0 : i32
      %dma_start3A_1645 = tpu.memref_slice %arg3[%add3A_1640, %reduce_sum3A_1635, %dma_start3A_1644] : memref<16384x100x64xf32, #tpu.memory_space<hbm>> -> memref<1x1x64xf32, #tpu.memory_space<hbm>>
      %dma_start3A_1646 = tpu.memref_squeeze %dma_start3A_1645 : memref<1x1x64xf32, #tpu.memory_space<hbm>> -> memref<64xf32, #tpu.memory_space<hbm>>
      %dma_start3A_1647 = arith.constant 0 : i32
      %dma_start3A_1648 = tpu.memref_slice %arg6[%add3A_1639, %dma_start3A_1647] : memref<512x64xf32, #tpu.memory_space<vmem>> -> memref<1x64xf32, #tpu.memory_space<vmem>>
      %dma_start3A_1649 = tpu.memref_squeeze %dma_start3A_1648 : memref<1x64xf32, #tpu.memory_space<vmem>> -> memref<64xf32, #tpu.memory_space<vmem>>
      %dma_start3A_1650 = arith.constant 0 : i32
      %dma_start3A_1651 = tpu.memref_slice %arg3[%add3A_1640, %reduce_sum3A_1635, %dma_start3A_1650] : memref<16384x100x64xf32, #tpu.memory_space<hbm>> -> memref<1x1x64xf32, #tpu.memory_space<hbm>>
      %dma_start3A_1652 = tpu.memref_squeeze %dma_start3A_1651 : memref<1x1x64xf32, #tpu.memory_space<hbm>> -> memref<64xf32, #tpu.memory_space<hbm>>
      tpu.enqueue_dma source(%dma_start3A_1652 : memref<64xf32, #tpu.memory_space<hbm>>) target(%dma_start3A_1649 : memref<64xf32, #tpu.memory_space<vmem>>) target_semaphore(%arg7 : memref<!tpu.dma_semaphore, #tpu.memory_space<semaphore_mem>>)
      %eq3A_1653 = arith.constant 14 : i32
      %eq3A_1654 = vector.broadcast %eq3A_1653 : i32 to vector<16xi32>
      %eq3A_1655 = arith.cmpi eq, %iota3A, %eq3A_1654 : vector<16xi32>
      %jit3A_1656 = arith.constant 0 : i32
      %broadcast_in_dim3A_1657 = vector.broadcast %jit3A_1656 : i32 to vector<16xi32>
      %select_n3A_1658 = arith.select %eq3A_1655, %select_n3A_1274, %broadcast_in_dim3A_1657 : vector<16xi1>, vector<16xi32>
      %reduce_sum3A_1659 = arith.constant true
      %reduce_sum3A_1660 = vector.broadcast %reduce_sum3A_1659 : i1 to vector<16xi1>
      %reduce_sum3A_1661 = tpu.scan <sum>, %select_n3A_1658 masked %reduce_sum3A_1660 : vector<16xi32>, vector<16xi1> -> vector<16xi32>
      %reduce_sum3A_1662 = vector.extract %reduce_sum3A_1661[15] : i32 from vector<16xi32>
      %mul3A_1663 = arith.constant 16 : i32
      %mul3A_1664 = arith.muli %scan3A_1264, %mul3A_1663 : i32
      %add3A_1665 = arith.constant 14 : i32
      %add3A_1666 = arith.addi %mul3A_1664, %add3A_1665 : i32
      %add3A_1667 = arith.addi %mul3A_2, %add3A_1666 : i32
      %dma_start3A_1668 = arith.constant 0 : i32
      %dma_start3A_1669 = tpu.memref_slice %arg6[%add3A_1666, %dma_start3A_1668] : memref<512x64xf32, #tpu.memory_space<vmem>> -> memref<1x64xf32, #tpu.memory_space<vmem>>
      %dma_start3A_1670 = tpu.memref_squeeze %dma_start3A_1669 : memref<1x64xf32, #tpu.memory_space<vmem>> -> memref<64xf32, #tpu.memory_space<vmem>>
      %dma_start3A_1671 = arith.constant 0 : i32
      %dma_start3A_1672 = tpu.memref_slice %arg3[%add3A_1667, %reduce_sum3A_1662, %dma_start3A_1671] : memref<16384x100x64xf32, #tpu.memory_space<hbm>> -> memref<1x1x64xf32, #tpu.memory_space<hbm>>
      %dma_start3A_1673 = tpu.memref_squeeze %dma_start3A_1672 : memref<1x1x64xf32, #tpu.memory_space<hbm>> -> memref<64xf32, #tpu.memory_space<hbm>>
      %dma_start3A_1674 = arith.constant 0 : i32
      %dma_start3A_1675 = tpu.memref_slice %arg6[%add3A_1666, %dma_start3A_1674] : memref<512x64xf32, #tpu.memory_space<vmem>> -> memref<1x64xf32, #tpu.memory_space<vmem>>
      %dma_start3A_1676 = tpu.memref_squeeze %dma_start3A_1675 : memref<1x64xf32, #tpu.memory_space<vmem>> -> memref<64xf32, #tpu.memory_space<vmem>>
      %dma_start3A_1677 = arith.constant 0 : i32
      %dma_start3A_1678 = tpu.memref_slice %arg3[%add3A_1667, %reduce_sum3A_1662, %dma_start3A_1677] : memref<16384x100x64xf32, #tpu.memory_space<hbm>> -> memref<1x1x64xf32, #tpu.memory_space<hbm>>
      %dma_start3A_1679 = tpu.memref_squeeze %dma_start3A_1678 : memref<1x1x64xf32, #tpu.memory_space<hbm>> -> memref<64xf32, #tpu.memory_space<hbm>>
      tpu.enqueue_dma source(%dma_start3A_1679 : memref<64xf32, #tpu.memory_space<hbm>>) target(%dma_start3A_1676 : memref<64xf32, #tpu.memory_space<vmem>>) target_semaphore(%arg7 : memref<!tpu.dma_semaphore, #tpu.memory_space<semaphore_mem>>)
      %eq3A_1680 = arith.constant 15 : i32
      %eq3A_1681 = vector.broadcast %eq3A_1680 : i32 to vector<16xi32>
      %eq3A_1682 = arith.cmpi eq, %iota3A, %eq3A_1681 : vector<16xi32>
      %jit3A_1683 = arith.constant 0 : i32
      %broadcast_in_dim3A_1684 = vector.broadcast %jit3A_1683 : i32 to vector<16xi32>
      %select_n3A_1685 = arith.select %eq3A_1682, %select_n3A_1274, %broadcast_in_dim3A_1684 : vector<16xi1>, vector<16xi32>
      %reduce_sum3A_1686 = arith.constant true
      %reduce_sum3A_1687 = vector.broadcast %reduce_sum3A_1686 : i1 to vector<16xi1>
      %reduce_sum3A_1688 = tpu.scan <sum>, %select_n3A_1685 masked %reduce_sum3A_1687 : vector<16xi32>, vector<16xi1> -> vector<16xi32>
      %reduce_sum3A_1689 = vector.extract %reduce_sum3A_1688[15] : i32 from vector<16xi32>
      %mul3A_1690 = arith.constant 16 : i32
      %mul3A_1691 = arith.muli %scan3A_1264, %mul3A_1690 : i32
      %add3A_1692 = arith.constant 15 : i32
      %add3A_1693 = arith.addi %mul3A_1691, %add3A_1692 : i32
      %add3A_1694 = arith.addi %mul3A_2, %add3A_1693 : i32
      %dma_start3A_1695 = arith.constant 0 : i32
      %dma_start3A_1696 = tpu.memref_slice %arg6[%add3A_1693, %dma_start3A_1695] : memref<512x64xf32, #tpu.memory_space<vmem>> -> memref<1x64xf32, #tpu.memory_space<vmem>>
      %dma_start3A_1697 = tpu.memref_squeeze %dma_start3A_1696 : memref<1x64xf32, #tpu.memory_space<vmem>> -> memref<64xf32, #tpu.memory_space<vmem>>
      %dma_start3A_1698 = arith.constant 0 : i32
      %dma_start3A_1699 = tpu.memref_slice %arg3[%add3A_1694, %reduce_sum3A_1689, %dma_start3A_1698] : memref<16384x100x64xf32, #tpu.memory_space<hbm>> -> memref<1x1x64xf32, #tpu.memory_space<hbm>>
      %dma_start3A_1700 = tpu.memref_squeeze %dma_start3A_1699 : memref<1x1x64xf32, #tpu.memory_space<hbm>> -> memref<64xf32, #tpu.memory_space<hbm>>
      %dma_start3A_1701 = arith.constant 0 : i32
      %dma_start3A_1702 = tpu.memref_slice %arg6[%add3A_1693, %dma_start3A_1701] : memref<512x64xf32, #tpu.memory_space<vmem>> -> memref<1x64xf32, #tpu.memory_space<vmem>>
      %dma_start3A_1703 = tpu.memref_squeeze %dma_start3A_1702 : memref<1x64xf32, #tpu.memory_space<vmem>> -> memref<64xf32, #tpu.memory_space<vmem>>
      %dma_start3A_1704 = arith.constant 0 : i32
      %dma_start3A_1705 = tpu.memref_slice %arg3[%add3A_1694, %reduce_sum3A_1689, %dma_start3A_1704] : memref<16384x100x64xf32, #tpu.memory_space<hbm>> -> memref<1x1x64xf32, #tpu.memory_space<hbm>>
      %dma_start3A_1706 = tpu.memref_squeeze %dma_start3A_1705 : memref<1x1x64xf32, #tpu.memory_space<hbm>> -> memref<64xf32, #tpu.memory_space<hbm>>
      tpu.enqueue_dma source(%dma_start3A_1706 : memref<64xf32, #tpu.memory_space<hbm>>) target(%dma_start3A_1703 : memref<64xf32, #tpu.memory_space<vmem>>) target_semaphore(%arg7 : memref<!tpu.dma_semaphore, #tpu.memory_space<semaphore_mem>>)
      %dma_wait3A_1707 = arith.constant 0 : i32
      %dma_wait3A_1708 = arith.constant 0 : i32
      %dma_wait3A_1709 = arith.constant 0 : i32
      %dma_wait3A_1710 = tpu.memref_slice %arg6[%dma_wait3A_1708, %dma_wait3A_1709] : memref<512x64xf32, #tpu.memory_space<vmem>> -> memref<1x64xf32, #tpu.memory_space<vmem>>
      %dma_wait3A_1711 = tpu.memref_squeeze %dma_wait3A_1710 : memref<1x64xf32, #tpu.memory_space<vmem>> -> memref<64xf32, #tpu.memory_space<vmem>>
      %dma_wait3A_1712 = arith.constant 0 : i32
      %dma_wait3A_1713 = tpu.memref_slice %arg3[%mul3A_2, %dma_wait3A_1707, %dma_wait3A_1712] : memref<16384x100x64xf32, #tpu.memory_space<hbm>> -> memref<1x1x64xf32, #tpu.memory_space<hbm>>
      %dma_wait3A_1714 = tpu.memref_squeeze %dma_wait3A_1713 : memref<1x1x64xf32, #tpu.memory_space<hbm>> -> memref<64xf32, #tpu.memory_space<hbm>>
      %dma_wait3A_1715 = arith.constant 0 : i32
      %dma_wait3A_1716 = tpu.memref_slice %arg6[%dma_wait3A_1708, %dma_wait3A_1715] : memref<512x64xf32, #tpu.memory_space<vmem>> -> memref<1x64xf32, #tpu.memory_space<vmem>>
      %dma_wait3A_1717 = tpu.memref_squeeze %dma_wait3A_1716 : memref<1x64xf32, #tpu.memory_space<vmem>> -> memref<64xf32, #tpu.memory_space<vmem>>
      %dma_wait3A_1718 = arith.constant 0 : i32
      %dma_wait3A_1719 = tpu.memref_slice %arg3[%mul3A_2, %dma_wait3A_1707, %dma_wait3A_1718] : memref<16384x100x64xf32, #tpu.memory_space<hbm>> -> memref<1x1x64xf32, #tpu.memory_space<hbm>>
      %dma_wait3A_1720 = tpu.memref_squeeze %dma_wait3A_1719 : memref<1x1x64xf32, #tpu.memory_space<hbm>> -> memref<64xf32, #tpu.memory_space<hbm>>
      tpu.wait_dma2 semaphore(%arg7 : memref<!tpu.dma_semaphore, #tpu.memory_space<semaphore_mem>>) src(%dma_wait3A_1720 : memref<64xf32, #tpu.memory_space<hbm>>) dst(%dma_wait3A_1717 : memref<64xf32, #tpu.memory_space<vmem>>)
      %dma_wait3A_1721 = arith.constant 0 : i32
      %dma_wait3A_1722 = arith.constant 0 : i32
      %dma_wait3A_1723 = arith.constant 0 : i32
      %dma_wait3A_1724 = tpu.memref_slice %arg6[%dma_wait3A_1722, %dma_wait3A_1723] : memref<512x64xf32, #tpu.memory_space<vmem>> -> memref<1x64xf32, #tpu.memory_space<vmem>>
      %dma_wait3A_1725 = tpu.memref_squeeze %dma_wait3A_1724 : memref<1x64xf32, #tpu.memory_space<vmem>> -> memref<64xf32, #tpu.memory_space<vmem>>
      %dma_wait3A_1726 = arith.constant 0 : i32
      %dma_wait3A_1727 = tpu.memref_slice %arg3[%mul3A_2, %dma_wait3A_1721, %dma_wait3A_1726] : memref<16384x100x64xf32, #tpu.memory_space<hbm>> -> memref<1x1x64xf32, #tpu.memory_space<hbm>>
      %dma_wait3A_1728 = tpu.memref_squeeze %dma_wait3A_1727 : memref<1x1x64xf32, #tpu.memory_space<hbm>> -> memref<64xf32, #tpu.memory_space<hbm>>
      %dma_wait3A_1729 = arith.constant 0 : i32
      %dma_wait3A_1730 = tpu.memref_slice %arg6[%dma_wait3A_1722, %dma_wait3A_1729] : memref<512x64xf32, #tpu.memory_space<vmem>> -> memref<1x64xf32, #tpu.memory_space<vmem>>
      %dma_wait3A_1731 = tpu.memref_squeeze %dma_wait3A_1730 : memref<1x64xf32, #tpu.memory_space<vmem>> -> memref<64xf32, #tpu.memory_space<vmem>>
      %dma_wait3A_1732 = arith.constant 0 : i32
      %dma_wait3A_1733 = tpu.memref_slice %arg3[%mul3A_2, %dma_wait3A_1721, %dma_wait3A_1732] : memref<16384x100x64xf32, #tpu.memory_space<hbm>> -> memref<1x1x64xf32, #tpu.memory_space<hbm>>
      %dma_wait3A_1734 = tpu.memref_squeeze %dma_wait3A_1733 : memref<1x1x64xf32, #tpu.memory_space<hbm>> -> memref<64xf32, #tpu.memory_space<hbm>>
      tpu.wait_dma2 semaphore(%arg7 : memref<!tpu.dma_semaphore, #tpu.memory_space<semaphore_mem>>) src(%dma_wait3A_1734 : memref<64xf32, #tpu.memory_space<hbm>>) dst(%dma_wait3A_1731 : memref<64xf32, #tpu.memory_space<vmem>>)
      %dma_wait3A_1735 = arith.constant 0 : i32
      %dma_wait3A_1736 = arith.constant 0 : i32
      %dma_wait3A_1737 = arith.constant 0 : i32
      %dma_wait3A_1738 = tpu.memref_slice %arg6[%dma_wait3A_1736, %dma_wait3A_1737] : memref<512x64xf32, #tpu.memory_space<vmem>> -> memref<1x64xf32, #tpu.memory_space<vmem>>
      %dma_wait3A_1739 = tpu.memref_squeeze %dma_wait3A_1738 : memref<1x64xf32, #tpu.memory_space<vmem>> -> memref<64xf32, #tpu.memory_space<vmem>>
      %dma_wait3A_1740 = arith.constant 0 : i32
      %dma_wait3A_1741 = tpu.memref_slice %arg3[%mul3A_2, %dma_wait3A_1735, %dma_wait3A_1740] : memref<16384x100x64xf32, #tpu.memory_space<hbm>> -> memref<1x1x64xf32, #tpu.memory_space<hbm>>
      %dma_wait3A_1742 = tpu.memref_squeeze %dma_wait3A_1741 : memref<1x1x64xf32, #tpu.memory_space<hbm>> -> memref<64xf32, #tpu.memory_space<hbm>>
      %dma_wait3A_1743 = arith.constant 0 : i32
      %dma_wait3A_1744 = tpu.memref_slice %arg6[%dma_wait3A_1736, %dma_wait3A_1743] : memref<512x64xf32, #tpu.memory_space<vmem>> -> memref<1x64xf32, #tpu.memory_space<vmem>>
      %dma_wait3A_1745 = tpu.memref_squeeze %dma_wait3A_1744 : memref<1x64xf32, #tpu.memory_space<vmem>> -> memref<64xf32, #tpu.memory_space<vmem>>
      %dma_wait3A_1746 = arith.constant 0 : i32
      %dma_wait3A_1747 = tpu.memref_slice %arg3[%mul3A_2, %dma_wait3A_1735, %dma_wait3A_1746] : memref<16384x100x64xf32, #tpu.memory_space<hbm>> -> memref<1x1x64xf32, #tpu.memory_space<hbm>>
      %dma_wait3A_1748 = tpu.memref_squeeze %dma_wait3A_1747 : memref<1x1x64xf32, #tpu.memory_space<hbm>> -> memref<64xf32, #tpu.memory_space<hbm>>
      tpu.wait_dma2 semaphore(%arg7 : memref<!tpu.dma_semaphore, #tpu.memory_space<semaphore_mem>>) src(%dma_wait3A_1748 : memref<64xf32, #tpu.memory_space<hbm>>) dst(%dma_wait3A_1745 : memref<64xf32, #tpu.memory_space<vmem>>)
      %dma_wait3A_1749 = arith.constant 0 : i32
      %dma_wait3A_1750 = arith.constant 0 : i32
      %dma_wait3A_1751 = arith.constant 0 : i32
      %dma_wait3A_1752 = tpu.memref_slice %arg6[%dma_wait3A_1750, %dma_wait3A_1751] : memref<512x64xf32, #tpu.memory_space<vmem>> -> memref<1x64xf32, #tpu.memory_space<vmem>>
      %dma_wait3A_1753 = tpu.memref_squeeze %dma_wait3A_1752 : memref<1x64xf32, #tpu.memory_space<vmem>> -> memref<64xf32, #tpu.memory_space<vmem>>
      %dma_wait3A_1754 = arith.constant 0 : i32
      %dma_wait3A_1755 = tpu.memref_slice %arg3[%mul3A_2, %dma_wait3A_1749, %dma_wait3A_1754] : memref<16384x100x64xf32, #tpu.memory_space<hbm>> -> memref<1x1x64xf32, #tpu.memory_space<hbm>>
      %dma_wait3A_1756 = tpu.memref_squeeze %dma_wait3A_1755 : memref<1x1x64xf32, #tpu.memory_space<hbm>> -> memref<64xf32, #tpu.memory_space<hbm>>
      %dma_wait3A_1757 = arith.constant 0 : i32
      %dma_wait3A_1758 = tpu.memref_slice %arg6[%dma_wait3A_1750, %dma_wait3A_1757] : memref<512x64xf32, #tpu.memory_space<vmem>> -> memref<1x64xf32, #tpu.memory_space<vmem>>
      %dma_wait3A_1759 = tpu.memref_squeeze %dma_wait3A_1758 : memref<1x64xf32, #tpu.memory_space<vmem>> -> memref<64xf32, #tpu.memory_space<vmem>>
      %dma_wait3A_1760 = arith.constant 0 : i32
      %dma_wait3A_1761 = tpu.memref_slice %arg3[%mul3A_2, %dma_wait3A_1749, %dma_wait3A_1760] : memref<16384x100x64xf32, #tpu.memory_space<hbm>> -> memref<1x1x64xf32, #tpu.memory_space<hbm>>
      %dma_wait3A_1762 = tpu.memref_squeeze %dma_wait3A_1761 : memref<1x1x64xf32, #tpu.memory_space<hbm>> -> memref<64xf32, #tpu.memory_space<hbm>>
      tpu.wait_dma2 semaphore(%arg7 : memref<!tpu.dma_semaphore, #tpu.memory_space<semaphore_mem>>) src(%dma_wait3A_1762 : memref<64xf32, #tpu.memory_space<hbm>>) dst(%dma_wait3A_1759 : memref<64xf32, #tpu.memory_space<vmem>>)
      %dma_wait3A_1763 = arith.constant 0 : i32
      %dma_wait3A_1764 = arith.constant 0 : i32
      %dma_wait3A_1765 = arith.constant 0 : i32
      %dma_wait3A_1766 = tpu.memref_slice %arg6[%dma_wait3A_1764, %dma_wait3A_1765] : memref<512x64xf32, #tpu.memory_space<vmem>> -> memref<1x64xf32, #tpu.memory_space<vmem>>
      %dma_wait3A_1767 = tpu.memref_squeeze %dma_wait3A_1766 : memref<1x64xf32, #tpu.memory_space<vmem>> -> memref<64xf32, #tpu.memory_space<vmem>>
      %dma_wait3A_1768 = arith.constant 0 : i32
      %dma_wait3A_1769 = tpu.memref_slice %arg3[%mul3A_2, %dma_wait3A_1763, %dma_wait3A_1768] : memref<16384x100x64xf32, #tpu.memory_space<hbm>> -> memref<1x1x64xf32, #tpu.memory_space<hbm>>
      %dma_wait3A_1770 = tpu.memref_squeeze %dma_wait3A_1769 : memref<1x1x64xf32, #tpu.memory_space<hbm>> -> memref<64xf32, #tpu.memory_space<hbm>>
      %dma_wait3A_1771 = arith.constant 0 : i32
      %dma_wait3A_1772 = tpu.memref_slice %arg6[%dma_wait3A_1764, %dma_wait3A_1771] : memref<512x64xf32, #tpu.memory_space<vmem>> -> memref<1x64xf32, #tpu.memory_space<vmem>>
      %dma_wait3A_1773 = tpu.memref_squeeze %dma_wait3A_1772 : memref<1x64xf32, #tpu.memory_space<vmem>> -> memref<64xf32, #tpu.memory_space<vmem>>
      %dma_wait3A_1774 = arith.constant 0 : i32
      %dma_wait3A_1775 = tpu.memref_slice %arg3[%mul3A_2, %dma_wait3A_1763, %dma_wait3A_1774] : memref<16384x100x64xf32, #tpu.memory_space<hbm>> -> memref<1x1x64xf32, #tpu.memory_space<hbm>>
      %dma_wait3A_1776 = tpu.memref_squeeze %dma_wait3A_1775 : memref<1x1x64xf32, #tpu.memory_space<hbm>> -> memref<64xf32, #tpu.memory_space<hbm>>
      tpu.wait_dma2 semaphore(%arg7 : memref<!tpu.dma_semaphore, #tpu.memory_space<semaphore_mem>>) src(%dma_wait3A_1776 : memref<64xf32, #tpu.memory_space<hbm>>) dst(%dma_wait3A_1773 : memref<64xf32, #tpu.memory_space<vmem>>)
      %dma_wait3A_1777 = arith.constant 0 : i32
      %dma_wait3A_1778 = arith.constant 0 : i32
      %dma_wait3A_1779 = arith.constant 0 : i32
      %dma_wait3A_1780 = tpu.memref_slice %arg6[%dma_wait3A_1778, %dma_wait3A_1779] : memref<512x64xf32, #tpu.memory_space<vmem>> -> memref<1x64xf32, #tpu.memory_space<vmem>>
      %dma_wait3A_1781 = tpu.memref_squeeze %dma_wait3A_1780 : memref<1x64xf32, #tpu.memory_space<vmem>> -> memref<64xf32, #tpu.memory_space<vmem>>
      %dma_wait3A_1782 = arith.constant 0 : i32
      %dma_wait3A_1783 = tpu.memref_slice %arg3[%mul3A_2, %dma_wait3A_1777, %dma_wait3A_1782] : memref<16384x100x64xf32, #tpu.memory_space<hbm>> -> memref<1x1x64xf32, #tpu.memory_space<hbm>>
      %dma_wait3A_1784 = tpu.memref_squeeze %dma_wait3A_1783 : memref<1x1x64xf32, #tpu.memory_space<hbm>> -> memref<64xf32, #tpu.memory_space<hbm>>
      %dma_wait3A_1785 = arith.constant 0 : i32
      %dma_wait3A_1786 = tpu.memref_slice %arg6[%dma_wait3A_1778, %dma_wait3A_1785] : memref<512x64xf32, #tpu.memory_space<vmem>> -> memref<1x64xf32, #tpu.memory_space<vmem>>
      %dma_wait3A_1787 = tpu.memref_squeeze %dma_wait3A_1786 : memref<1x64xf32, #tpu.memory_space<vmem>> -> memref<64xf32, #tpu.memory_space<vmem>>
      %dma_wait3A_1788 = arith.constant 0 : i32
      %dma_wait3A_1789 = tpu.memref_slice %arg3[%mul3A_2, %dma_wait3A_1777, %dma_wait3A_1788] : memref<16384x100x64xf32, #tpu.memory_space<hbm>> -> memref<1x1x64xf32, #tpu.memory_space<hbm>>
      %dma_wait3A_1790 = tpu.memref_squeeze %dma_wait3A_1789 : memref<1x1x64xf32, #tpu.memory_space<hbm>> -> memref<64xf32, #tpu.memory_space<hbm>>
      tpu.wait_dma2 semaphore(%arg7 : memref<!tpu.dma_semaphore, #tpu.memory_space<semaphore_mem>>) src(%dma_wait3A_1790 : memref<64xf32, #tpu.memory_space<hbm>>) dst(%dma_wait3A_1787 : memref<64xf32, #tpu.memory_space<vmem>>)
      %dma_wait3A_1791 = arith.constant 0 : i32
      %dma_wait3A_1792 = arith.constant 0 : i32
      %dma_wait3A_1793 = arith.constant 0 : i32
      %dma_wait3A_1794 = tpu.memref_slice %arg6[%dma_wait3A_1792, %dma_wait3A_1793] : memref<512x64xf32, #tpu.memory_space<vmem>> -> memref<1x64xf32, #tpu.memory_space<vmem>>
      %dma_wait3A_1795 = tpu.memref_squeeze %dma_wait3A_1794 : memref<1x64xf32, #tpu.memory_space<vmem>> -> memref<64xf32, #tpu.memory_space<vmem>>
      %dma_wait3A_1796 = arith.constant 0 : i32
      %dma_wait3A_1797 = tpu.memref_slice %arg3[%mul3A_2, %dma_wait3A_1791, %dma_wait3A_1796] : memref<16384x100x64xf32, #tpu.memory_space<hbm>> -> memref<1x1x64xf32, #tpu.memory_space<hbm>>
      %dma_wait3A_1798 = tpu.memref_squeeze %dma_wait3A_1797 : memref<1x1x64xf32, #tpu.memory_space<hbm>> -> memref<64xf32, #tpu.memory_space<hbm>>
      %dma_wait3A_1799 = arith.constant 0 : i32
      %dma_wait3A_1800 = tpu.memref_slice %arg6[%dma_wait3A_1792, %dma_wait3A_1799] : memref<512x64xf32, #tpu.memory_space<vmem>> -> memref<1x64xf32, #tpu.memory_space<vmem>>
      %dma_wait3A_1801 = tpu.memref_squeeze %dma_wait3A_1800 : memref<1x64xf32, #tpu.memory_space<vmem>> -> memref<64xf32, #tpu.memory_space<vmem>>
      %dma_wait3A_1802 = arith.constant 0 : i32
      %dma_wait3A_1803 = tpu.memref_slice %arg3[%mul3A_2, %dma_wait3A_1791, %dma_wait3A_1802] : memref<16384x100x64xf32, #tpu.memory_space<hbm>> -> memref<1x1x64xf32, #tpu.memory_space<hbm>>
      %dma_wait3A_1804 = tpu.memref_squeeze %dma_wait3A_1803 : memref<1x1x64xf32, #tpu.memory_space<hbm>> -> memref<64xf32, #tpu.memory_space<hbm>>
      tpu.wait_dma2 semaphore(%arg7 : memref<!tpu.dma_semaphore, #tpu.memory_space<semaphore_mem>>) src(%dma_wait3A_1804 : memref<64xf32, #tpu.memory_space<hbm>>) dst(%dma_wait3A_1801 : memref<64xf32, #tpu.memory_space<vmem>>)
      %dma_wait3A_1805 = arith.constant 0 : i32
      %dma_wait3A_1806 = arith.constant 0 : i32
      %dma_wait3A_1807 = arith.constant 0 : i32
      %dma_wait3A_1808 = tpu.memref_slice %arg6[%dma_wait3A_1806, %dma_wait3A_1807] : memref<512x64xf32, #tpu.memory_space<vmem>> -> memref<1x64xf32, #tpu.memory_space<vmem>>
      %dma_wait3A_1809 = tpu.memref_squeeze %dma_wait3A_1808 : memref<1x64xf32, #tpu.memory_space<vmem>> -> memref<64xf32, #tpu.memory_space<vmem>>
      %dma_wait3A_1810 = arith.constant 0 : i32
      %dma_wait3A_1811 = tpu.memref_slice %arg3[%mul3A_2, %dma_wait3A_1805, %dma_wait3A_1810] : memref<16384x100x64xf32, #tpu.memory_space<hbm>> -> memref<1x1x64xf32, #tpu.memory_space<hbm>>
      %dma_wait3A_1812 = tpu.memref_squeeze %dma_wait3A_1811 : memref<1x1x64xf32, #tpu.memory_space<hbm>> -> memref<64xf32, #tpu.memory_space<hbm>>
      %dma_wait3A_1813 = arith.constant 0 : i32
      %dma_wait3A_1814 = tpu.memref_slice %arg6[%dma_wait3A_1806, %dma_wait3A_1813] : memref<512x64xf32, #tpu.memory_space<vmem>> -> memref<1x64xf32, #tpu.memory_space<vmem>>
      %dma_wait3A_1815 = tpu.memref_squeeze %dma_wait3A_1814 : memref<1x64xf32, #tpu.memory_space<vmem>> -> memref<64xf32, #tpu.memory_space<vmem>>
      %dma_wait3A_1816 = arith.constant 0 : i32
      %dma_wait3A_1817 = tpu.memref_slice %arg3[%mul3A_2, %dma_wait3A_1805, %dma_wait3A_1816] : memref<16384x100x64xf32, #tpu.memory_space<hbm>> -> memref<1x1x64xf32, #tpu.memory_space<hbm>>
      %dma_wait3A_1818 = tpu.memref_squeeze %dma_wait3A_1817 : memref<1x1x64xf32, #tpu.memory_space<hbm>> -> memref<64xf32, #tpu.memory_space<hbm>>
      tpu.wait_dma2 semaphore(%arg7 : memref<!tpu.dma_semaphore, #tpu.memory_space<semaphore_mem>>) src(%dma_wait3A_1818 : memref<64xf32, #tpu.memory_space<hbm>>) dst(%dma_wait3A_1815 : memref<64xf32, #tpu.memory_space<vmem>>)
      %dma_wait3A_1819 = arith.constant 0 : i32
      %dma_wait3A_1820 = arith.constant 0 : i32
      %dma_wait3A_1821 = arith.constant 0 : i32
      %dma_wait3A_1822 = tpu.memref_slice %arg6[%dma_wait3A_1820, %dma_wait3A_1821] : memref<512x64xf32, #tpu.memory_space<vmem>> -> memref<1x64xf32, #tpu.memory_space<vmem>>
      %dma_wait3A_1823 = tpu.memref_squeeze %dma_wait3A_1822 : memref<1x64xf32, #tpu.memory_space<vmem>> -> memref<64xf32, #tpu.memory_space<vmem>>
      %dma_wait3A_1824 = arith.constant 0 : i32
      %dma_wait3A_1825 = tpu.memref_slice %arg3[%mul3A_2, %dma_wait3A_1819, %dma_wait3A_1824] : memref<16384x100x64xf32, #tpu.memory_space<hbm>> -> memref<1x1x64xf32, #tpu.memory_space<hbm>>
      %dma_wait3A_1826 = tpu.memref_squeeze %dma_wait3A_1825 : memref<1x1x64xf32, #tpu.memory_space<hbm>> -> memref<64xf32, #tpu.memory_space<hbm>>
      %dma_wait3A_1827 = arith.constant 0 : i32
      %dma_wait3A_1828 = tpu.memref_slice %arg6[%dma_wait3A_1820, %dma_wait3A_1827] : memref<512x64xf32, #tpu.memory_space<vmem>> -> memref<1x64xf32, #tpu.memory_space<vmem>>
      %dma_wait3A_1829 = tpu.memref_squeeze %dma_wait3A_1828 : memref<1x64xf32, #tpu.memory_space<vmem>> -> memref<64xf32, #tpu.memory_space<vmem>>
      %dma_wait3A_1830 = arith.constant 0 : i32
      %dma_wait3A_1831 = tpu.memref_slice %arg3[%mul3A_2, %dma_wait3A_1819, %dma_wait3A_1830] : memref<16384x100x64xf32, #tpu.memory_space<hbm>> -> memref<1x1x64xf32, #tpu.memory_space<hbm>>
      %dma_wait3A_1832 = tpu.memref_squeeze %dma_wait3A_1831 : memref<1x1x64xf32, #tpu.memory_space<hbm>> -> memref<64xf32, #tpu.memory_space<hbm>>
      tpu.wait_dma2 semaphore(%arg7 : memref<!tpu.dma_semaphore, #tpu.memory_space<semaphore_mem>>) src(%dma_wait3A_1832 : memref<64xf32, #tpu.memory_space<hbm>>) dst(%dma_wait3A_1829 : memref<64xf32, #tpu.memory_space<vmem>>)
      %dma_wait3A_1833 = arith.constant 0 : i32
      %dma_wait3A_1834 = arith.constant 0 : i32
      %dma_wait3A_1835 = arith.constant 0 : i32
      %dma_wait3A_1836 = tpu.memref_slice %arg6[%dma_wait3A_1834, %dma_wait3A_1835] : memref<512x64xf32, #tpu.memory_space<vmem>> -> memref<1x64xf32, #tpu.memory_space<vmem>>
      %dma_wait3A_1837 = tpu.memref_squeeze %dma_wait3A_1836 : memref<1x64xf32, #tpu.memory_space<vmem>> -> memref<64xf32, #tpu.memory_space<vmem>>
      %dma_wait3A_1838 = arith.constant 0 : i32
      %dma_wait3A_1839 = tpu.memref_slice %arg3[%mul3A_2, %dma_wait3A_1833, %dma_wait3A_1838] : memref<16384x100x64xf32, #tpu.memory_space<hbm>> -> memref<1x1x64xf32, #tpu.memory_space<hbm>>
      %dma_wait3A_1840 = tpu.memref_squeeze %dma_wait3A_1839 : memref<1x1x64xf32, #tpu.memory_space<hbm>> -> memref<64xf32, #tpu.memory_space<hbm>>
      %dma_wait3A_1841 = arith.constant 0 : i32
      %dma_wait3A_1842 = tpu.memref_slice %arg6[%dma_wait3A_1834, %dma_wait3A_1841] : memref<512x64xf32, #tpu.memory_space<vmem>> -> memref<1x64xf32, #tpu.memory_space<vmem>>
      %dma_wait3A_1843 = tpu.memref_squeeze %dma_wait3A_1842 : memref<1x64xf32, #tpu.memory_space<vmem>> -> memref<64xf32, #tpu.memory_space<vmem>>
      %dma_wait3A_1844 = arith.constant 0 : i32
      %dma_wait3A_1845 = tpu.memref_slice %arg3[%mul3A_2, %dma_wait3A_1833, %dma_wait3A_1844] : memref<16384x100x64xf32, #tpu.memory_space<hbm>> -> memref<1x1x64xf32, #tpu.memory_space<hbm>>
      %dma_wait3A_1846 = tpu.memref_squeeze %dma_wait3A_1845 : memref<1x1x64xf32, #tpu.memory_space<hbm>> -> memref<64xf32, #tpu.memory_space<hbm>>
      tpu.wait_dma2 semaphore(%arg7 : memref<!tpu.dma_semaphore, #tpu.memory_space<semaphore_mem>>) src(%dma_wait3A_1846 : memref<64xf32, #tpu.memory_space<hbm>>) dst(%dma_wait3A_1843 : memref<64xf32, #tpu.memory_space<vmem>>)
      %dma_wait3A_1847 = arith.constant 0 : i32
      %dma_wait3A_1848 = arith.constant 0 : i32
      %dma_wait3A_1849 = arith.constant 0 : i32
      %dma_wait3A_1850 = tpu.memref_slice %arg6[%dma_wait3A_1848, %dma_wait3A_1849] : memref<512x64xf32, #tpu.memory_space<vmem>> -> memref<1x64xf32, #tpu.memory_space<vmem>>
      %dma_wait3A_1851 = tpu.memref_squeeze %dma_wait3A_1850 : memref<1x64xf32, #tpu.memory_space<vmem>> -> memref<64xf32, #tpu.memory_space<vmem>>
      %dma_wait3A_1852 = arith.constant 0 : i32
      %dma_wait3A_1853 = tpu.memref_slice %arg3[%mul3A_2, %dma_wait3A_1847, %dma_wait3A_1852] : memref<16384x100x64xf32, #tpu.memory_space<hbm>> -> memref<1x1x64xf32, #tpu.memory_space<hbm>>
      %dma_wait3A_1854 = tpu.memref_squeeze %dma_wait3A_1853 : memref<1x1x64xf32, #tpu.memory_space<hbm>> -> memref<64xf32, #tpu.memory_space<hbm>>
      %dma_wait3A_1855 = arith.constant 0 : i32
      %dma_wait3A_1856 = tpu.memref_slice %arg6[%dma_wait3A_1848, %dma_wait3A_1855] : memref<512x64xf32, #tpu.memory_space<vmem>> -> memref<1x64xf32, #tpu.memory_space<vmem>>
      %dma_wait3A_1857 = tpu.memref_squeeze %dma_wait3A_1856 : memref<1x64xf32, #tpu.memory_space<vmem>> -> memref<64xf32, #tpu.memory_space<vmem>>
      %dma_wait3A_1858 = arith.constant 0 : i32
      %dma_wait3A_1859 = tpu.memref_slice %arg3[%mul3A_2, %dma_wait3A_1847, %dma_wait3A_1858] : memref<16384x100x64xf32, #tpu.memory_space<hbm>> -> memref<1x1x64xf32, #tpu.memory_space<hbm>>
      %dma_wait3A_1860 = tpu.memref_squeeze %dma_wait3A_1859 : memref<1x1x64xf32, #tpu.memory_space<hbm>> -> memref<64xf32, #tpu.memory_space<hbm>>
      tpu.wait_dma2 semaphore(%arg7 : memref<!tpu.dma_semaphore, #tpu.memory_space<semaphore_mem>>) src(%dma_wait3A_1860 : memref<64xf32, #tpu.memory_space<hbm>>) dst(%dma_wait3A_1857 : memref<64xf32, #tpu.memory_space<vmem>>)
      %dma_wait3A_1861 = arith.constant 0 : i32
      %dma_wait3A_1862 = arith.constant 0 : i32
      %dma_wait3A_1863 = arith.constant 0 : i32
      %dma_wait3A_1864 = tpu.memref_slice %arg6[%dma_wait3A_1862, %dma_wait3A_1863] : memref<512x64xf32, #tpu.memory_space<vmem>> -> memref<1x64xf32, #tpu.memory_space<vmem>>
      %dma_wait3A_1865 = tpu.memref_squeeze %dma_wait3A_1864 : memref<1x64xf32, #tpu.memory_space<vmem>> -> memref<64xf32, #tpu.memory_space<vmem>>
      %dma_wait3A_1866 = arith.constant 0 : i32
      %dma_wait3A_1867 = tpu.memref_slice %arg3[%mul3A_2, %dma_wait3A_1861, %dma_wait3A_1866] : memref<16384x100x64xf32, #tpu.memory_space<hbm>> -> memref<1x1x64xf32, #tpu.memory_space<hbm>>
      %dma_wait3A_1868 = tpu.memref_squeeze %dma_wait3A_1867 : memref<1x1x64xf32, #tpu.memory_space<hbm>> -> memref<64xf32, #tpu.memory_space<hbm>>
      %dma_wait3A_1869 = arith.constant 0 : i32
      %dma_wait3A_1870 = tpu.memref_slice %arg6[%dma_wait3A_1862, %dma_wait3A_1869] : memref<512x64xf32, #tpu.memory_space<vmem>> -> memref<1x64xf32, #tpu.memory_space<vmem>>
      %dma_wait3A_1871 = tpu.memref_squeeze %dma_wait3A_1870 : memref<1x64xf32, #tpu.memory_space<vmem>> -> memref<64xf32, #tpu.memory_space<vmem>>
      %dma_wait3A_1872 = arith.constant 0 : i32
      %dma_wait3A_1873 = tpu.memref_slice %arg3[%mul3A_2, %dma_wait3A_1861, %dma_wait3A_1872] : memref<16384x100x64xf32, #tpu.memory_space<hbm>> -> memref<1x1x64xf32, #tpu.memory_space<hbm>>
      %dma_wait3A_1874 = tpu.memref_squeeze %dma_wait3A_1873 : memref<1x1x64xf32, #tpu.memory_space<hbm>> -> memref<64xf32, #tpu.memory_space<hbm>>
      tpu.wait_dma2 semaphore(%arg7 : memref<!tpu.dma_semaphore, #tpu.memory_space<semaphore_mem>>) src(%dma_wait3A_1874 : memref<64xf32, #tpu.memory_space<hbm>>) dst(%dma_wait3A_1871 : memref<64xf32, #tpu.memory_space<vmem>>)
      %dma_wait3A_1875 = arith.constant 0 : i32
      %dma_wait3A_1876 = arith.constant 0 : i32
      %dma_wait3A_1877 = arith.constant 0 : i32
      %dma_wait3A_1878 = tpu.memref_slice %arg6[%dma_wait3A_1876, %dma_wait3A_1877] : memref<512x64xf32, #tpu.memory_space<vmem>> -> memref<1x64xf32, #tpu.memory_space<vmem>>
      %dma_wait3A_1879 = tpu.memref_squeeze %dma_wait3A_1878 : memref<1x64xf32, #tpu.memory_space<vmem>> -> memref<64xf32, #tpu.memory_space<vmem>>
      %dma_wait3A_1880 = arith.constant 0 : i32
      %dma_wait3A_1881 = tpu.memref_slice %arg3[%mul3A_2, %dma_wait3A_1875, %dma_wait3A_1880] : memref<16384x100x64xf32, #tpu.memory_space<hbm>> -> memref<1x1x64xf32, #tpu.memory_space<hbm>>
      %dma_wait3A_1882 = tpu.memref_squeeze %dma_wait3A_1881 : memref<1x1x64xf32, #tpu.memory_space<hbm>> -> memref<64xf32, #tpu.memory_space<hbm>>
      %dma_wait3A_1883 = arith.constant 0 : i32
      %dma_wait3A_1884 = tpu.memref_slice %arg6[%dma_wait3A_1876, %dma_wait3A_1883] : memref<512x64xf32, #tpu.memory_space<vmem>> -> memref<1x64xf32, #tpu.memory_space<vmem>>
      %dma_wait3A_1885 = tpu.memref_squeeze %dma_wait3A_1884 : memref<1x64xf32, #tpu.memory_space<vmem>> -> memref<64xf32, #tpu.memory_space<vmem>>
      %dma_wait3A_1886 = arith.constant 0 : i32
      %dma_wait3A_1887 = tpu.memref_slice %arg3[%mul3A_2, %dma_wait3A_1875, %dma_wait3A_1886] : memref<16384x100x64xf32, #tpu.memory_space<hbm>> -> memref<1x1x64xf32, #tpu.memory_space<hbm>>
      %dma_wait3A_1888 = tpu.memref_squeeze %dma_wait3A_1887 : memref<1x1x64xf32, #tpu.memory_space<hbm>> -> memref<64xf32, #tpu.memory_space<hbm>>
      tpu.wait_dma2 semaphore(%arg7 : memref<!tpu.dma_semaphore, #tpu.memory_space<semaphore_mem>>) src(%dma_wait3A_1888 : memref<64xf32, #tpu.memory_space<hbm>>) dst(%dma_wait3A_1885 : memref<64xf32, #tpu.memory_space<vmem>>)
      %dma_wait3A_1889 = arith.constant 0 : i32
      %dma_wait3A_1890 = arith.constant 0 : i32
      %dma_wait3A_1891 = arith.constant 0 : i32
      %dma_wait3A_1892 = tpu.memref_slice %arg6[%dma_wait3A_1890, %dma_wait3A_1891] : memref<512x64xf32, #tpu.memory_space<vmem>> -> memref<1x64xf32, #tpu.memory_space<vmem>>
      %dma_wait3A_1893 = tpu.memref_squeeze %dma_wait3A_1892 : memref<1x64xf32, #tpu.memory_space<vmem>> -> memref<64xf32, #tpu.memory_space<vmem>>
      %dma_wait3A_1894 = arith.constant 0 : i32
      %dma_wait3A_1895 = tpu.memref_slice %arg3[%mul3A_2, %dma_wait3A_1889, %dma_wait3A_1894] : memref<16384x100x64xf32, #tpu.memory_space<hbm>> -> memref<1x1x64xf32, #tpu.memory_space<hbm>>
      %dma_wait3A_1896 = tpu.memref_squeeze %dma_wait3A_1895 : memref<1x1x64xf32, #tpu.memory_space<hbm>> -> memref<64xf32, #tpu.memory_space<hbm>>
      %dma_wait3A_1897 = arith.constant 0 : i32
      %dma_wait3A_1898 = tpu.memref_slice %arg6[%dma_wait3A_1890, %dma_wait3A_1897] : memref<512x64xf32, #tpu.memory_space<vmem>> -> memref<1x64xf32, #tpu.memory_space<vmem>>
      %dma_wait3A_1899 = tpu.memref_squeeze %dma_wait3A_1898 : memref<1x64xf32, #tpu.memory_space<vmem>> -> memref<64xf32, #tpu.memory_space<vmem>>
      %dma_wait3A_1900 = arith.constant 0 : i32
      %dma_wait3A_1901 = tpu.memref_slice %arg3[%mul3A_2, %dma_wait3A_1889, %dma_wait3A_1900] : memref<16384x100x64xf32, #tpu.memory_space<hbm>> -> memref<1x1x64xf32, #tpu.memory_space<hbm>>
      %dma_wait3A_1902 = tpu.memref_squeeze %dma_wait3A_1901 : memref<1x1x64xf32, #tpu.memory_space<hbm>> -> memref<64xf32, #tpu.memory_space<hbm>>
      tpu.wait_dma2 semaphore(%arg7 : memref<!tpu.dma_semaphore, #tpu.memory_space<semaphore_mem>>) src(%dma_wait3A_1902 : memref<64xf32, #tpu.memory_space<hbm>>) dst(%dma_wait3A_1899 : memref<64xf32, #tpu.memory_space<vmem>>)
      %dma_wait3A_1903 = arith.constant 0 : i32
      %dma_wait3A_1904 = arith.constant 0 : i32
      %dma_wait3A_1905 = arith.constant 0 : i32
      %dma_wait3A_1906 = tpu.memref_slice %arg6[%dma_wait3A_1904, %dma_wait3A_1905] : memref<512x64xf32, #tpu.memory_space<vmem>> -> memref<1x64xf32, #tpu.memory_space<vmem>>
      %dma_wait3A_1907 = tpu.memref_squeeze %dma_wait3A_1906 : memref<1x64xf32, #tpu.memory_space<vmem>> -> memref<64xf32, #tpu.memory_space<vmem>>
      %dma_wait3A_1908 = arith.constant 0 : i32
      %dma_wait3A_1909 = tpu.memref_slice %arg3[%mul3A_2, %dma_wait3A_1903, %dma_wait3A_1908] : memref<16384x100x64xf32, #tpu.memory_space<hbm>> -> memref<1x1x64xf32, #tpu.memory_space<hbm>>
      %dma_wait3A_1910 = tpu.memref_squeeze %dma_wait3A_1909 : memref<1x1x64xf32, #tpu.memory_space<hbm>> -> memref<64xf32, #tpu.memory_space<hbm>>
      %dma_wait3A_1911 = arith.constant 0 : i32
      %dma_wait3A_1912 = tpu.memref_slice %arg6[%dma_wait3A_1904, %dma_wait3A_1911] : memref<512x64xf32, #tpu.memory_space<vmem>> -> memref<1x64xf32, #tpu.memory_space<vmem>>
      %dma_wait3A_1913 = tpu.memref_squeeze %dma_wait3A_1912 : memref<1x64xf32, #tpu.memory_space<vmem>> -> memref<64xf32, #tpu.memory_space<vmem>>
      %dma_wait3A_1914 = arith.constant 0 : i32
      %dma_wait3A_1915 = tpu.memref_slice %arg3[%mul3A_2, %dma_wait3A_1903, %dma_wait3A_1914] : memref<16384x100x64xf32, #tpu.memory_space<hbm>> -> memref<1x1x64xf32, #tpu.memory_space<hbm>>
      %dma_wait3A_1916 = tpu.memref_squeeze %dma_wait3A_1915 : memref<1x1x64xf32, #tpu.memory_space<hbm>> -> memref<64xf32, #tpu.memory_space<hbm>>
      tpu.wait_dma2 semaphore(%arg7 : memref<!tpu.dma_semaphore, #tpu.memory_space<semaphore_mem>>) src(%dma_wait3A_1916 : memref<64xf32, #tpu.memory_space<hbm>>) dst(%dma_wait3A_1913 : memref<64xf32, #tpu.memory_space<vmem>>)
      %dma_wait3A_1917 = arith.constant 0 : i32
      %dma_wait3A_1918 = arith.constant 0 : i32
      %dma_wait3A_1919 = arith.constant 0 : i32
      %dma_wait3A_1920 = tpu.memref_slice %arg6[%dma_wait3A_1918, %dma_wait3A_1919] : memref<512x64xf32, #tpu.memory_space<vmem>> -> memref<1x64xf32, #tpu.memory_space<vmem>>
      %dma_wait3A_1921 = tpu.memref_squeeze %dma_wait3A_1920 : memref<1x64xf32, #tpu.memory_space<vmem>> -> memref<64xf32, #tpu.memory_space<vmem>>
      %dma_wait3A_1922 = arith.constant 0 : i32
      %dma_wait3A_1923 = tpu.memref_slice %arg3[%mul3A_2, %dma_wait3A_1917, %dma_wait3A_1922] : memref<16384x100x64xf32, #tpu.memory_space<hbm>> -> memref<1x1x64xf32, #tpu.memory_space<hbm>>
      %dma_wait3A_1924 = tpu.memref_squeeze %dma_wait3A_1923 : memref<1x1x64xf32, #tpu.memory_space<hbm>> -> memref<64xf32, #tpu.memory_space<hbm>>
      %dma_wait3A_1925 = arith.constant 0 : i32
      %dma_wait3A_1926 = tpu.memref_slice %arg6[%dma_wait3A_1918, %dma_wait3A_1925] : memref<512x64xf32, #tpu.memory_space<vmem>> -> memref<1x64xf32, #tpu.memory_space<vmem>>
      %dma_wait3A_1927 = tpu.memref_squeeze %dma_wait3A_1926 : memref<1x64xf32, #tpu.memory_space<vmem>> -> memref<64xf32, #tpu.memory_space<vmem>>
      %dma_wait3A_1928 = arith.constant 0 : i32
      %dma_wait3A_1929 = tpu.memref_slice %arg3[%mul3A_2, %dma_wait3A_1917, %dma_wait3A_1928] : memref<16384x100x64xf32, #tpu.memory_space<hbm>> -> memref<1x1x64xf32, #tpu.memory_space<hbm>>
      %dma_wait3A_1930 = tpu.memref_squeeze %dma_wait3A_1929 : memref<1x1x64xf32, #tpu.memory_space<hbm>> -> memref<64xf32, #tpu.memory_space<hbm>>
      tpu.wait_dma2 semaphore(%arg7 : memref<!tpu.dma_semaphore, #tpu.memory_space<semaphore_mem>>) src(%dma_wait3A_1930 : memref<64xf32, #tpu.memory_space<hbm>>) dst(%dma_wait3A_1927 : memref<64xf32, #tpu.memory_space<vmem>>)
    }
    %scan3A_816 = arith.constant 30 : i32
    %dma_wait3A = arith.constant 0 : i32
    %dma_wait3A_817 = arith.constant 0 : i32
    %dma_wait3A_818 = arith.constant 0 : i32
    %dma_wait3A_819 = tpu.memref_slice %arg6[%dma_wait3A_817, %dma_wait3A_818] : memref<512x64xf32, #tpu.memory_space<vmem>> -> memref<1x64xf32, #tpu.memory_space<vmem>>
    %dma_wait3A_820 = tpu.memref_squeeze %dma_wait3A_819 : memref<1x64xf32, #tpu.memory_space<vmem>> -> memref<64xf32, #tpu.memory_space<vmem>>
    %dma_wait3A_821 = arith.constant 0 : i32
    %dma_wait3A_822 = tpu.memref_slice %arg3[%mul3A_2, %dma_wait3A, %dma_wait3A_821] : memref<16384x100x64xf32, #tpu.memory_space<hbm>> -> memref<1x1x64xf32, #tpu.memory_space<hbm>>
    %dma_wait3A_823 = tpu.memref_squeeze %dma_wait3A_822 : memref<1x1x64xf32, #tpu.memory_space<hbm>> -> memref<64xf32, #tpu.memory_space<hbm>>
    %dma_wait3A_824 = arith.constant 0 : i32
    %dma_wait3A_825 = tpu.memref_slice %arg6[%dma_wait3A_817, %dma_wait3A_824] : memref<512x64xf32, #tpu.memory_space<vmem>> -> memref<1x64xf32, #tpu.memory_space<vmem>>
    %dma_wait3A_826 = tpu.memref_squeeze %dma_wait3A_825 : memref<1x64xf32, #tpu.memory_space<vmem>> -> memref<64xf32, #tpu.memory_space<vmem>>
    %dma_wait3A_827 = arith.constant 0 : i32
    %dma_wait3A_828 = tpu.memref_slice %arg3[%mul3A_2, %dma_wait3A, %dma_wait3A_827] : memref<16384x100x64xf32, #tpu.memory_space<hbm>> -> memref<1x1x64xf32, #tpu.memory_space<hbm>>
    %dma_wait3A_829 = tpu.memref_squeeze %dma_wait3A_828 : memref<1x1x64xf32, #tpu.memory_space<hbm>> -> memref<64xf32, #tpu.memory_space<hbm>>
    tpu.wait_dma2 semaphore(%arg7 : memref<!tpu.dma_semaphore, #tpu.memory_space<semaphore_mem>>) src(%dma_wait3A_829 : memref<64xf32, #tpu.memory_space<hbm>>) dst(%dma_wait3A_826 : memref<64xf32, #tpu.memory_space<vmem>>)
    %dma_wait3A_830 = arith.constant 0 : i32
    %dma_wait3A_831 = arith.constant 0 : i32
    %dma_wait3A_832 = arith.constant 0 : i32
    %dma_wait3A_833 = tpu.memref_slice %arg6[%dma_wait3A_831, %dma_wait3A_832] : memref<512x64xf32, #tpu.memory_space<vmem>> -> memref<1x64xf32, #tpu.memory_space<vmem>>
    %dma_wait3A_834 = tpu.memref_squeeze %dma_wait3A_833 : memref<1x64xf32, #tpu.memory_space<vmem>> -> memref<64xf32, #tpu.memory_space<vmem>>
    %dma_wait3A_835 = arith.constant 0 : i32
    %dma_wait3A_836 = tpu.memref_slice %arg3[%mul3A_2, %dma_wait3A_830, %dma_wait3A_835] : memref<16384x100x64xf32, #tpu.memory_space<hbm>> -> memref<1x1x64xf32, #tpu.memory_space<hbm>>
    %dma_wait3A_837 = tpu.memref_squeeze %dma_wait3A_836 : memref<1x1x64xf32, #tpu.memory_space<hbm>> -> memref<64xf32, #tpu.memory_space<hbm>>
    %dma_wait3A_838 = arith.constant 0 : i32
    %dma_wait3A_839 = tpu.memref_slice %arg6[%dma_wait3A_831, %dma_wait3A_838] : memref<512x64xf32, #tpu.memory_space<vmem>> -> memref<1x64xf32, #tpu.memory_space<vmem>>
    %dma_wait3A_840 = tpu.memref_squeeze %dma_wait3A_839 : memref<1x64xf32, #tpu.memory_space<vmem>> -> memref<64xf32, #tpu.memory_space<vmem>>
    %dma_wait3A_841 = arith.constant 0 : i32
    %dma_wait3A_842 = tpu.memref_slice %arg3[%mul3A_2, %dma_wait3A_830, %dma_wait3A_841] : memref<16384x100x64xf32, #tpu.memory_space<hbm>> -> memref<1x1x64xf32, #tpu.memory_space<hbm>>
    %dma_wait3A_843 = tpu.memref_squeeze %dma_wait3A_842 : memref<1x1x64xf32, #tpu.memory_space<hbm>> -> memref<64xf32, #tpu.memory_space<hbm>>
    tpu.wait_dma2 semaphore(%arg7 : memref<!tpu.dma_semaphore, #tpu.memory_space<semaphore_mem>>) src(%dma_wait3A_843 : memref<64xf32, #tpu.memory_space<hbm>>) dst(%dma_wait3A_840 : memref<64xf32, #tpu.memory_space<vmem>>)
    %dma_wait3A_844 = arith.constant 0 : i32
    %dma_wait3A_845 = arith.constant 0 : i32
    %dma_wait3A_846 = arith.constant 0 : i32
    %dma_wait3A_847 = tpu.memref_slice %arg6[%dma_wait3A_845, %dma_wait3A_846] : memref<512x64xf32, #tpu.memory_space<vmem>> -> memref<1x64xf32, #tpu.memory_space<vmem>>
    %dma_wait3A_848 = tpu.memref_squeeze %dma_wait3A_847 : memref<1x64xf32, #tpu.memory_space<vmem>> -> memref<64xf32, #tpu.memory_space<vmem>>
    %dma_wait3A_849 = arith.constant 0 : i32
    %dma_wait3A_850 = tpu.memref_slice %arg3[%mul3A_2, %dma_wait3A_844, %dma_wait3A_849] : memref<16384x100x64xf32, #tpu.memory_space<hbm>> -> memref<1x1x64xf32, #tpu.memory_space<hbm>>
    %dma_wait3A_851 = tpu.memref_squeeze %dma_wait3A_850 : memref<1x1x64xf32, #tpu.memory_space<hbm>> -> memref<64xf32, #tpu.memory_space<hbm>>
    %dma_wait3A_852 = arith.constant 0 : i32
    %dma_wait3A_853 = tpu.memref_slice %arg6[%dma_wait3A_845, %dma_wait3A_852] : memref<512x64xf32, #tpu.memory_space<vmem>> -> memref<1x64xf32, #tpu.memory_space<vmem>>
    %dma_wait3A_854 = tpu.memref_squeeze %dma_wait3A_853 : memref<1x64xf32, #tpu.memory_space<vmem>> -> memref<64xf32, #tpu.memory_space<vmem>>
    %dma_wait3A_855 = arith.constant 0 : i32
    %dma_wait3A_856 = tpu.memref_slice %arg3[%mul3A_2, %dma_wait3A_844, %dma_wait3A_855] : memref<16384x100x64xf32, #tpu.memory_space<hbm>> -> memref<1x1x64xf32, #tpu.memory_space<hbm>>
    %dma_wait3A_857 = tpu.memref_squeeze %dma_wait3A_856 : memref<1x1x64xf32, #tpu.memory_space<hbm>> -> memref<64xf32, #tpu.memory_space<hbm>>
    tpu.wait_dma2 semaphore(%arg7 : memref<!tpu.dma_semaphore, #tpu.memory_space<semaphore_mem>>) src(%dma_wait3A_857 : memref<64xf32, #tpu.memory_space<hbm>>) dst(%dma_wait3A_854 : memref<64xf32, #tpu.memory_space<vmem>>)
    %dma_wait3A_858 = arith.constant 0 : i32
    %dma_wait3A_859 = arith.constant 0 : i32
    %dma_wait3A_860 = arith.constant 0 : i32
    %dma_wait3A_861 = tpu.memref_slice %arg6[%dma_wait3A_859, %dma_wait3A_860] : memref<512x64xf32, #tpu.memory_space<vmem>> -> memref<1x64xf32, #tpu.memory_space<vmem>>
    %dma_wait3A_862 = tpu.memref_squeeze %dma_wait3A_861 : memref<1x64xf32, #tpu.memory_space<vmem>> -> memref<64xf32, #tpu.memory_space<vmem>>
    %dma_wait3A_863 = arith.constant 0 : i32
    %dma_wait3A_864 = tpu.memref_slice %arg3[%mul3A_2, %dma_wait3A_858, %dma_wait3A_863] : memref<16384x100x64xf32, #tpu.memory_space<hbm>> -> memref<1x1x64xf32, #tpu.memory_space<hbm>>
    %dma_wait3A_865 = tpu.memref_squeeze %dma_wait3A_864 : memref<1x1x64xf32, #tpu.memory_space<hbm>> -> memref<64xf32, #tpu.memory_space<hbm>>
    %dma_wait3A_866 = arith.constant 0 : i32
    %dma_wait3A_867 = tpu.memref_slice %arg6[%dma_wait3A_859, %dma_wait3A_866] : memref<512x64xf32, #tpu.memory_space<vmem>> -> memref<1x64xf32, #tpu.memory_space<vmem>>
    %dma_wait3A_868 = tpu.memref_squeeze %dma_wait3A_867 : memref<1x64xf32, #tpu.memory_space<vmem>> -> memref<64xf32, #tpu.memory_space<vmem>>
    %dma_wait3A_869 = arith.constant 0 : i32
    %dma_wait3A_870 = tpu.memref_slice %arg3[%mul3A_2, %dma_wait3A_858, %dma_wait3A_869] : memref<16384x100x64xf32, #tpu.memory_space<hbm>> -> memref<1x1x64xf32, #tpu.memory_space<hbm>>
    %dma_wait3A_871 = tpu.memref_squeeze %dma_wait3A_870 : memref<1x1x64xf32, #tpu.memory_space<hbm>> -> memref<64xf32, #tpu.memory_space<hbm>>
    tpu.wait_dma2 semaphore(%arg7 : memref<!tpu.dma_semaphore, #tpu.memory_space<semaphore_mem>>) src(%dma_wait3A_871 : memref<64xf32, #tpu.memory_space<hbm>>) dst(%dma_wait3A_868 : memref<64xf32, #tpu.memory_space<vmem>>)
    %dma_wait3A_872 = arith.constant 0 : i32
    %dma_wait3A_873 = arith.constant 0 : i32
    %dma_wait3A_874 = arith.constant 0 : i32
    %dma_wait3A_875 = tpu.memref_slice %arg6[%dma_wait3A_873, %dma_wait3A_874] : memref<512x64xf32, #tpu.memory_space<vmem>> -> memref<1x64xf32, #tpu.memory_space<vmem>>
    %dma_wait3A_876 = tpu.memref_squeeze %dma_wait3A_875 : memref<1x64xf32, #tpu.memory_space<vmem>> -> memref<64xf32, #tpu.memory_space<vmem>>
    %dma_wait3A_877 = arith.constant 0 : i32
    %dma_wait3A_878 = tpu.memref_slice %arg3[%mul3A_2, %dma_wait3A_872, %dma_wait3A_877] : memref<16384x100x64xf32, #tpu.memory_space<hbm>> -> memref<1x1x64xf32, #tpu.memory_space<hbm>>
    %dma_wait3A_879 = tpu.memref_squeeze %dma_wait3A_878 : memref<1x1x64xf32, #tpu.memory_space<hbm>> -> memref<64xf32, #tpu.memory_space<hbm>>
    %dma_wait3A_880 = arith.constant 0 : i32
    %dma_wait3A_881 = tpu.memref_slice %arg6[%dma_wait3A_873, %dma_wait3A_880] : memref<512x64xf32, #tpu.memory_space<vmem>> -> memref<1x64xf32, #tpu.memory_space<vmem>>
    %dma_wait3A_882 = tpu.memref_squeeze %dma_wait3A_881 : memref<1x64xf32, #tpu.memory_space<vmem>> -> memref<64xf32, #tpu.memory_space<vmem>>
    %dma_wait3A_883 = arith.constant 0 : i32
    %dma_wait3A_884 = tpu.memref_slice %arg3[%mul3A_2, %dma_wait3A_872, %dma_wait3A_883] : memref<16384x100x64xf32, #tpu.memory_space<hbm>> -> memref<1x1x64xf32, #tpu.memory_space<hbm>>
    %dma_wait3A_885 = tpu.memref_squeeze %dma_wait3A_884 : memref<1x1x64xf32, #tpu.memory_space<hbm>> -> memref<64xf32, #tpu.memory_space<hbm>>
    tpu.wait_dma2 semaphore(%arg7 : memref<!tpu.dma_semaphore, #tpu.memory_space<semaphore_mem>>) src(%dma_wait3A_885 : memref<64xf32, #tpu.memory_space<hbm>>) dst(%dma_wait3A_882 : memref<64xf32, #tpu.memory_space<vmem>>)
    %dma_wait3A_886 = arith.constant 0 : i32
    %dma_wait3A_887 = arith.constant 0 : i32
    %dma_wait3A_888 = arith.constant 0 : i32
    %dma_wait3A_889 = tpu.memref_slice %arg6[%dma_wait3A_887, %dma_wait3A_888] : memref<512x64xf32, #tpu.memory_space<vmem>> -> memref<1x64xf32, #tpu.memory_space<vmem>>
    %dma_wait3A_890 = tpu.memref_squeeze %dma_wait3A_889 : memref<1x64xf32, #tpu.memory_space<vmem>> -> memref<64xf32, #tpu.memory_space<vmem>>
    %dma_wait3A_891 = arith.constant 0 : i32
    %dma_wait3A_892 = tpu.memref_slice %arg3[%mul3A_2, %dma_wait3A_886, %dma_wait3A_891] : memref<16384x100x64xf32, #tpu.memory_space<hbm>> -> memref<1x1x64xf32, #tpu.memory_space<hbm>>
    %dma_wait3A_893 = tpu.memref_squeeze %dma_wait3A_892 : memref<1x1x64xf32, #tpu.memory_space<hbm>> -> memref<64xf32, #tpu.memory_space<hbm>>
    %dma_wait3A_894 = arith.constant 0 : i32
    %dma_wait3A_895 = tpu.memref_slice %arg6[%dma_wait3A_887, %dma_wait3A_894] : memref<512x64xf32, #tpu.memory_space<vmem>> -> memref<1x64xf32, #tpu.memory_space<vmem>>
    %dma_wait3A_896 = tpu.memref_squeeze %dma_wait3A_895 : memref<1x64xf32, #tpu.memory_space<vmem>> -> memref<64xf32, #tpu.memory_space<vmem>>
    %dma_wait3A_897 = arith.constant 0 : i32
    %dma_wait3A_898 = tpu.memref_slice %arg3[%mul3A_2, %dma_wait3A_886, %dma_wait3A_897] : memref<16384x100x64xf32, #tpu.memory_space<hbm>> -> memref<1x1x64xf32, #tpu.memory_space<hbm>>
    %dma_wait3A_899 = tpu.memref_squeeze %dma_wait3A_898 : memref<1x1x64xf32, #tpu.memory_space<hbm>> -> memref<64xf32, #tpu.memory_space<hbm>>
    tpu.wait_dma2 semaphore(%arg7 : memref<!tpu.dma_semaphore, #tpu.memory_space<semaphore_mem>>) src(%dma_wait3A_899 : memref<64xf32, #tpu.memory_space<hbm>>) dst(%dma_wait3A_896 : memref<64xf32, #tpu.memory_space<vmem>>)
    %dma_wait3A_900 = arith.constant 0 : i32
    %dma_wait3A_901 = arith.constant 0 : i32
    %dma_wait3A_902 = arith.constant 0 : i32
    %dma_wait3A_903 = tpu.memref_slice %arg6[%dma_wait3A_901, %dma_wait3A_902] : memref<512x64xf32, #tpu.memory_space<vmem>> -> memref<1x64xf32, #tpu.memory_space<vmem>>
    %dma_wait3A_904 = tpu.memref_squeeze %dma_wait3A_903 : memref<1x64xf32, #tpu.memory_space<vmem>> -> memref<64xf32, #tpu.memory_space<vmem>>
    %dma_wait3A_905 = arith.constant 0 : i32
    %dma_wait3A_906 = tpu.memref_slice %arg3[%mul3A_2, %dma_wait3A_900, %dma_wait3A_905] : memref<16384x100x64xf32, #tpu.memory_space<hbm>> -> memref<1x1x64xf32, #tpu.memory_space<hbm>>
    %dma_wait3A_907 = tpu.memref_squeeze %dma_wait3A_906 : memref<1x1x64xf32, #tpu.memory_space<hbm>> -> memref<64xf32, #tpu.memory_space<hbm>>
    %dma_wait3A_908 = arith.constant 0 : i32
    %dma_wait3A_909 = tpu.memref_slice %arg6[%dma_wait3A_901, %dma_wait3A_908] : memref<512x64xf32, #tpu.memory_space<vmem>> -> memref<1x64xf32, #tpu.memory_space<vmem>>
    %dma_wait3A_910 = tpu.memref_squeeze %dma_wait3A_909 : memref<1x64xf32, #tpu.memory_space<vmem>> -> memref<64xf32, #tpu.memory_space<vmem>>
    %dma_wait3A_911 = arith.constant 0 : i32
    %dma_wait3A_912 = tpu.memref_slice %arg3[%mul3A_2, %dma_wait3A_900, %dma_wait3A_911] : memref<16384x100x64xf32, #tpu.memory_space<hbm>> -> memref<1x1x64xf32, #tpu.memory_space<hbm>>
    %dma_wait3A_913 = tpu.memref_squeeze %dma_wait3A_912 : memref<1x1x64xf32, #tpu.memory_space<hbm>> -> memref<64xf32, #tpu.memory_space<hbm>>
    tpu.wait_dma2 semaphore(%arg7 : memref<!tpu.dma_semaphore, #tpu.memory_space<semaphore_mem>>) src(%dma_wait3A_913 : memref<64xf32, #tpu.memory_space<hbm>>) dst(%dma_wait3A_910 : memref<64xf32, #tpu.memory_space<vmem>>)
    %dma_wait3A_914 = arith.constant 0 : i32
    %dma_wait3A_915 = arith.constant 0 : i32
    %dma_wait3A_916 = arith.constant 0 : i32
    %dma_wait3A_917 = tpu.memref_slice %arg6[%dma_wait3A_915, %dma_wait3A_916] : memref<512x64xf32, #tpu.memory_space<vmem>> -> memref<1x64xf32, #tpu.memory_space<vmem>>
    %dma_wait3A_918 = tpu.memref_squeeze %dma_wait3A_917 : memref<1x64xf32, #tpu.memory_space<vmem>> -> memref<64xf32, #tpu.memory_space<vmem>>
    %dma_wait3A_919 = arith.constant 0 : i32
    %dma_wait3A_920 = tpu.memref_slice %arg3[%mul3A_2, %dma_wait3A_914, %dma_wait3A_919] : memref<16384x100x64xf32, #tpu.memory_space<hbm>> -> memref<1x1x64xf32, #tpu.memory_space<hbm>>
    %dma_wait3A_921 = tpu.memref_squeeze %dma_wait3A_920 : memref<1x1x64xf32, #tpu.memory_space<hbm>> -> memref<64xf32, #tpu.memory_space<hbm>>
    %dma_wait3A_922 = arith.constant 0 : i32
    %dma_wait3A_923 = tpu.memref_slice %arg6[%dma_wait3A_915, %dma_wait3A_922] : memref<512x64xf32, #tpu.memory_space<vmem>> -> memref<1x64xf32, #tpu.memory_space<vmem>>
    %dma_wait3A_924 = tpu.memref_squeeze %dma_wait3A_923 : memref<1x64xf32, #tpu.memory_space<vmem>> -> memref<64xf32, #tpu.memory_space<vmem>>
    %dma_wait3A_925 = arith.constant 0 : i32
    %dma_wait3A_926 = tpu.memref_slice %arg3[%mul3A_2, %dma_wait3A_914, %dma_wait3A_925] : memref<16384x100x64xf32, #tpu.memory_space<hbm>> -> memref<1x1x64xf32, #tpu.memory_space<hbm>>
    %dma_wait3A_927 = tpu.memref_squeeze %dma_wait3A_926 : memref<1x1x64xf32, #tpu.memory_space<hbm>> -> memref<64xf32, #tpu.memory_space<hbm>>
    tpu.wait_dma2 semaphore(%arg7 : memref<!tpu.dma_semaphore, #tpu.memory_space<semaphore_mem>>) src(%dma_wait3A_927 : memref<64xf32, #tpu.memory_space<hbm>>) dst(%dma_wait3A_924 : memref<64xf32, #tpu.memory_space<vmem>>)
    %dma_wait3A_928 = arith.constant 0 : i32
    %dma_wait3A_929 = arith.constant 0 : i32
    %dma_wait3A_930 = arith.constant 0 : i32
    %dma_wait3A_931 = tpu.memref_slice %arg6[%dma_wait3A_929, %dma_wait3A_930] : memref<512x64xf32, #tpu.memory_space<vmem>> -> memref<1x64xf32, #tpu.memory_space<vmem>>
    %dma_wait3A_932 = tpu.memref_squeeze %dma_wait3A_931 : memref<1x64xf32, #tpu.memory_space<vmem>> -> memref<64xf32, #tpu.memory_space<vmem>>
    %dma_wait3A_933 = arith.constant 0 : i32
    %dma_wait3A_934 = tpu.memref_slice %arg3[%mul3A_2, %dma_wait3A_928, %dma_wait3A_933] : memref<16384x100x64xf32, #tpu.memory_space<hbm>> -> memref<1x1x64xf32, #tpu.memory_space<hbm>>
    %dma_wait3A_935 = tpu.memref_squeeze %dma_wait3A_934 : memref<1x1x64xf32, #tpu.memory_space<hbm>> -> memref<64xf32, #tpu.memory_space<hbm>>
    %dma_wait3A_936 = arith.constant 0 : i32
    %dma_wait3A_937 = tpu.memref_slice %arg6[%dma_wait3A_929, %dma_wait3A_936] : memref<512x64xf32, #tpu.memory_space<vmem>> -> memref<1x64xf32, #tpu.memory_space<vmem>>
    %dma_wait3A_938 = tpu.memref_squeeze %dma_wait3A_937 : memref<1x64xf32, #tpu.memory_space<vmem>> -> memref<64xf32, #tpu.memory_space<vmem>>
    %dma_wait3A_939 = arith.constant 0 : i32
    %dma_wait3A_940 = tpu.memref_slice %arg3[%mul3A_2, %dma_wait3A_928, %dma_wait3A_939] : memref<16384x100x64xf32, #tpu.memory_space<hbm>> -> memref<1x1x64xf32, #tpu.memory_space<hbm>>
    %dma_wait3A_941 = tpu.memref_squeeze %dma_wait3A_940 : memref<1x1x64xf32, #tpu.memory_space<hbm>> -> memref<64xf32, #tpu.memory_space<hbm>>
    tpu.wait_dma2 semaphore(%arg7 : memref<!tpu.dma_semaphore, #tpu.memory_space<semaphore_mem>>) src(%dma_wait3A_941 : memref<64xf32, #tpu.memory_space<hbm>>) dst(%dma_wait3A_938 : memref<64xf32, #tpu.memory_space<vmem>>)
    %dma_wait3A_942 = arith.constant 0 : i32
    %dma_wait3A_943 = arith.constant 0 : i32
    %dma_wait3A_944 = arith.constant 0 : i32
    %dma_wait3A_945 = tpu.memref_slice %arg6[%dma_wait3A_943, %dma_wait3A_944] : memref<512x64xf32, #tpu.memory_space<vmem>> -> memref<1x64xf32, #tpu.memory_space<vmem>>
    %dma_wait3A_946 = tpu.memref_squeeze %dma_wait3A_945 : memref<1x64xf32, #tpu.memory_space<vmem>> -> memref<64xf32, #tpu.memory_space<vmem>>
    %dma_wait3A_947 = arith.constant 0 : i32
    %dma_wait3A_948 = tpu.memref_slice %arg3[%mul3A_2, %dma_wait3A_942, %dma_wait3A_947] : memref<16384x100x64xf32, #tpu.memory_space<hbm>> -> memref<1x1x64xf32, #tpu.memory_space<hbm>>
    %dma_wait3A_949 = tpu.memref_squeeze %dma_wait3A_948 : memref<1x1x64xf32, #tpu.memory_space<hbm>> -> memref<64xf32, #tpu.memory_space<hbm>>
    %dma_wait3A_950 = arith.constant 0 : i32
    %dma_wait3A_951 = tpu.memref_slice %arg6[%dma_wait3A_943, %dma_wait3A_950] : memref<512x64xf32, #tpu.memory_space<vmem>> -> memref<1x64xf32, #tpu.memory_space<vmem>>
    %dma_wait3A_952 = tpu.memref_squeeze %dma_wait3A_951 : memref<1x64xf32, #tpu.memory_space<vmem>> -> memref<64xf32, #tpu.memory_space<vmem>>
    %dma_wait3A_953 = arith.constant 0 : i32
    %dma_wait3A_954 = tpu.memref_slice %arg3[%mul3A_2, %dma_wait3A_942, %dma_wait3A_953] : memref<16384x100x64xf32, #tpu.memory_space<hbm>> -> memref<1x1x64xf32, #tpu.memory_space<hbm>>
    %dma_wait3A_955 = tpu.memref_squeeze %dma_wait3A_954 : memref<1x1x64xf32, #tpu.memory_space<hbm>> -> memref<64xf32, #tpu.memory_space<hbm>>
    tpu.wait_dma2 semaphore(%arg7 : memref<!tpu.dma_semaphore, #tpu.memory_space<semaphore_mem>>) src(%dma_wait3A_955 : memref<64xf32, #tpu.memory_space<hbm>>) dst(%dma_wait3A_952 : memref<64xf32, #tpu.memory_space<vmem>>)
    %dma_wait3A_956 = arith.constant 0 : i32
    %dma_wait3A_957 = arith.constant 0 : i32
    %dma_wait3A_958 = arith.constant 0 : i32
    %dma_wait3A_959 = tpu.memref_slice %arg6[%dma_wait3A_957, %dma_wait3A_958] : memref<512x64xf32, #tpu.memory_space<vmem>> -> memref<1x64xf32, #tpu.memory_space<vmem>>
    %dma_wait3A_960 = tpu.memref_squeeze %dma_wait3A_959 : memref<1x64xf32, #tpu.memory_space<vmem>> -> memref<64xf32, #tpu.memory_space<vmem>>
    %dma_wait3A_961 = arith.constant 0 : i32
    %dma_wait3A_962 = tpu.memref_slice %arg3[%mul3A_2, %dma_wait3A_956, %dma_wait3A_961] : memref<16384x100x64xf32, #tpu.memory_space<hbm>> -> memref<1x1x64xf32, #tpu.memory_space<hbm>>
    %dma_wait3A_963 = tpu.memref_squeeze %dma_wait3A_962 : memref<1x1x64xf32, #tpu.memory_space<hbm>> -> memref<64xf32, #tpu.memory_space<hbm>>
    %dma_wait3A_964 = arith.constant 0 : i32
    %dma_wait3A_965 = tpu.memref_slice %arg6[%dma_wait3A_957, %dma_wait3A_964] : memref<512x64xf32, #tpu.memory_space<vmem>> -> memref<1x64xf32, #tpu.memory_space<vmem>>
    %dma_wait3A_966 = tpu.memref_squeeze %dma_wait3A_965 : memref<1x64xf32, #tpu.memory_space<vmem>> -> memref<64xf32, #tpu.memory_space<vmem>>
    %dma_wait3A_967 = arith.constant 0 : i32
    %dma_wait3A_968 = tpu.memref_slice %arg3[%mul3A_2, %dma_wait3A_956, %dma_wait3A_967] : memref<16384x100x64xf32, #tpu.memory_space<hbm>> -> memref<1x1x64xf32, #tpu.memory_space<hbm>>
    %dma_wait3A_969 = tpu.memref_squeeze %dma_wait3A_968 : memref<1x1x64xf32, #tpu.memory_space<hbm>> -> memref<64xf32, #tpu.memory_space<hbm>>
    tpu.wait_dma2 semaphore(%arg7 : memref<!tpu.dma_semaphore, #tpu.memory_space<semaphore_mem>>) src(%dma_wait3A_969 : memref<64xf32, #tpu.memory_space<hbm>>) dst(%dma_wait3A_966 : memref<64xf32, #tpu.memory_space<vmem>>)
    %dma_wait3A_970 = arith.constant 0 : i32
    %dma_wait3A_971 = arith.constant 0 : i32
    %dma_wait3A_972 = arith.constant 0 : i32
    %dma_wait3A_973 = tpu.memref_slice %arg6[%dma_wait3A_971, %dma_wait3A_972] : memref<512x64xf32, #tpu.memory_space<vmem>> -> memref<1x64xf32, #tpu.memory_space<vmem>>
    %dma_wait3A_974 = tpu.memref_squeeze %dma_wait3A_973 : memref<1x64xf32, #tpu.memory_space<vmem>> -> memref<64xf32, #tpu.memory_space<vmem>>
    %dma_wait3A_975 = arith.constant 0 : i32
    %dma_wait3A_976 = tpu.memref_slice %arg3[%mul3A_2, %dma_wait3A_970, %dma_wait3A_975] : memref<16384x100x64xf32, #tpu.memory_space<hbm>> -> memref<1x1x64xf32, #tpu.memory_space<hbm>>
    %dma_wait3A_977 = tpu.memref_squeeze %dma_wait3A_976 : memref<1x1x64xf32, #tpu.memory_space<hbm>> -> memref<64xf32, #tpu.memory_space<hbm>>
    %dma_wait3A_978 = arith.constant 0 : i32
    %dma_wait3A_979 = tpu.memref_slice %arg6[%dma_wait3A_971, %dma_wait3A_978] : memref<512x64xf32, #tpu.memory_space<vmem>> -> memref<1x64xf32, #tpu.memory_space<vmem>>
    %dma_wait3A_980 = tpu.memref_squeeze %dma_wait3A_979 : memref<1x64xf32, #tpu.memory_space<vmem>> -> memref<64xf32, #tpu.memory_space<vmem>>
    %dma_wait3A_981 = arith.constant 0 : i32
    %dma_wait3A_982 = tpu.memref_slice %arg3[%mul3A_2, %dma_wait3A_970, %dma_wait3A_981] : memref<16384x100x64xf32, #tpu.memory_space<hbm>> -> memref<1x1x64xf32, #tpu.memory_space<hbm>>
    %dma_wait3A_983 = tpu.memref_squeeze %dma_wait3A_982 : memref<1x1x64xf32, #tpu.memory_space<hbm>> -> memref<64xf32, #tpu.memory_space<hbm>>
    tpu.wait_dma2 semaphore(%arg7 : memref<!tpu.dma_semaphore, #tpu.memory_space<semaphore_mem>>) src(%dma_wait3A_983 : memref<64xf32, #tpu.memory_space<hbm>>) dst(%dma_wait3A_980 : memref<64xf32, #tpu.memory_space<vmem>>)
    %dma_wait3A_984 = arith.constant 0 : i32
    %dma_wait3A_985 = arith.constant 0 : i32
    %dma_wait3A_986 = arith.constant 0 : i32
    %dma_wait3A_987 = tpu.memref_slice %arg6[%dma_wait3A_985, %dma_wait3A_986] : memref<512x64xf32, #tpu.memory_space<vmem>> -> memref<1x64xf32, #tpu.memory_space<vmem>>
    %dma_wait3A_988 = tpu.memref_squeeze %dma_wait3A_987 : memref<1x64xf32, #tpu.memory_space<vmem>> -> memref<64xf32, #tpu.memory_space<vmem>>
    %dma_wait3A_989 = arith.constant 0 : i32
    %dma_wait3A_990 = tpu.memref_slice %arg3[%mul3A_2, %dma_wait3A_984, %dma_wait3A_989] : memref<16384x100x64xf32, #tpu.memory_space<hbm>> -> memref<1x1x64xf32, #tpu.memory_space<hbm>>
    %dma_wait3A_991 = tpu.memref_squeeze %dma_wait3A_990 : memref<1x1x64xf32, #tpu.memory_space<hbm>> -> memref<64xf32, #tpu.memory_space<hbm>>
    %dma_wait3A_992 = arith.constant 0 : i32
    %dma_wait3A_993 = tpu.memref_slice %arg6[%dma_wait3A_985, %dma_wait3A_992] : memref<512x64xf32, #tpu.memory_space<vmem>> -> memref<1x64xf32, #tpu.memory_space<vmem>>
    %dma_wait3A_994 = tpu.memref_squeeze %dma_wait3A_993 : memref<1x64xf32, #tpu.memory_space<vmem>> -> memref<64xf32, #tpu.memory_space<vmem>>
    %dma_wait3A_995 = arith.constant 0 : i32
    %dma_wait3A_996 = tpu.memref_slice %arg3[%mul3A_2, %dma_wait3A_984, %dma_wait3A_995] : memref<16384x100x64xf32, #tpu.memory_space<hbm>> -> memref<1x1x64xf32, #tpu.memory_space<hbm>>
    %dma_wait3A_997 = tpu.memref_squeeze %dma_wait3A_996 : memref<1x1x64xf32, #tpu.memory_space<hbm>> -> memref<64xf32, #tpu.memory_space<hbm>>
    tpu.wait_dma2 semaphore(%arg7 : memref<!tpu.dma_semaphore, #tpu.memory_space<semaphore_mem>>) src(%dma_wait3A_997 : memref<64xf32, #tpu.memory_space<hbm>>) dst(%dma_wait3A_994 : memref<64xf32, #tpu.memory_space<vmem>>)
    %dma_wait3A_998 = arith.constant 0 : i32
    %dma_wait3A_999 = arith.constant 0 : i32
    %dma_wait3A_1000 = arith.constant 0 : i32
    %dma_wait3A_1001 = tpu.memref_slice %arg6[%dma_wait3A_999, %dma_wait3A_1000] : memref<512x64xf32, #tpu.memory_space<vmem>> -> memref<1x64xf32, #tpu.memory_space<vmem>>
    %dma_wait3A_1002 = tpu.memref_squeeze %dma_wait3A_1001 : memref<1x64xf32, #tpu.memory_space<vmem>> -> memref<64xf32, #tpu.memory_space<vmem>>
    %dma_wait3A_1003 = arith.constant 0 : i32
    %dma_wait3A_1004 = tpu.memref_slice %arg3[%mul3A_2, %dma_wait3A_998, %dma_wait3A_1003] : memref<16384x100x64xf32, #tpu.memory_space<hbm>> -> memref<1x1x64xf32, #tpu.memory_space<hbm>>
    %dma_wait3A_1005 = tpu.memref_squeeze %dma_wait3A_1004 : memref<1x1x64xf32, #tpu.memory_space<hbm>> -> memref<64xf32, #tpu.memory_space<hbm>>
    %dma_wait3A_1006 = arith.constant 0 : i32
    %dma_wait3A_1007 = tpu.memref_slice %arg6[%dma_wait3A_999, %dma_wait3A_1006] : memref<512x64xf32, #tpu.memory_space<vmem>> -> memref<1x64xf32, #tpu.memory_space<vmem>>
    %dma_wait3A_1008 = tpu.memref_squeeze %dma_wait3A_1007 : memref<1x64xf32, #tpu.memory_space<vmem>> -> memref<64xf32, #tpu.memory_space<vmem>>
    %dma_wait3A_1009 = arith.constant 0 : i32
    %dma_wait3A_1010 = tpu.memref_slice %arg3[%mul3A_2, %dma_wait3A_998, %dma_wait3A_1009] : memref<16384x100x64xf32, #tpu.memory_space<hbm>> -> memref<1x1x64xf32, #tpu.memory_space<hbm>>
    %dma_wait3A_1011 = tpu.memref_squeeze %dma_wait3A_1010 : memref<1x1x64xf32, #tpu.memory_space<hbm>> -> memref<64xf32, #tpu.memory_space<hbm>>
    tpu.wait_dma2 semaphore(%arg7 : memref<!tpu.dma_semaphore, #tpu.memory_space<semaphore_mem>>) src(%dma_wait3A_1011 : memref<64xf32, #tpu.memory_space<hbm>>) dst(%dma_wait3A_1008 : memref<64xf32, #tpu.memory_space<vmem>>)
    %dma_wait3A_1012 = arith.constant 0 : i32
    %dma_wait3A_1013 = arith.constant 0 : i32
    %dma_wait3A_1014 = arith.constant 0 : i32
    %dma_wait3A_1015 = tpu.memref_slice %arg6[%dma_wait3A_1013, %dma_wait3A_1014] : memref<512x64xf32, #tpu.memory_space<vmem>> -> memref<1x64xf32, #tpu.memory_space<vmem>>
    %dma_wait3A_1016 = tpu.memref_squeeze %dma_wait3A_1015 : memref<1x64xf32, #tpu.memory_space<vmem>> -> memref<64xf32, #tpu.memory_space<vmem>>
    %dma_wait3A_1017 = arith.constant 0 : i32
    %dma_wait3A_1018 = tpu.memref_slice %arg3[%mul3A_2, %dma_wait3A_1012, %dma_wait3A_1017] : memref<16384x100x64xf32, #tpu.memory_space<hbm>> -> memref<1x1x64xf32, #tpu.memory_space<hbm>>
    %dma_wait3A_1019 = tpu.memref_squeeze %dma_wait3A_1018 : memref<1x1x64xf32, #tpu.memory_space<hbm>> -> memref<64xf32, #tpu.memory_space<hbm>>
    %dma_wait3A_1020 = arith.constant 0 : i32
    %dma_wait3A_1021 = tpu.memref_slice %arg6[%dma_wait3A_1013, %dma_wait3A_1020] : memref<512x64xf32, #tpu.memory_space<vmem>> -> memref<1x64xf32, #tpu.memory_space<vmem>>
    %dma_wait3A_1022 = tpu.memref_squeeze %dma_wait3A_1021 : memref<1x64xf32, #tpu.memory_space<vmem>> -> memref<64xf32, #tpu.memory_space<vmem>>
    %dma_wait3A_1023 = arith.constant 0 : i32
    %dma_wait3A_1024 = tpu.memref_slice %arg3[%mul3A_2, %dma_wait3A_1012, %dma_wait3A_1023] : memref<16384x100x64xf32, #tpu.memory_space<hbm>> -> memref<1x1x64xf32, #tpu.memory_space<hbm>>
    %dma_wait3A_1025 = tpu.memref_squeeze %dma_wait3A_1024 : memref<1x1x64xf32, #tpu.memory_space<hbm>> -> memref<64xf32, #tpu.memory_space<hbm>>
    tpu.wait_dma2 semaphore(%arg7 : memref<!tpu.dma_semaphore, #tpu.memory_space<semaphore_mem>>) src(%dma_wait3A_1025 : memref<64xf32, #tpu.memory_space<hbm>>) dst(%dma_wait3A_1022 : memref<64xf32, #tpu.memory_space<vmem>>)
    %dma_wait3A_1026 = arith.constant 0 : i32
    %dma_wait3A_1027 = arith.constant 0 : i32
    %dma_wait3A_1028 = arith.constant 0 : i32
    %dma_wait3A_1029 = tpu.memref_slice %arg6[%dma_wait3A_1027, %dma_wait3A_1028] : memref<512x64xf32, #tpu.memory_space<vmem>> -> memref<1x64xf32, #tpu.memory_space<vmem>>
    %dma_wait3A_1030 = tpu.memref_squeeze %dma_wait3A_1029 : memref<1x64xf32, #tpu.memory_space<vmem>> -> memref<64xf32, #tpu.memory_space<vmem>>
    %dma_wait3A_1031 = arith.constant 0 : i32
    %dma_wait3A_1032 = tpu.memref_slice %arg3[%mul3A_2, %dma_wait3A_1026, %dma_wait3A_1031] : memref<16384x100x64xf32, #tpu.memory_space<hbm>> -> memref<1x1x64xf32, #tpu.memory_space<hbm>>
    %dma_wait3A_1033 = tpu.memref_squeeze %dma_wait3A_1032 : memref<1x1x64xf32, #tpu.memory_space<hbm>> -> memref<64xf32, #tpu.memory_space<hbm>>
    %dma_wait3A_1034 = arith.constant 0 : i32
    %dma_wait3A_1035 = tpu.memref_slice %arg6[%dma_wait3A_1027, %dma_wait3A_1034] : memref<512x64xf32, #tpu.memory_space<vmem>> -> memref<1x64xf32, #tpu.memory_space<vmem>>
    %dma_wait3A_1036 = tpu.memref_squeeze %dma_wait3A_1035 : memref<1x64xf32, #tpu.memory_space<vmem>> -> memref<64xf32, #tpu.memory_space<vmem>>
    %dma_wait3A_1037 = arith.constant 0 : i32
    %dma_wait3A_1038 = tpu.memref_slice %arg3[%mul3A_2, %dma_wait3A_1026, %dma_wait3A_1037] : memref<16384x100x64xf32, #tpu.memory_space<hbm>> -> memref<1x1x64xf32, #tpu.memory_space<hbm>>
    %dma_wait3A_1039 = tpu.memref_squeeze %dma_wait3A_1038 : memref<1x1x64xf32, #tpu.memory_space<hbm>> -> memref<64xf32, #tpu.memory_space<hbm>>
    tpu.wait_dma2 semaphore(%arg7 : memref<!tpu.dma_semaphore, #tpu.memory_space<semaphore_mem>>) src(%dma_wait3A_1039 : memref<64xf32, #tpu.memory_space<hbm>>) dst(%dma_wait3A_1036 : memref<64xf32, #tpu.memory_space<vmem>>)
    %dma_wait3A_1040 = arith.constant 0 : i32
    %dma_wait3A_1041 = arith.constant 0 : i32
    %dma_wait3A_1042 = arith.constant 0 : i32
    %dma_wait3A_1043 = tpu.memref_slice %arg6[%dma_wait3A_1041, %dma_wait3A_1042] : memref<512x64xf32, #tpu.memory_space<vmem>> -> memref<1x64xf32, #tpu.memory_space<vmem>>
    %dma_wait3A_1044 = tpu.memref_squeeze %dma_wait3A_1043 : memref<1x64xf32, #tpu.memory_space<vmem>> -> memref<64xf32, #tpu.memory_space<vmem>>
    %dma_wait3A_1045 = arith.constant 0 : i32
    %dma_wait3A_1046 = tpu.memref_slice %arg3[%mul3A_2, %dma_wait3A_1040, %dma_wait3A_1045] : memref<16384x100x64xf32, #tpu.memory_space<hbm>> -> memref<1x1x64xf32, #tpu.memory_space<hbm>>
    %dma_wait3A_1047 = tpu.memref_squeeze %dma_wait3A_1046 : memref<1x1x64xf32, #tpu.memory_space<hbm>> -> memref<64xf32, #tpu.memory_space<hbm>>
    %dma_wait3A_1048 = arith.constant 0 : i32
    %dma_wait3A_1049 = tpu.memref_slice %arg6[%dma_wait3A_1041, %dma_wait3A_1048] : memref<512x64xf32, #tpu.memory_space<vmem>> -> memref<1x64xf32, #tpu.memory_space<vmem>>
    %dma_wait3A_1050 = tpu.memref_squeeze %dma_wait3A_1049 : memref<1x64xf32, #tpu.memory_space<vmem>> -> memref<64xf32, #tpu.memory_space<vmem>>
    %dma_wait3A_1051 = arith.constant 0 : i32
    %dma_wait3A_1052 = tpu.memref_slice %arg3[%mul3A_2, %dma_wait3A_1040, %dma_wait3A_1051] : memref<16384x100x64xf32, #tpu.memory_space<hbm>> -> memref<1x1x64xf32, #tpu.memory_space<hbm>>
    %dma_wait3A_1053 = tpu.memref_squeeze %dma_wait3A_1052 : memref<1x1x64xf32, #tpu.memory_space<hbm>> -> memref<64xf32, #tpu.memory_space<hbm>>
    tpu.wait_dma2 semaphore(%arg7 : memref<!tpu.dma_semaphore, #tpu.memory_space<semaphore_mem>>) src(%dma_wait3A_1053 : memref<64xf32, #tpu.memory_space<hbm>>) dst(%dma_wait3A_1050 : memref<64xf32, #tpu.memory_space<vmem>>)
    %dma_wait3A_1054 = arith.constant 0 : i32
    %dma_wait3A_1055 = arith.constant 0 : i32
    %dma_wait3A_1056 = arith.constant 0 : i32
    %dma_wait3A_1057 = tpu.memref_slice %arg6[%dma_wait3A_1055, %dma_wait3A_1056] : memref<512x64xf32, #tpu.memory_space<vmem>> -> memref<1x64xf32, #tpu.memory_space<vmem>>
    %dma_wait3A_1058 = tpu.memref_squeeze %dma_wait3A_1057 : memref<1x64xf32, #tpu.memory_space<vmem>> -> memref<64xf32, #tpu.memory_space<vmem>>
    %dma_wait3A_1059 = arith.constant 0 : i32
    %dma_wait3A_1060 = tpu.memref_slice %arg3[%mul3A_2, %dma_wait3A_1054, %dma_wait3A_1059] : memref<16384x100x64xf32, #tpu.memory_space<hbm>> -> memref<1x1x64xf32, #tpu.memory_space<hbm>>
    %dma_wait3A_1061 = tpu.memref_squeeze %dma_wait3A_1060 : memref<1x1x64xf32, #tpu.memory_space<hbm>> -> memref<64xf32, #tpu.memory_space<hbm>>
    %dma_wait3A_1062 = arith.constant 0 : i32
    %dma_wait3A_1063 = tpu.memref_slice %arg6[%dma_wait3A_1055, %dma_wait3A_1062] : memref<512x64xf32, #tpu.memory_space<vmem>> -> memref<1x64xf32, #tpu.memory_space<vmem>>
    %dma_wait3A_1064 = tpu.memref_squeeze %dma_wait3A_1063 : memref<1x64xf32, #tpu.memory_space<vmem>> -> memref<64xf32, #tpu.memory_space<vmem>>
    %dma_wait3A_1065 = arith.constant 0 : i32
    %dma_wait3A_1066 = tpu.memref_slice %arg3[%mul3A_2, %dma_wait3A_1054, %dma_wait3A_1065] : memref<16384x100x64xf32, #tpu.memory_space<hbm>> -> memref<1x1x64xf32, #tpu.memory_space<hbm>>
    %dma_wait3A_1067 = tpu.memref_squeeze %dma_wait3A_1066 : memref<1x1x64xf32, #tpu.memory_space<hbm>> -> memref<64xf32, #tpu.memory_space<hbm>>
    tpu.wait_dma2 semaphore(%arg7 : memref<!tpu.dma_semaphore, #tpu.memory_space<semaphore_mem>>) src(%dma_wait3A_1067 : memref<64xf32, #tpu.memory_space<hbm>>) dst(%dma_wait3A_1064 : memref<64xf32, #tpu.memory_space<vmem>>)
    %dma_wait3A_1068 = arith.constant 0 : i32
    %dma_wait3A_1069 = arith.constant 0 : i32
    %dma_wait3A_1070 = arith.constant 0 : i32
    %dma_wait3A_1071 = tpu.memref_slice %arg6[%dma_wait3A_1069, %dma_wait3A_1070] : memref<512x64xf32, #tpu.memory_space<vmem>> -> memref<1x64xf32, #tpu.memory_space<vmem>>
    %dma_wait3A_1072 = tpu.memref_squeeze %dma_wait3A_1071 : memref<1x64xf32, #tpu.memory_space<vmem>> -> memref<64xf32, #tpu.memory_space<vmem>>
    %dma_wait3A_1073 = arith.constant 0 : i32
    %dma_wait3A_1074 = tpu.memref_slice %arg3[%mul3A_2, %dma_wait3A_1068, %dma_wait3A_1073] : memref<16384x100x64xf32, #tpu.memory_space<hbm>> -> memref<1x1x64xf32, #tpu.memory_space<hbm>>
    %dma_wait3A_1075 = tpu.memref_squeeze %dma_wait3A_1074 : memref<1x1x64xf32, #tpu.memory_space<hbm>> -> memref<64xf32, #tpu.memory_space<hbm>>
    %dma_wait3A_1076 = arith.constant 0 : i32
    %dma_wait3A_1077 = tpu.memref_slice %arg6[%dma_wait3A_1069, %dma_wait3A_1076] : memref<512x64xf32, #tpu.memory_space<vmem>> -> memref<1x64xf32, #tpu.memory_space<vmem>>
    %dma_wait3A_1078 = tpu.memref_squeeze %dma_wait3A_1077 : memref<1x64xf32, #tpu.memory_space<vmem>> -> memref<64xf32, #tpu.memory_space<vmem>>
    %dma_wait3A_1079 = arith.constant 0 : i32
    %dma_wait3A_1080 = tpu.memref_slice %arg3[%mul3A_2, %dma_wait3A_1068, %dma_wait3A_1079] : memref<16384x100x64xf32, #tpu.memory_space<hbm>> -> memref<1x1x64xf32, #tpu.memory_space<hbm>>
    %dma_wait3A_1081 = tpu.memref_squeeze %dma_wait3A_1080 : memref<1x1x64xf32, #tpu.memory_space<hbm>> -> memref<64xf32, #tpu.memory_space<hbm>>
    tpu.wait_dma2 semaphore(%arg7 : memref<!tpu.dma_semaphore, #tpu.memory_space<semaphore_mem>>) src(%dma_wait3A_1081 : memref<64xf32, #tpu.memory_space<hbm>>) dst(%dma_wait3A_1078 : memref<64xf32, #tpu.memory_space<vmem>>)
    %dma_wait3A_1082 = arith.constant 0 : i32
    %dma_wait3A_1083 = arith.constant 0 : i32
    %dma_wait3A_1084 = arith.constant 0 : i32
    %dma_wait3A_1085 = tpu.memref_slice %arg6[%dma_wait3A_1083, %dma_wait3A_1084] : memref<512x64xf32, #tpu.memory_space<vmem>> -> memref<1x64xf32, #tpu.memory_space<vmem>>
    %dma_wait3A_1086 = tpu.memref_squeeze %dma_wait3A_1085 : memref<1x64xf32, #tpu.memory_space<vmem>> -> memref<64xf32, #tpu.memory_space<vmem>>
    %dma_wait3A_1087 = arith.constant 0 : i32
    %dma_wait3A_1088 = tpu.memref_slice %arg3[%mul3A_2, %dma_wait3A_1082, %dma_wait3A_1087] : memref<16384x100x64xf32, #tpu.memory_space<hbm>> -> memref<1x1x64xf32, #tpu.memory_space<hbm>>
    %dma_wait3A_1089 = tpu.memref_squeeze %dma_wait3A_1088 : memref<1x1x64xf32, #tpu.memory_space<hbm>> -> memref<64xf32, #tpu.memory_space<hbm>>
    %dma_wait3A_1090 = arith.constant 0 : i32
    %dma_wait3A_1091 = tpu.memref_slice %arg6[%dma_wait3A_1083, %dma_wait3A_1090] : memref<512x64xf32, #tpu.memory_space<vmem>> -> memref<1x64xf32, #tpu.memory_space<vmem>>
    %dma_wait3A_1092 = tpu.memref_squeeze %dma_wait3A_1091 : memref<1x64xf32, #tpu.memory_space<vmem>> -> memref<64xf32, #tpu.memory_space<vmem>>
    %dma_wait3A_1093 = arith.constant 0 : i32
    %dma_wait3A_1094 = tpu.memref_slice %arg3[%mul3A_2, %dma_wait3A_1082, %dma_wait3A_1093] : memref<16384x100x64xf32, #tpu.memory_space<hbm>> -> memref<1x1x64xf32, #tpu.memory_space<hbm>>
    %dma_wait3A_1095 = tpu.memref_squeeze %dma_wait3A_1094 : memref<1x1x64xf32, #tpu.memory_space<hbm>> -> memref<64xf32, #tpu.memory_space<hbm>>
    tpu.wait_dma2 semaphore(%arg7 : memref<!tpu.dma_semaphore, #tpu.memory_space<semaphore_mem>>) src(%dma_wait3A_1095 : memref<64xf32, #tpu.memory_space<hbm>>) dst(%dma_wait3A_1092 : memref<64xf32, #tpu.memory_space<vmem>>)
    %dma_wait3A_1096 = arith.constant 0 : i32
    %dma_wait3A_1097 = arith.constant 0 : i32
    %dma_wait3A_1098 = arith.constant 0 : i32
    %dma_wait3A_1099 = tpu.memref_slice %arg6[%dma_wait3A_1097, %dma_wait3A_1098] : memref<512x64xf32, #tpu.memory_space<vmem>> -> memref<1x64xf32, #tpu.memory_space<vmem>>
    %dma_wait3A_1100 = tpu.memref_squeeze %dma_wait3A_1099 : memref<1x64xf32, #tpu.memory_space<vmem>> -> memref<64xf32, #tpu.memory_space<vmem>>
    %dma_wait3A_1101 = arith.constant 0 : i32
    %dma_wait3A_1102 = tpu.memref_slice %arg3[%mul3A_2, %dma_wait3A_1096, %dma_wait3A_1101] : memref<16384x100x64xf32, #tpu.memory_space<hbm>> -> memref<1x1x64xf32, #tpu.memory_space<hbm>>
    %dma_wait3A_1103 = tpu.memref_squeeze %dma_wait3A_1102 : memref<1x1x64xf32, #tpu.memory_space<hbm>> -> memref<64xf32, #tpu.memory_space<hbm>>
    %dma_wait3A_1104 = arith.constant 0 : i32
    %dma_wait3A_1105 = tpu.memref_slice %arg6[%dma_wait3A_1097, %dma_wait3A_1104] : memref<512x64xf32, #tpu.memory_space<vmem>> -> memref<1x64xf32, #tpu.memory_space<vmem>>
    %dma_wait3A_1106 = tpu.memref_squeeze %dma_wait3A_1105 : memref<1x64xf32, #tpu.memory_space<vmem>> -> memref<64xf32, #tpu.memory_space<vmem>>
    %dma_wait3A_1107 = arith.constant 0 : i32
    %dma_wait3A_1108 = tpu.memref_slice %arg3[%mul3A_2, %dma_wait3A_1096, %dma_wait3A_1107] : memref<16384x100x64xf32, #tpu.memory_space<hbm>> -> memref<1x1x64xf32, #tpu.memory_space<hbm>>
    %dma_wait3A_1109 = tpu.memref_squeeze %dma_wait3A_1108 : memref<1x1x64xf32, #tpu.memory_space<hbm>> -> memref<64xf32, #tpu.memory_space<hbm>>
    tpu.wait_dma2 semaphore(%arg7 : memref<!tpu.dma_semaphore, #tpu.memory_space<semaphore_mem>>) src(%dma_wait3A_1109 : memref<64xf32, #tpu.memory_space<hbm>>) dst(%dma_wait3A_1106 : memref<64xf32, #tpu.memory_space<vmem>>)
    %dma_wait3A_1110 = arith.constant 0 : i32
    %dma_wait3A_1111 = arith.constant 0 : i32
    %dma_wait3A_1112 = arith.constant 0 : i32
    %dma_wait3A_1113 = tpu.memref_slice %arg6[%dma_wait3A_1111, %dma_wait3A_1112] : memref<512x64xf32, #tpu.memory_space<vmem>> -> memref<1x64xf32, #tpu.memory_space<vmem>>
    %dma_wait3A_1114 = tpu.memref_squeeze %dma_wait3A_1113 : memref<1x64xf32, #tpu.memory_space<vmem>> -> memref<64xf32, #tpu.memory_space<vmem>>
    %dma_wait3A_1115 = arith.constant 0 : i32
    %dma_wait3A_1116 = tpu.memref_slice %arg3[%mul3A_2, %dma_wait3A_1110, %dma_wait3A_1115] : memref<16384x100x64xf32, #tpu.memory_space<hbm>> -> memref<1x1x64xf32, #tpu.memory_space<hbm>>
    %dma_wait3A_1117 = tpu.memref_squeeze %dma_wait3A_1116 : memref<1x1x64xf32, #tpu.memory_space<hbm>> -> memref<64xf32, #tpu.memory_space<hbm>>
    %dma_wait3A_1118 = arith.constant 0 : i32
    %dma_wait3A_1119 = tpu.memref_slice %arg6[%dma_wait3A_1111, %dma_wait3A_1118] : memref<512x64xf32, #tpu.memory_space<vmem>> -> memref<1x64xf32, #tpu.memory_space<vmem>>
    %dma_wait3A_1120 = tpu.memref_squeeze %dma_wait3A_1119 : memref<1x64xf32, #tpu.memory_space<vmem>> -> memref<64xf32, #tpu.memory_space<vmem>>
    %dma_wait3A_1121 = arith.constant 0 : i32
    %dma_wait3A_1122 = tpu.memref_slice %arg3[%mul3A_2, %dma_wait3A_1110, %dma_wait3A_1121] : memref<16384x100x64xf32, #tpu.memory_space<hbm>> -> memref<1x1x64xf32, #tpu.memory_space<hbm>>
    %dma_wait3A_1123 = tpu.memref_squeeze %dma_wait3A_1122 : memref<1x1x64xf32, #tpu.memory_space<hbm>> -> memref<64xf32, #tpu.memory_space<hbm>>
    tpu.wait_dma2 semaphore(%arg7 : memref<!tpu.dma_semaphore, #tpu.memory_space<semaphore_mem>>) src(%dma_wait3A_1123 : memref<64xf32, #tpu.memory_space<hbm>>) dst(%dma_wait3A_1120 : memref<64xf32, #tpu.memory_space<vmem>>)
    %dma_wait3A_1124 = arith.constant 0 : i32
    %dma_wait3A_1125 = arith.constant 0 : i32
    %dma_wait3A_1126 = arith.constant 0 : i32
    %dma_wait3A_1127 = tpu.memref_slice %arg6[%dma_wait3A_1125, %dma_wait3A_1126] : memref<512x64xf32, #tpu.memory_space<vmem>> -> memref<1x64xf32, #tpu.memory_space<vmem>>
    %dma_wait3A_1128 = tpu.memref_squeeze %dma_wait3A_1127 : memref<1x64xf32, #tpu.memory_space<vmem>> -> memref<64xf32, #tpu.memory_space<vmem>>
    %dma_wait3A_1129 = arith.constant 0 : i32
    %dma_wait3A_1130 = tpu.memref_slice %arg3[%mul3A_2, %dma_wait3A_1124, %dma_wait3A_1129] : memref<16384x100x64xf32, #tpu.memory_space<hbm>> -> memref<1x1x64xf32, #tpu.memory_space<hbm>>
    %dma_wait3A_1131 = tpu.memref_squeeze %dma_wait3A_1130 : memref<1x1x64xf32, #tpu.memory_space<hbm>> -> memref<64xf32, #tpu.memory_space<hbm>>
    %dma_wait3A_1132 = arith.constant 0 : i32
    %dma_wait3A_1133 = tpu.memref_slice %arg6[%dma_wait3A_1125, %dma_wait3A_1132] : memref<512x64xf32, #tpu.memory_space<vmem>> -> memref<1x64xf32, #tpu.memory_space<vmem>>
    %dma_wait3A_1134 = tpu.memref_squeeze %dma_wait3A_1133 : memref<1x64xf32, #tpu.memory_space<vmem>> -> memref<64xf32, #tpu.memory_space<vmem>>
    %dma_wait3A_1135 = arith.constant 0 : i32
    %dma_wait3A_1136 = tpu.memref_slice %arg3[%mul3A_2, %dma_wait3A_1124, %dma_wait3A_1135] : memref<16384x100x64xf32, #tpu.memory_space<hbm>> -> memref<1x1x64xf32, #tpu.memory_space<hbm>>
    %dma_wait3A_1137 = tpu.memref_squeeze %dma_wait3A_1136 : memref<1x1x64xf32, #tpu.memory_space<hbm>> -> memref<64xf32, #tpu.memory_space<hbm>>
    tpu.wait_dma2 semaphore(%arg7 : memref<!tpu.dma_semaphore, #tpu.memory_space<semaphore_mem>>) src(%dma_wait3A_1137 : memref<64xf32, #tpu.memory_space<hbm>>) dst(%dma_wait3A_1134 : memref<64xf32, #tpu.memory_space<vmem>>)
    %dma_wait3A_1138 = arith.constant 0 : i32
    %dma_wait3A_1139 = arith.constant 0 : i32
    %dma_wait3A_1140 = arith.constant 0 : i32
    %dma_wait3A_1141 = tpu.memref_slice %arg6[%dma_wait3A_1139, %dma_wait3A_1140] : memref<512x64xf32, #tpu.memory_space<vmem>> -> memref<1x64xf32, #tpu.memory_space<vmem>>
    %dma_wait3A_1142 = tpu.memref_squeeze %dma_wait3A_1141 : memref<1x64xf32, #tpu.memory_space<vmem>> -> memref<64xf32, #tpu.memory_space<vmem>>
    %dma_wait3A_1143 = arith.constant 0 : i32
    %dma_wait3A_1144 = tpu.memref_slice %arg3[%mul3A_2, %dma_wait3A_1138, %dma_wait3A_1143] : memref<16384x100x64xf32, #tpu.memory_space<hbm>> -> memref<1x1x64xf32, #tpu.memory_space<hbm>>
    %dma_wait3A_1145 = tpu.memref_squeeze %dma_wait3A_1144 : memref<1x1x64xf32, #tpu.memory_space<hbm>> -> memref<64xf32, #tpu.memory_space<hbm>>
    %dma_wait3A_1146 = arith.constant 0 : i32
    %dma_wait3A_1147 = tpu.memref_slice %arg6[%dma_wait3A_1139, %dma_wait3A_1146] : memref<512x64xf32, #tpu.memory_space<vmem>> -> memref<1x64xf32, #tpu.memory_space<vmem>>
    %dma_wait3A_1148 = tpu.memref_squeeze %dma_wait3A_1147 : memref<1x64xf32, #tpu.memory_space<vmem>> -> memref<64xf32, #tpu.memory_space<vmem>>
    %dma_wait3A_1149 = arith.constant 0 : i32
    %dma_wait3A_1150 = tpu.memref_slice %arg3[%mul3A_2, %dma_wait3A_1138, %dma_wait3A_1149] : memref<16384x100x64xf32, #tpu.memory_space<hbm>> -> memref<1x1x64xf32, #tpu.memory_space<hbm>>
    %dma_wait3A_1151 = tpu.memref_squeeze %dma_wait3A_1150 : memref<1x1x64xf32, #tpu.memory_space<hbm>> -> memref<64xf32, #tpu.memory_space<hbm>>
    tpu.wait_dma2 semaphore(%arg7 : memref<!tpu.dma_semaphore, #tpu.memory_space<semaphore_mem>>) src(%dma_wait3A_1151 : memref<64xf32, #tpu.memory_space<hbm>>) dst(%dma_wait3A_1148 : memref<64xf32, #tpu.memory_space<vmem>>)
    %dma_wait3A_1152 = arith.constant 0 : i32
    %dma_wait3A_1153 = arith.constant 0 : i32
    %dma_wait3A_1154 = arith.constant 0 : i32
    %dma_wait3A_1155 = tpu.memref_slice %arg6[%dma_wait3A_1153, %dma_wait3A_1154] : memref<512x64xf32, #tpu.memory_space<vmem>> -> memref<1x64xf32, #tpu.memory_space<vmem>>
    %dma_wait3A_1156 = tpu.memref_squeeze %dma_wait3A_1155 : memref<1x64xf32, #tpu.memory_space<vmem>> -> memref<64xf32, #tpu.memory_space<vmem>>
    %dma_wait3A_1157 = arith.constant 0 : i32
    %dma_wait3A_1158 = tpu.memref_slice %arg3[%mul3A_2, %dma_wait3A_1152, %dma_wait3A_1157] : memref<16384x100x64xf32, #tpu.memory_space<hbm>> -> memref<1x1x64xf32, #tpu.memory_space<hbm>>
    %dma_wait3A_1159 = tpu.memref_squeeze %dma_wait3A_1158 : memref<1x1x64xf32, #tpu.memory_space<hbm>> -> memref<64xf32, #tpu.memory_space<hbm>>
    %dma_wait3A_1160 = arith.constant 0 : i32
    %dma_wait3A_1161 = tpu.memref_slice %arg6[%dma_wait3A_1153, %dma_wait3A_1160] : memref<512x64xf32, #tpu.memory_space<vmem>> -> memref<1x64xf32, #tpu.memory_space<vmem>>
    %dma_wait3A_1162 = tpu.memref_squeeze %dma_wait3A_1161 : memref<1x64xf32, #tpu.memory_space<vmem>> -> memref<64xf32, #tpu.memory_space<vmem>>
    %dma_wait3A_1163 = arith.constant 0 : i32
    %dma_wait3A_1164 = tpu.memref_slice %arg3[%mul3A_2, %dma_wait3A_1152, %dma_wait3A_1163] : memref<16384x100x64xf32, #tpu.memory_space<hbm>> -> memref<1x1x64xf32, #tpu.memory_space<hbm>>
    %dma_wait3A_1165 = tpu.memref_squeeze %dma_wait3A_1164 : memref<1x1x64xf32, #tpu.memory_space<hbm>> -> memref<64xf32, #tpu.memory_space<hbm>>
    tpu.wait_dma2 semaphore(%arg7 : memref<!tpu.dma_semaphore, #tpu.memory_space<semaphore_mem>>) src(%dma_wait3A_1165 : memref<64xf32, #tpu.memory_space<hbm>>) dst(%dma_wait3A_1162 : memref<64xf32, #tpu.memory_space<vmem>>)
    %dma_wait3A_1166 = arith.constant 0 : i32
    %dma_wait3A_1167 = arith.constant 0 : i32
    %dma_wait3A_1168 = arith.constant 0 : i32
    %dma_wait3A_1169 = tpu.memref_slice %arg6[%dma_wait3A_1167, %dma_wait3A_1168] : memref<512x64xf32, #tpu.memory_space<vmem>> -> memref<1x64xf32, #tpu.memory_space<vmem>>
    %dma_wait3A_1170 = tpu.memref_squeeze %dma_wait3A_1169 : memref<1x64xf32, #tpu.memory_space<vmem>> -> memref<64xf32, #tpu.memory_space<vmem>>
    %dma_wait3A_1171 = arith.constant 0 : i32
    %dma_wait3A_1172 = tpu.memref_slice %arg3[%mul3A_2, %dma_wait3A_1166, %dma_wait3A_1171] : memref<16384x100x64xf32, #tpu.memory_space<hbm>> -> memref<1x1x64xf32, #tpu.memory_space<hbm>>
    %dma_wait3A_1173 = tpu.memref_squeeze %dma_wait3A_1172 : memref<1x1x64xf32, #tpu.memory_space<hbm>> -> memref<64xf32, #tpu.memory_space<hbm>>
    %dma_wait3A_1174 = arith.constant 0 : i32
    %dma_wait3A_1175 = tpu.memref_slice %arg6[%dma_wait3A_1167, %dma_wait3A_1174] : memref<512x64xf32, #tpu.memory_space<vmem>> -> memref<1x64xf32, #tpu.memory_space<vmem>>
    %dma_wait3A_1176 = tpu.memref_squeeze %dma_wait3A_1175 : memref<1x64xf32, #tpu.memory_space<vmem>> -> memref<64xf32, #tpu.memory_space<vmem>>
    %dma_wait3A_1177 = arith.constant 0 : i32
    %dma_wait3A_1178 = tpu.memref_slice %arg3[%mul3A_2, %dma_wait3A_1166, %dma_wait3A_1177] : memref<16384x100x64xf32, #tpu.memory_space<hbm>> -> memref<1x1x64xf32, #tpu.memory_space<hbm>>
    %dma_wait3A_1179 = tpu.memref_squeeze %dma_wait3A_1178 : memref<1x1x64xf32, #tpu.memory_space<hbm>> -> memref<64xf32, #tpu.memory_space<hbm>>
    tpu.wait_dma2 semaphore(%arg7 : memref<!tpu.dma_semaphore, #tpu.memory_space<semaphore_mem>>) src(%dma_wait3A_1179 : memref<64xf32, #tpu.memory_space<hbm>>) dst(%dma_wait3A_1176 : memref<64xf32, #tpu.memory_space<vmem>>)
    %dma_wait3A_1180 = arith.constant 0 : i32
    %dma_wait3A_1181 = arith.constant 0 : i32
    %dma_wait3A_1182 = arith.constant 0 : i32
    %dma_wait3A_1183 = tpu.memref_slice %arg6[%dma_wait3A_1181, %dma_wait3A_1182] : memref<512x64xf32, #tpu.memory_space<vmem>> -> memref<1x64xf32, #tpu.memory_space<vmem>>
    %dma_wait3A_1184 = tpu.memref_squeeze %dma_wait3A_1183 : memref<1x64xf32, #tpu.memory_space<vmem>> -> memref<64xf32, #tpu.memory_space<vmem>>
    %dma_wait3A_1185 = arith.constant 0 : i32
    %dma_wait3A_1186 = tpu.memref_slice %arg3[%mul3A_2, %dma_wait3A_1180, %dma_wait3A_1185] : memref<16384x100x64xf32, #tpu.memory_space<hbm>> -> memref<1x1x64xf32, #tpu.memory_space<hbm>>
    %dma_wait3A_1187 = tpu.memref_squeeze %dma_wait3A_1186 : memref<1x1x64xf32, #tpu.memory_space<hbm>> -> memref<64xf32, #tpu.memory_space<hbm>>
    %dma_wait3A_1188 = arith.constant 0 : i32
    %dma_wait3A_1189 = tpu.memref_slice %arg6[%dma_wait3A_1181, %dma_wait3A_1188] : memref<512x64xf32, #tpu.memory_space<vmem>> -> memref<1x64xf32, #tpu.memory_space<vmem>>
    %dma_wait3A_1190 = tpu.memref_squeeze %dma_wait3A_1189 : memref<1x64xf32, #tpu.memory_space<vmem>> -> memref<64xf32, #tpu.memory_space<vmem>>
    %dma_wait3A_1191 = arith.constant 0 : i32
    %dma_wait3A_1192 = tpu.memref_slice %arg3[%mul3A_2, %dma_wait3A_1180, %dma_wait3A_1191] : memref<16384x100x64xf32, #tpu.memory_space<hbm>> -> memref<1x1x64xf32, #tpu.memory_space<hbm>>
    %dma_wait3A_1193 = tpu.memref_squeeze %dma_wait3A_1192 : memref<1x1x64xf32, #tpu.memory_space<hbm>> -> memref<64xf32, #tpu.memory_space<hbm>>
    tpu.wait_dma2 semaphore(%arg7 : memref<!tpu.dma_semaphore, #tpu.memory_space<semaphore_mem>>) src(%dma_wait3A_1193 : memref<64xf32, #tpu.memory_space<hbm>>) dst(%dma_wait3A_1190 : memref<64xf32, #tpu.memory_space<vmem>>)
    %dma_wait3A_1194 = arith.constant 0 : i32
    %dma_wait3A_1195 = arith.constant 0 : i32
    %dma_wait3A_1196 = arith.constant 0 : i32
    %dma_wait3A_1197 = tpu.memref_slice %arg6[%dma_wait3A_1195, %dma_wait3A_1196] : memref<512x64xf32, #tpu.memory_space<vmem>> -> memref<1x64xf32, #tpu.memory_space<vmem>>
    %dma_wait3A_1198 = tpu.memref_squeeze %dma_wait3A_1197 : memref<1x64xf32, #tpu.memory_space<vmem>> -> memref<64xf32, #tpu.memory_space<vmem>>
    %dma_wait3A_1199 = arith.constant 0 : i32
    %dma_wait3A_1200 = tpu.memref_slice %arg3[%mul3A_2, %dma_wait3A_1194, %dma_wait3A_1199] : memref<16384x100x64xf32, #tpu.memory_space<hbm>> -> memref<1x1x64xf32, #tpu.memory_space<hbm>>
    %dma_wait3A_1201 = tpu.memref_squeeze %dma_wait3A_1200 : memref<1x1x64xf32, #tpu.memory_space<hbm>> -> memref<64xf32, #tpu.memory_space<hbm>>
    %dma_wait3A_1202 = arith.constant 0 : i32
    %dma_wait3A_1203 = tpu.memref_slice %arg6[%dma_wait3A_1195, %dma_wait3A_1202] : memref<512x64xf32, #tpu.memory_space<vmem>> -> memref<1x64xf32, #tpu.memory_space<vmem>>
    %dma_wait3A_1204 = tpu.memref_squeeze %dma_wait3A_1203 : memref<1x64xf32, #tpu.memory_space<vmem>> -> memref<64xf32, #tpu.memory_space<vmem>>
    %dma_wait3A_1205 = arith.constant 0 : i32
    %dma_wait3A_1206 = tpu.memref_slice %arg3[%mul3A_2, %dma_wait3A_1194, %dma_wait3A_1205] : memref<16384x100x64xf32, #tpu.memory_space<hbm>> -> memref<1x1x64xf32, #tpu.memory_space<hbm>>
    %dma_wait3A_1207 = tpu.memref_squeeze %dma_wait3A_1206 : memref<1x1x64xf32, #tpu.memory_space<hbm>> -> memref<64xf32, #tpu.memory_space<hbm>>
    tpu.wait_dma2 semaphore(%arg7 : memref<!tpu.dma_semaphore, #tpu.memory_space<semaphore_mem>>) src(%dma_wait3A_1207 : memref<64xf32, #tpu.memory_space<hbm>>) dst(%dma_wait3A_1204 : memref<64xf32, #tpu.memory_space<vmem>>)
    %dma_wait3A_1208 = arith.constant 0 : i32
    %dma_wait3A_1209 = arith.constant 0 : i32
    %dma_wait3A_1210 = arith.constant 0 : i32
    %dma_wait3A_1211 = tpu.memref_slice %arg6[%dma_wait3A_1209, %dma_wait3A_1210] : memref<512x64xf32, #tpu.memory_space<vmem>> -> memref<1x64xf32, #tpu.memory_space<vmem>>
    %dma_wait3A_1212 = tpu.memref_squeeze %dma_wait3A_1211 : memref<1x64xf32, #tpu.memory_space<vmem>> -> memref<64xf32, #tpu.memory_space<vmem>>
    %dma_wait3A_1213 = arith.constant 0 : i32
    %dma_wait3A_1214 = tpu.memref_slice %arg3[%mul3A_2, %dma_wait3A_1208, %dma_wait3A_1213] : memref<16384x100x64xf32, #tpu.memory_space<hbm>> -> memref<1x1x64xf32, #tpu.memory_space<hbm>>
    %dma_wait3A_1215 = tpu.memref_squeeze %dma_wait3A_1214 : memref<1x1x64xf32, #tpu.memory_space<hbm>> -> memref<64xf32, #tpu.memory_space<hbm>>
    %dma_wait3A_1216 = arith.constant 0 : i32
    %dma_wait3A_1217 = tpu.memref_slice %arg6[%dma_wait3A_1209, %dma_wait3A_1216] : memref<512x64xf32, #tpu.memory_space<vmem>> -> memref<1x64xf32, #tpu.memory_space<vmem>>
    %dma_wait3A_1218 = tpu.memref_squeeze %dma_wait3A_1217 : memref<1x64xf32, #tpu.memory_space<vmem>> -> memref<64xf32, #tpu.memory_space<vmem>>
    %dma_wait3A_1219 = arith.constant 0 : i32
    %dma_wait3A_1220 = tpu.memref_slice %arg3[%mul3A_2, %dma_wait3A_1208, %dma_wait3A_1219] : memref<16384x100x64xf32, #tpu.memory_space<hbm>> -> memref<1x1x64xf32, #tpu.memory_space<hbm>>
    %dma_wait3A_1221 = tpu.memref_squeeze %dma_wait3A_1220 : memref<1x1x64xf32, #tpu.memory_space<hbm>> -> memref<64xf32, #tpu.memory_space<hbm>>
    tpu.wait_dma2 semaphore(%arg7 : memref<!tpu.dma_semaphore, #tpu.memory_space<semaphore_mem>>) src(%dma_wait3A_1221 : memref<64xf32, #tpu.memory_space<hbm>>) dst(%dma_wait3A_1218 : memref<64xf32, #tpu.memory_space<vmem>>)
    %dma_wait3A_1222 = arith.constant 0 : i32
    %dma_wait3A_1223 = arith.constant 0 : i32
    %dma_wait3A_1224 = arith.constant 0 : i32
    %dma_wait3A_1225 = tpu.memref_slice %arg6[%dma_wait3A_1223, %dma_wait3A_1224] : memref<512x64xf32, #tpu.memory_space<vmem>> -> memref<1x64xf32, #tpu.memory_space<vmem>>
    %dma_wait3A_1226 = tpu.memref_squeeze %dma_wait3A_1225 : memref<1x64xf32, #tpu.memory_space<vmem>> -> memref<64xf32, #tpu.memory_space<vmem>>
    %dma_wait3A_1227 = arith.constant 0 : i32
    %dma_wait3A_1228 = tpu.memref_slice %arg3[%mul3A_2, %dma_wait3A_1222, %dma_wait3A_1227] : memref<16384x100x64xf32, #tpu.memory_space<hbm>> -> memref<1x1x64xf32, #tpu.memory_space<hbm>>
    %dma_wait3A_1229 = tpu.memref_squeeze %dma_wait3A_1228 : memref<1x1x64xf32, #tpu.memory_space<hbm>> -> memref<64xf32, #tpu.memory_space<hbm>>
    %dma_wait3A_1230 = arith.constant 0 : i32
    %dma_wait3A_1231 = tpu.memref_slice %arg6[%dma_wait3A_1223, %dma_wait3A_1230] : memref<512x64xf32, #tpu.memory_space<vmem>> -> memref<1x64xf32, #tpu.memory_space<vmem>>
    %dma_wait3A_1232 = tpu.memref_squeeze %dma_wait3A_1231 : memref<1x64xf32, #tpu.memory_space<vmem>> -> memref<64xf32, #tpu.memory_space<vmem>>
    %dma_wait3A_1233 = arith.constant 0 : i32
    %dma_wait3A_1234 = tpu.memref_slice %arg3[%mul3A_2, %dma_wait3A_1222, %dma_wait3A_1233] : memref<16384x100x64xf32, #tpu.memory_space<hbm>> -> memref<1x1x64xf32, #tpu.memory_space<hbm>>
    %dma_wait3A_1235 = tpu.memref_squeeze %dma_wait3A_1234 : memref<1x1x64xf32, #tpu.memory_space<hbm>> -> memref<64xf32, #tpu.memory_space<hbm>>
    tpu.wait_dma2 semaphore(%arg7 : memref<!tpu.dma_semaphore, #tpu.memory_space<semaphore_mem>>) src(%dma_wait3A_1235 : memref<64xf32, #tpu.memory_space<hbm>>) dst(%dma_wait3A_1232 : memref<64xf32, #tpu.memory_space<vmem>>)
    %dma_wait3A_1236 = arith.constant 0 : i32
    %dma_wait3A_1237 = arith.constant 0 : i32
    %dma_wait3A_1238 = arith.constant 0 : i32
    %dma_wait3A_1239 = tpu.memref_slice %arg6[%dma_wait3A_1237, %dma_wait3A_1238] : memref<512x64xf32, #tpu.memory_space<vmem>> -> memref<1x64xf32, #tpu.memory_space<vmem>>
    %dma_wait3A_1240 = tpu.memref_squeeze %dma_wait3A_1239 : memref<1x64xf32, #tpu.memory_space<vmem>> -> memref<64xf32, #tpu.memory_space<vmem>>
    %dma_wait3A_1241 = arith.constant 0 : i32
    %dma_wait3A_1242 = tpu.memref_slice %arg3[%mul3A_2, %dma_wait3A_1236, %dma_wait3A_1241] : memref<16384x100x64xf32, #tpu.memory_space<hbm>> -> memref<1x1x64xf32, #tpu.memory_space<hbm>>
    %dma_wait3A_1243 = tpu.memref_squeeze %dma_wait3A_1242 : memref<1x1x64xf32, #tpu.memory_space<hbm>> -> memref<64xf32, #tpu.memory_space<hbm>>
    %dma_wait3A_1244 = arith.constant 0 : i32
    %dma_wait3A_1245 = tpu.memref_slice %arg6[%dma_wait3A_1237, %dma_wait3A_1244] : memref<512x64xf32, #tpu.memory_space<vmem>> -> memref<1x64xf32, #tpu.memory_space<vmem>>
    %dma_wait3A_1246 = tpu.memref_squeeze %dma_wait3A_1245 : memref<1x64xf32, #tpu.memory_space<vmem>> -> memref<64xf32, #tpu.memory_space<vmem>>
    %dma_wait3A_1247 = arith.constant 0 : i32
    %dma_wait3A_1248 = tpu.memref_slice %arg3[%mul3A_2, %dma_wait3A_1236, %dma_wait3A_1247] : memref<16384x100x64xf32, #tpu.memory_space<hbm>> -> memref<1x1x64xf32, #tpu.memory_space<hbm>>
    %dma_wait3A_1249 = tpu.memref_squeeze %dma_wait3A_1248 : memref<1x1x64xf32, #tpu.memory_space<hbm>> -> memref<64xf32, #tpu.memory_space<hbm>>
    tpu.wait_dma2 semaphore(%arg7 : memref<!tpu.dma_semaphore, #tpu.memory_space<semaphore_mem>>) src(%dma_wait3A_1249 : memref<64xf32, #tpu.memory_space<hbm>>) dst(%dma_wait3A_1246 : memref<64xf32, #tpu.memory_space<vmem>>)
    %dma_wait3A_1250 = arith.constant 0 : i32
    %dma_wait3A_1251 = arith.constant 0 : i32
    %dma_wait3A_1252 = arith.constant 0 : i32
    %dma_wait3A_1253 = tpu.memref_slice %arg6[%dma_wait3A_1251, %dma_wait3A_1252] : memref<512x64xf32, #tpu.memory_space<vmem>> -> memref<1x64xf32, #tpu.memory_space<vmem>>
    %dma_wait3A_1254 = tpu.memref_squeeze %dma_wait3A_1253 : memref<1x64xf32, #tpu.memory_space<vmem>> -> memref<64xf32, #tpu.memory_space<vmem>>
    %dma_wait3A_1255 = arith.constant 0 : i32
    %dma_wait3A_1256 = tpu.memref_slice %arg3[%mul3A_2, %dma_wait3A_1250, %dma_wait3A_1255] : memref<16384x100x64xf32, #tpu.memory_space<hbm>> -> memref<1x1x64xf32, #tpu.memory_space<hbm>>
    %dma_wait3A_1257 = tpu.memref_squeeze %dma_wait3A_1256 : memref<1x1x64xf32, #tpu.memory_space<hbm>> -> memref<64xf32, #tpu.memory_space<hbm>>
    %dma_wait3A_1258 = arith.constant 0 : i32
    %dma_wait3A_1259 = tpu.memref_slice %arg6[%dma_wait3A_1251, %dma_wait3A_1258] : memref<512x64xf32, #tpu.memory_space<vmem>> -> memref<1x64xf32, #tpu.memory_space<vmem>>
    %dma_wait3A_1260 = tpu.memref_squeeze %dma_wait3A_1259 : memref<1x64xf32, #tpu.memory_space<vmem>> -> memref<64xf32, #tpu.memory_space<vmem>>
    %dma_wait3A_1261 = arith.constant 0 : i32
    %dma_wait3A_1262 = tpu.memref_slice %arg3[%mul3A_2, %dma_wait3A_1250, %dma_wait3A_1261] : memref<16384x100x64xf32, #tpu.memory_space<hbm>> -> memref<1x1x64xf32, #tpu.memory_space<hbm>>
    %dma_wait3A_1263 = tpu.memref_squeeze %dma_wait3A_1262 : memref<1x1x64xf32, #tpu.memory_space<hbm>> -> memref<64xf32, #tpu.memory_space<hbm>>
    tpu.wait_dma2 semaphore(%arg7 : memref<!tpu.dma_semaphore, #tpu.memory_space<semaphore_mem>>) src(%dma_wait3A_1263 : memref<64xf32, #tpu.memory_space<hbm>>) dst(%dma_wait3A_1260 : memref<64xf32, #tpu.memory_space<vmem>>)
    "tpu.region"() ({
      %run_scoped3A = tpu.sem_alloc : memref<!tpu.dma_semaphore, #tpu.memory_space<semaphore_mem>>
      %dma_start3A_1264 = arith.constant 0 : i32
      %dma_start3A_1265 = tpu.memref_slice %arg4[%mul3A_2, %dma_start3A_1264] : memref<16384x64xf32, #tpu.memory_space<hbm>> -> memref<512x64xf32, #tpu.memory_space<hbm>>
      %dma_start3A_1266 = arith.constant 0 : i32
      %dma_start3A_1267 = tpu.memref_slice %arg4[%mul3A_2, %dma_start3A_1266] : memref<16384x64xf32, #tpu.memory_space<hbm>> -> memref<512x64xf32, #tpu.memory_space<hbm>>
      tpu.enqueue_dma source(%arg6 : memref<512x64xf32, #tpu.memory_space<vmem>>) target(%dma_start3A_1267 : memref<512x64xf32, #tpu.memory_space<hbm>>) target_semaphore(%run_scoped3A : memref<!tpu.dma_semaphore, #tpu.memory_space<semaphore_mem>>)
      %dma_wait3A_1268 = arith.constant 0 : i32
      %dma_wait3A_1269 = tpu.memref_slice %arg4[%mul3A_2, %dma_wait3A_1268] : memref<16384x64xf32, #tpu.memory_space<hbm>> -> memref<512x64xf32, #tpu.memory_space<hbm>>
      %dma_wait3A_1270 = arith.constant 0 : i32
      %dma_wait3A_1271 = tpu.memref_slice %arg4[%mul3A_2, %dma_wait3A_1270] : memref<16384x64xf32, #tpu.memory_space<hbm>> -> memref<512x64xf32, #tpu.memory_space<hbm>>
      tpu.wait_dma2 semaphore(%run_scoped3A : memref<!tpu.dma_semaphore, #tpu.memory_space<semaphore_mem>>) src(%arg6 : memref<512x64xf32, #tpu.memory_space<vmem>>) dst(%dma_wait3A_1271 : memref<512x64xf32, #tpu.memory_space<hbm>>)
      tpu.yield
    }) : () -> ()
    return
  }
}

</mosaic_0001>

<sc_bundles>
// kernel: _gather_feats.3.cloned.1.call-start
scs
__scs_entry_jumppad:
0x0: {  	(pc) =	sbr.rel $0x88, $3  }
0x1: {  	(tag) =	ssettag $0x0;
	lr =	simm.s32 $0x1  }
0x2: {  	[smem:$0x3F9F] =	sst lr;
	_ =	strace $0xD0000000  }
0x3: {  	_ = 	snop  }
0x4: {  	_ = 	snop  }
0x5: {  	_ = 	snop  }
0x6: {  	_ = 	snop  }
0x7: {  	_ = 	snop  }
__scs_overlays_trampoline_lowered:
0x8: {  	[smem:$0x3FAE] =	sst s0  }
0x9: {  	[smem:$0x3FAF] =	sst s1  }
0xa: {  	[smem:$0x3FB0] =	sst s2  }
0xb: {  	[smem:$0x3FB1] =	sst s3  }
0xc: {  	[smem:$0x3FB2] =	sst s4  }
0xd: {  	[smem:$0x3FB3] =	sst s5  }
0xe: {  	[smem:$0x3FB4] =	sst s6  }
0xf: {  	[smem:$0x3FB5] =	sst s7  }
0x10: {  	[smem:$0x3FB6] =	sst s8  }
0x11: {  	[smem:$0x3FB7] =	sst s9;
	s0 =	simm.s32 @!p0 $0x0  }
0x12: {  	s1 =	sld [smem:$0x3F9D];
	s0 =	simm.s32 @p0 $0x1  }
0x13: {  	[smem:$0x3FB8] =	sst s0;
	s0 =	simm.s32 @!p1 $0x0  }
0x14: {  	s2 =	sld [smem:$0x3F9C];
	s0 =	simm.s32 @p1 $0x1  }
0x15: {  	[smem:$0x3FB9] =	sst s0;
	s0 =	simm.s32 @!p2 $0x0  }
0x16: {  	s3 =	sld [smem:$0x3FDB];
	s0 =	simm.s32 @p2 $0x1  }
0x17: {  	s4 =	simm.s32 $0x1BF5;
	[smem:$0x3FBB] =	sst s0  }
0x18: {  	s0 =	sld [smem:$0x3F9E];
	_ =	swait.ge [sflag:s4], $0x0  }
0x19: {  	s7 =	sld [smem:$0x3F9F]  }
0x1a: {  	s8 =	sadd.s32 $0xFFFFE003, lr  }
0x1b: {  	s9 =	sadd.s32 $0xFFFFFEF7, lr;
	s5 =	simm.s32 $0xFFFFFFFF;
	p2 =	slt.u32 s8, $0xFFFFF086  }
0x1c: {  	p1 =	slt.u32 s9, $0xF7A;
	s5 =	simm.s32 @!p2 $0x0  }
0x1d: {  	s5 =	simm.s32 @p1 $0x1;
	p0 =	seq.s32 s7, s2  }
0x1e: {  	s7 =	smul.u32 @!p0 $0xF7A, s2;
	p2 =	seq.s32 @!p0 s5, $0x0  }
0x1f: {  	s9 =	smul.u32 $0xF7A, s1;
	s8 =	simm.s32 @!p0 $0x1BF5;
	p2 =	por !p2, p0  }
0x20: {  	[sflag:s8] =	ssyncset.s32 @!p0 $0xFFFFF086;
	s6 =	sadd.s32 @!p0 s3, s7;
	s7 =	simm.s32 @!p0 $0x108  }
0x21: {  	s3 =	sadd.s32 s3, s9;
	s6 =	sadd.s32 @!p0 $0x88, s6;
	s7 =	simm.s32 @p2 $0x1082  }
0x22: {  	[simem:s7], [sflag:s8] =	dma.local @!p0 [hbm:s6], $0xF7A  }
0x23: {  	s9 =	sor.u32 $0xD0000000, s2;
	s6 =	simm.s32 $0x108;
	_ =	swait.ge @!p0 [sflag:s8], $0x0  }
0x24: {  	s3 =	sadd.s32 $0x88, s3;
	s6 =	simm.s32 @!p1 $0x1082;
	[sflag:s4] =	ssyncset.s32 $0xFFFFF086  }
0x25: {  	[simem:s6], [sflag:s4] =	dma.local [hbm:s3], $0xF7A  }
0x26: {  	[smem:$0x3F9F] =	sst s1;
	(tag) =	ssettag s2;
	_ =	strace s9  }
0x27: {  	s1 =	sld [smem:$0x3FAF]  }
0x28: {  	s2 =	sld [smem:$0x3FB0]  }
0x29: {  	s4 =	sld [smem:$0x3FB2]  }
0x2a: {  	p0 =	seq.s32 s5, $0x0;
	s5 =	sld [smem:$0x3FB3]  }
0x2b: {  	s6 =	sld [smem:$0x3FB4]  }
0x2c: {  	s7 =	sld [smem:$0x3FB5]  }
0x2d: {  	s3 =	simm.s32 $0x108;
	s8 =	sld [smem:$0x3FB6]  }
0x2e: {  	s3 =	simm.s32 @!p0 $0x1082;
	s9 =	sld [smem:$0x3FB7]  }
0x2f: {  	lr =	sadd.s32 s0, s3;
	s0 =	sld [smem:$0x3FAE]  }
0x30: {  	s3 =	sld [smem:$0x3FB1]  }
0x31: {  	[smem:$0x3FBA] =	sst s10  }
0x32: {  	s10 =	sld [smem:$0x3FB8];
	_ =	sdelay $0x3  }
0x33: {  	p0 =	seq.s32 s10, $0x1;
	s10 =	sld [smem:$0x3FBA];
	_ =	sdelay $0x3  }
0x34: {  	[smem:$0x3FBA] =	sst s10  }
0x35: {  	s10 =	sld [smem:$0x3FB9];
	_ =	sdelay $0x3  }
0x36: {  	p1 =	seq.s32 s10, $0x1;
	s10 =	sld [smem:$0x3FBA];
	_ =	sdelay $0x3  }
0x37: {  	[smem:$0x3FBA] =	sst s10  }
0x38: {  	s10 =	sld [smem:$0x3FBB]  }
0x39: {  	_ = 	snop;
	(pc) =	sbr.ind lr, $3  }
0x3a: {  	_ = 	snop  }
0x3b: {  	_ = 	snop  }
0x3c: {  	p2 =	seq.s32 s10, $0x1;
	s10 =	sld [smem:$0x3FBA]  }
0x3d: {  	_ =	shalt  }
0x3e: {  	_ =	shalt  }
0x3f: {  	_ =	shalt  }
0x40: {  	_ =	shalt  }
0x41: {  	_ =	shalt  }
0x42: {  	_ =	shalt  }
0x43: {  	_ =	shalt  }
0x44: {  	_ =	shalt  }
0x45: {  	_ =	shalt  }
0x46: {  	_ =	shalt  }
0x47: {  	_ =	shalt  }
0x48: {  	_ =	shalt  }
0x49: {  	_ =	shalt  }
0x4a: {  	_ =	shalt  }
0x4b: {  	_ =	shalt  }
0x4c: {  	_ =	shalt  }
0x4d: {  	_ =	shalt  }
0x4e: {  	_ =	shalt  }
0x4f: {  	_ =	shalt  }
0x50: {  	_ =	shalt  }
0x51: {  	_ =	shalt  }
0x52: {  	_ =	shalt  }
0x53: {  	_ =	shalt  }
0x54: {  	_ =	shalt  }
0x55: {  	_ =	shalt  }
0x56: {  	_ =	shalt  }
0x57: {  	_ =	shalt  }
0x58: {  	_ =	shalt  }
0x59: {  	_ =	shalt  }
0x5a: {  	_ =	shalt  }
0x5b: {  	_ =	shalt  }
0x5c: {  	_ =	shalt  }
0x5d: {  	_ =	shalt  }
0x5e: {  	_ =	shalt  }
0x5f: {  	_ =	shalt  }
0x60: {  	_ =	shalt  }
0x61: {  	_ =	shalt  }
0x62: {  	_ =	shalt  }
0x63: {  	_ =	shalt  }
0x64: {  	_ =	shalt  }
0x65: {  	_ =	shalt  }
0x66: {  	_ =	shalt  }
0x67: {  	_ =	shalt  }
0x68: {  	_ =	shalt  }
0x69: {  	_ =	shalt  }
0x6a: {  	_ =	shalt  }
0x6b: {  	_ =	shalt  }
0x6c: {  	_ =	shalt  }
0x6d: {  	_ =	shalt  }
0x6e: {  	_ =	shalt  }
0x6f: {  	_ =	shalt  }
0x70: {  	_ =	shalt  }
0x71: {  	_ =	shalt  }
0x72: {  	_ =	shalt  }
0x73: {  	_ =	shalt  }
0x74: {  	_ =	shalt  }
0x75: {  	_ =	shalt  }
0x76: {  	_ =	shalt  }
0x77: {  	_ =	shalt  }
0x78: {  	_ =	shalt  }
0x79: {  	_ =	shalt  }
0x7a: {  	_ =	shalt  }
0x7b: {  	_ =	shalt  }
0x7c: {  	_ =	shalt  }
0x7d: {  	_ =	shalt  }
0x7e: {  	_ =	shalt  }
0x7f: {  	_ =	shalt  }
0x80: {  	_ =	shalt  }
0x81: {  	_ =	shalt  }
0x82: {  	_ =	shalt  }
0x83: {  	_ =	shalt  }
0x84: {  	_ =	shalt  }
0x85: {  	_ =	shalt  }
0x86: {  	_ =	shalt  }
0x87: {  	_ =	shalt  }
.Lfunc_end0:
.L_simem_size_0:
called_computation_lowered:
.L_overlay_start_0:
0x88: {  	s2 =	sld [smem:$0x3FD9]  }
0x89: {  	s3 =	sld [smem:$0x3FFE];
	_ =	sdelay $0x1  }
0x8a: {  	s1 =	srdreg.scid  }
0x8b: {  	s0 =	sand.u32 $0x1, s1  }
0x8c: {  	s17 =	sshll.u32 s0, $0xA;
	s2 =	sadd.s32 s3, s2  }
0x8d: {  	s2 =	sadd.s32 s2, s17  }
0x8e: {  	[smem:$0x3FC6] =	sst s2  }
0x8f: {  	_ = 	snop  }
0x90: {  	s2 =	sld [smem:$0x3FC9];
	(tm) =	ssettm $0x1  }
0x91: {  	s18 =	sld [smem:$0x3FFB];
	_ =	sdelay $0x3  }
0x92: {  	_ =	strace s18  }
0x93: {  	s3 =	sld [smem:$0x3FFC];
	_ =	sdelay $0x3  }
0x94: {  	_ =	strace s3  }
0x95: {  	s3 =	sld [smem:$0x3FFD];
	_ =	sdelay $0x3  }
0x96: {  	_ =	strace s3  }
0x97: {  	_ =	strace $0x8FFFFFFF  }
0x98: {  	s19 =	sld [smem:$0x3FDB];
	_ =	sdelay $0x1  }
0x99: {  	s4 =	simm.s32 $_scs_section_size  }
0x9a: {  	s5 =	simm.s32 $_size__tile_overlayer_lowered;
	s6 =	simm.s32 $_tile_overlayer_lowered  }
0x9b: {  	s22 =	simm.s32 $0x1BFF;
	s21 =	sshll.u32 s6, $0x1;
	s3 =	sadd.s32 s4, s19  }
0x9c: {  	s7 =	simm.s32 $0x0;
	s20 =	sshll.u32 s5, $0x1;
	s5 =	sadd.s32 s21, s3  }
0x9d: {  	[timem:s7], [sflag:s22] =	dma.local [hbm:s5], s20  }
0x9e: {  	_ =	swait.ge [sflag:s22], s20  }
0x9f: {  	s4 =	ssub.s32 $0x0, s20;
	[sflag:s22] =	ssyncset.done $0x0  }
0xa0: {  	[sflag:s22] =	ssyncadd.s32 s4;
	_ =	sdelay $0x1  }
0xa1: {  	s23 =	simm.s32 $0x1B8B  }
0xa2: {  	_ =	swait.ge [sflag:s23], $0x1  }
0xa3: {  	[sflag:s23] =	ssyncset.done $0x0  }
0xa4: {  	s25 =	simm.s32 $0x1B8E;
	s24 =	sld [smem:$0x3FFE];
	[sflag:s23] =	ssyncadd.s32 $0xFFFFFFFF  }
0xa5: {  	s26 =	simm.s32 $execute0_lowered;
	[smem:$0x3FD2] =	sst s25  }
0xa6: {  	s5 =	sshll.u32 s26, $0x1;
	_ =	strace $0x80000046;
	[dreg:$0x1] =	wrdreg $0xFFFFFFFF  }
0xa7: {  	s28 =	simm.s32 $_size_execute0_lowered;
	s3 =	sadd.s32 s3, s5;
	[dreg:$0x0] =	wrdreg $0x0  }
0xa8: {  	s5 =	sshll.u32 s28, $0x1;
	[dreg:$0x2] =	wrdreg s3  }
0xa9: {  	[dreg:$0x3] =	wrdreg s5  }
0xaa: {  	[dreg:$0x4] =	wrdreg $0xC0  }
0xab: {  	_ =	task [dreg:s7], $0x5FFFF  }
0xac: {  	[dreg:$0x1] =	wrdreg $0xFFFFFFFF  }
0xad: {  	[dreg:$0x0] =	wrdreg $0x60  }
0xae: {  	[dreg:$0x2] =	wrdreg s2  }
0xaf: {  	[dreg:$0x3] =	wrdreg s24  }
0xb0: {  	[dreg:$0x4] =	wrdreg $0x9  }
0xb1: {  	_ =	task.clear_ibuf [dreg:s7], $0x5FFFF;
	_ =	strace $0x90000046  }
0xb2: {  	s29 =	simm.s32 $0x9;
	_ =	strace $0x80000048  }
0xb3: {  	_ =	swait.ge [sflag:s29], $0x1  }
0xb4: {  	[sflag:s29] =	ssyncadd.s32 $0xFFFFFFFF  }
0xb5: {  	_ =	strace $0x90000048  }
0xb6: {  	_ =	sfence  }
0xb7: {  	s30 =	sld [smem:$0x0];
	_ =	sdelay $0x2  }
0xb8: {  	s31 =	sshll.u32 s1, $0xD;
	s1 =	sshrl.u32 s1, $0x2  }
0xb9: {  	s3 =	sand.u32 $0x4000, s31;
	s1 =	sadd.s32 s1, s30  }
0xba: {  	s0 =	sor.u32 s3, s0;
	s1 =	sshll.u32 s1, $0x11  }
0xbb: {  	s0 =	sor.u32 s1, s0  }
0xbc: {  	s0 =	sadd.s32 $0x8F2B, s0  }
0xbd: {  	[sflag:s0] =	ssyncadd.remote.s32 $0x1  }
0xbe: {  	_ =	sfence.sel $0xFFFF  }
0xbf: {  	[dreg:$0x0] =	wrdreg $0xFFFFFFFF;
	(pc) =	sbr.abs _section_cstart, $3  }
0xc0: {  	[dreg:$0x1] =	wrdreg $0xFFFFFFFF  }
0xc1: {  	_ =	task.clear_ibuf [dreg:s7], $0x2FFFF;
	_ =	strace $0x9FFFFFFF  }
0xc2: {  	(tm) =	ssettm $0x7FFFFFFF  }
0xc3: {  	_ =	shalt  }
tec
execute0_lowered:
.L_overlay_start_1:
0x0: {  	(tag) =	ssettag $0x1  }
0x1: {  	s3 =	srdreg.scid;
	s10 =	stileid.u32  }
0x2: {  	s0 =	rddreg [dreg:$0x0];
	s5 =	sand.u32 $0x1, s3;
	s4 =	sshll.u32 s10, $0x1  }
0x3: {  	s1 =	rddreg [dreg:$0x1];
	s2 =	simm.s32 $0x0;
	s6 =	sor.u32 s5, s4  }
0x4: {  	s8 =	sshll.u32 s6, $0xD;
	s4 =	smul.u32 $0x680000, s6;
	s6 =	sshll.u32 s6, $0x6  }
0x5: {  	[smem:$0x7FF] =	sst s2;
	s0 =	sadd.s32 s0, s6  }
0x6: {  	_ =	strace $0x80000047;
	[dreg:$0x3] =	wrdreg s0;
	s20 =	sor.u32 $0x3400, s4  }
0x7: {  	s21 =	sor.u32 $0x6800, s4;
	[dreg:$0x4] =	wrdreg s20  }
0x8: {  	s22 =	sor.u32 $0x9C00, s4;
	[dreg:$0x5] =	wrdreg s21  }
0x9: {  	s23 =	sor.u32 $0xD000, s4;
	[dreg:$0x6] =	wrdreg s22  }
0xa: {  	s24 =	sor.u32 $0x10400, s4;
	[dreg:$0x7] =	wrdreg s23  }
0xb: {  	s25 =	sor.u32 $0x13800, s4;
	[dreg:$0x8] =	wrdreg s24  }
0xc: {  	s26 =	sor.u32 $0x16C00, s4;
	[dreg:$0x9] =	wrdreg s25  }
0xd: {  	s3 =	sadd.s32 $0x400, s1;
	s28 =	sor.u32 $0x1A000, s4;
	[dreg:$0xa] =	wrdreg s26  }
0xe: {  	s7 =	ssub.s32 $0x2, s5;
	s29 =	sor.u32 $0x1D400, s4;
	[dreg:$0xb] =	wrdreg s28  }
0xf: {  	s9 =	sshrl.u32 s7, $0x1;
	s30 =	sor.u32 $0x20800, s4;
	[dreg:$0xc] =	wrdreg s29  }
0x10: {  	s1 =	sadd.s32 s8, s1;
	s8 =	sor.u32 $0x23C00, s4;
	[dreg:$0xd] =	wrdreg s30  }
0x11: {  	s7 =	ssub.s32 s7, s9;
	s9 =	sor.u32 $0x27000, s4;
	[dreg:$0xe] =	wrdreg s8  }
0x12: {  	s31 =	smul.u32 $0xD00000, s10;
	s10 =	sor.u32 $0x2A400, s4;
	[dreg:$0xf] =	wrdreg s9  }
0x13: {  	s11 =	sor.u32 $0x2D800, s4;
	[dreg:$0x10] =	wrdreg s10  }
0x14: {  	s12 =	sor.u32 $0x30C00, s4;
	[dreg:$0x11] =	wrdreg s11  }
0x15: {  	s13 =	sor.u32 $0x34000, s4;
	[dreg:$0x12] =	wrdreg s12  }
0x16: {  	s14 =	sor.u32 $0x37400, s4;
	[dreg:$0x13] =	wrdreg s13  }
0x17: {  	s15 =	sadd.s32 $0x1A00400, s1;
	[dreg:$0x14] =	wrdreg s14  }
0x18: {  	s16 =	smax.u32 s7, $0x1;
	[dreg:$0x15] =	wrdreg s15  }
0x19: {  	s5 =	smul.u32 $0x680000, s5;
	s17 =	sor.u32 $0x3A800, s4;
	[dreg:$0x16] =	wrdreg s16  }
0x1a: {  	s19 =	sor.u32 $0x3DC00, s4;
	[dreg:$0x17] =	wrdreg s17  }
0x1b: {  	s18 =	sadd.s32 s5, s31;
	s31 =	sor.u32 $0x61800, s4;
	[dreg:$0x18] =	wrdreg s19  }
0x1c: {  	s20 =	sor.u32 $0x41000, s4;
	[smem:$0x7FD] =	sst s31  }
0x1d: {  	s21 =	sor.u32 $0x44400, s4;
	[dreg:$0x19] =	wrdreg s20  }
0x1e: {  	s22 =	sor.u32 $0x47800, s4;
	[dreg:$0x1a] =	wrdreg s21  }
0x1f: {  	s23 =	sor.u32 $0x4AC00, s4;
	[dreg:$0x1b] =	wrdreg s22  }
0x20: {  	s24 =	sor.u32 $0x4E000, s4;
	[dreg:$0x1c] =	wrdreg s23  }
0x21: {  	s25 =	sor.u32 $0x51400, s4;
	[dreg:$0x1d] =	wrdreg s24  }
0x22: {  	s26 =	sor.u32 $0x54800, s4;
	[dreg:$0x1e] =	wrdreg s25  }
0x23: {  	s1 =	simm.s32 $0x200;
	s28 =	sor.u32 $0x57C00, s4;
	[dreg:$0x1f] =	wrdreg s26  }
0x24: {  	s29 =	sor.u32 $0x5B000, s4;
	s30 =	sor.u32 $0x5E400, s4;
	[smem:$0x7FA] =	sst s28  }
0x25: {  	s11 =	sor.u32 $0x64C00, s4;
	s12 =	simm.s32 $0x2;
	[smem:$0x7FB] =	sst s29  }
0x26: {  	vm0 =	vmmov $0x1;
	vm15 =	vmmov $0x7fff;
	s14 =	simm.s32 $0x1;
	s15 =	simm.s32 $0x0;
	[smem:$0x7FC] =	sst s30  }
.LBB2_1:
0x27: {  	s0 =	rddreg [dreg:$0x3]  }
0x28: {  	[tilespmem:s2], [sflag:$0x2] =	stream.linear.gather [hbm4b:s0+s2], $0x200, $0x38;
	[tilespmem:$0x10200] =	vst v63  }
0x29: {  	_ =	swait.ge [sflag:s12], $0x200  }
0x2a: {  	[sflag:s12] =	ssyncset.done $0x0  }
0x2b: {  	[sflag:s12] =	ssyncadd.s32 $0xFFFFFE00  }
0x2c: {  	v0 =	vld [tilespmem:$0x0];
	_ =	sdelay $0x4  }
0x2d: {  	vm1 =	veq.s32 v0, $0x64  }
0x2e: {  	v0 =	vsel vm1, $0x0, v0  }
0x2f: {  	v1 =	vnsel vm0, $0x0, v0  }
0x30: {  	(xrf0) =	vadd.scan.msk.s32 $0xffff, v1;
	_ =	sdelay $0x3  }
0x31: {  	vm2 =	vcmask $0x308  }
0x32: {  	v10 =	vsel vm2, $0x0, v0  }
0x33: {  	(xrf0) =	vadd.scan.msk.s32 $0xffff, v10;
	v1, _, _ =	vpop (xrf0)  }
0x34: {  	(v2sf) =	vpush v1, $0xF;
	_ =	sdelay $0x3  }
0x35: {  	vm3 =	vcmask $0x70C  }
0x36: {  	v11 =	vsel vm3, $0x0, v0;
	v1, _, _ =	vpop (xrf0)  }
0x37: {  	(xrf0) =	vadd.scan.msk.s32 $0xffff, v11;
	(v2sf) =	vpush v1, $0xF;
	_ =	sdelay $0x4  }
0x38: {  	vm3 =	vcmask $0xB10  }
0x39: {  	v12 =	vsel vm3, $0x0, v0;
	v1, _, _ =	vpop (xrf0)  }
0x3a: {  	(xrf0) =	vadd.scan.msk.s32 $0xffff, v12;
	(v2sf) =	vpush v1, $0xF;
	_ =	sdelay $0x1  }
0x3b: {  	s8 =	spop (v2sf)  }
0x3c: {  	s0 =	sshll.u32 s8, $0x7  }
0x3d: {  	s13 =	sand.u32 $0xFFFFFC00, s0  }
0x3e: {  	vm5 =	vcmask $0xF14;
	s0 =	sand.u32 $0x380, s0;
	s13 =	sadd.s32 s4, s13  }
0x3f: {  	v13 =	vsel vm5, $0x0, v0;
	v1, _, _ =	vpop (xrf0);
	s0 =	sor.u32 s0, s13  }
0x40: {  	(xrf0) =	vadd.scan.msk.s32 $0xffff, v13;
	(v2sf) =	vpush v1, $0xF;
	s0 =	sshrl.u32 s0, $0x3  }
0x41: {  	s9 =	spop (v2sf);
	s0 =	sadd.s32 s3, s0  }
0x42: {  	[tilespmem:s1], [sflag:$0x1] =	stream.linear.gather [hbm4b:s0+s2], $0x80, $0x38;
	[tilespmem:$0x10200] =	vst v63  }
0x43: {  	s0 =	sshll.u32 s9, $0x7  }
0x44: {  	s16 =	rddreg [dreg:$0x4];
	s10 =	sand.u32 $0xFFFFFC00, s0  }
0x45: {  	vm6 =	vcmask $0x1318;
	s0 =	sand.u32 $0x380, s0;
	s13 =	sadd.s32 s10, s16  }
0x46: {  	v14 =	vsel vm6, $0x0, v0;
	v1, _, _ =	vpop (xrf0);
	s0 =	sor.u32 s0, s13  }
0x47: {  	(xrf0) =	vadd.scan.msk.s32 $0xffff, v14;
	(v2sf) =	vpush v1, $0xF;
	s0 =	sshrl.u32 s0, $0x3  }
0x48: {  	s17 =	simm.s32 $0x280;
	s19 =	spop (v2sf);
	s0 =	sadd.s32 s3, s0  }
0x49: {  	[tilespmem:s17], [sflag:$0x1] =	stream.linear.gather [hbm4b:s0+s2], $0x80, $0x38;
	[tilespmem:$0x10200] =	vst v63  }
0x4a: {  	s0 =	sshll.u32 s19, $0x7  }
0x4b: {  	s21 =	rddreg [dreg:$0x5];
	s20 =	sand.u32 $0xFFFFFC00, s0  }
0x4c: {  	vm6 =	vcmask $0x171C;
	s0 =	sand.u32 $0x380, s0;
	s13 =	sadd.s32 s20, s21  }
0x4d: {  	v15 =	vsel vm6, $0x0, v0;
	v1, _, _ =	vpop (xrf0);
	s0 =	sor.u32 s0, s13  }
0x4e: {  	(xrf0) =	vadd.scan.msk.s32 $0xffff, v15;
	(v2sf) =	vpush v1, $0xF;
	s0 =	sshrl.u32 s0, $0x3  }
0x4f: {  	s22 =	simm.s32 $0x300;
	s23 =	spop (v2sf);
	s0 =	sadd.s32 s3, s0  }
0x50: {  	[tilespmem:s22], [sflag:$0x1] =	stream.linear.gather [hbm4b:s0+s2], $0x80, $0x38;
	[tilespmem:$0x10200] =	vst v63  }
0x51: {  	s0 =	sshll.u32 s23, $0x7  }
0x52: {  	s25 =	rddreg [dreg:$0x6];
	s24 =	sand.u32 $0xFFFFFC00, s0  }
0x53: {  	vm8 =	vcmask $0x1B20;
	s0 =	sand.u32 $0x380, s0;
	s13 =	sadd.s32 s24, s25  }
0x54: {  	v16 =	vsel vm8, $0x0, v0;
	v1, _, _ =	vpop (xrf0);
	s0 =	sor.u32 s0, s13  }
0x55: {  	(xrf0) =	vadd.scan.msk.s32 $0xffff, v16;
	(v2sf) =	vpush v1, $0xF;
	s0 =	sshrl.u32 s0, $0x3  }
0x56: {  	s26 =	simm.s32 $0x380;
	s28 =	spop (v2sf);
	s0 =	sadd.s32 s3, s0  }
0x57: {  	[tilespmem:s26], [sflag:$0x1] =	stream.linear.gather [hbm4b:s0+s2], $0x80, $0x38;
	[tilespmem:$0x10200] =	vst v63  }
0x58: {  	s0 =	sshll.u32 s28, $0x7  }
0x59: {  	s30 =	rddreg [dreg:$0x7];
	s29 =	sand.u32 $0xFFFFFC00, s0  }
0x5a: {  	vm12 =	vcmask $0x1F24;
	s0 =	sand.u32 $0x380, s0;
	s13 =	sadd.s32 s29, s30  }
0x5b: {  	v17 =	vsel vm12, $0x0, v0;
	v1, _, _ =	vpop (xrf0);
	s0 =	sor.u32 s0, s13  }
0x5c: {  	(xrf0) =	vadd.scan.msk.s32 $0xffff, v17;
	(v2sf) =	vpush v1, $0xF;
	s0 =	sshrl.u32 s0, $0x3  }
0x5d: {  	s31 =	simm.s32 $0x400;
	s5 =	spop (v2sf);
	s0 =	sadd.s32 s3, s0  }
0x5e: {  	[tilespmem:s31], [sflag:$0x1] =	stream.linear.gather [hbm4b:s0+s2], $0x80, $0x38;
	[tilespmem:$0x10200] =	vst v63  }
0x5f: {  	s0 =	sshll.u32 s5, $0x7  }
0x60: {  	s7 =	rddreg [dreg:$0x8];
	s6 =	sand.u32 $0xFFFFFC00, s0  }
0x61: {  	vm10 =	vcmask $0x2328;
	s0 =	sand.u32 $0x380, s0;
	s13 =	sadd.s32 s6, s7  }
0x62: {  	v18 =	vsel vm10, $0x0, v0;
	v1, _, _ =	vpop (xrf0);
	s0 =	sor.u32 s0, s13  }
0x63: {  	(xrf0) =	vadd.scan.msk.s32 $0xffff, v18;
	(v2sf) =	vpush v1, $0xF;
	s0 =	sshrl.u32 s0, $0x3  }
0x64: {  	s8 =	simm.s32 $0x480;
	s9 =	spop (v2sf);
	s0 =	sadd.s32 s3, s0  }
0x65: {  	[tilespmem:s8], [sflag:$0x1] =	stream.linear.gather [hbm4b:s0+s2], $0x80, $0x38;
	[tilespmem:$0x10200] =	vst v63  }
0x66: {  	s0 =	sshll.u32 s9, $0x7  }
0x67: {  	s16 =	rddreg [dreg:$0x9];
	s10 =	sand.u32 $0xFFFFFC00, s0  }
0x68: {  	vm11 =	vcmask $0x272C;
	s0 =	sand.u32 $0x380, s0;
	s13 =	sadd.s32 s10, s16  }
0x69: {  	v19 =	vsel vm11, $0x0, v0;
	v1, _, _ =	vpop (xrf0);
	s0 =	sor.u32 s0, s13  }
0x6a: {  	(xrf0) =	vadd.scan.msk.s32 $0xffff, v19;
	(v2sf) =	vpush v1, $0xF;
	s0 =	sshrl.u32 s0, $0x3  }
0x6b: {  	s17 =	simm.s32 $0x500;
	s19 =	spop (v2sf);
	s0 =	sadd.s32 s3, s0  }
0x6c: {  	[tilespmem:s17], [sflag:$0x1] =	stream.linear.gather [hbm4b:s0+s2], $0x80, $0x38;
	[tilespmem:$0x10200] =	vst v63  }
0x6d: {  	s0 =	sshll.u32 s19, $0x7  }
0x6e: {  	s21 =	rddreg [dreg:$0xa];
	s20 =	sand.u32 $0xFFFFFC00, s0  }
0x6f: {  	vm8 =	vcmask $0x2B30;
	s0 =	sand.u32 $0x380, s0;
	s13 =	sadd.s32 s20, s21  }
0x70: {  	v20 =	vsel vm8, $0x0, v0;
	v1, _, _ =	vpop (xrf0);
	s0 =	sor.u32 s0, s13  }
0x71: {  	(xrf0) =	vadd.scan.msk.s32 $0xffff, v20;
	(v2sf) =	vpush v1, $0xF;
	s0 =	sshrl.u32 s0, $0x3  }
0x72: {  	s22 =	simm.s32 $0x580;
	s23 =	spop (v2sf);
	s0 =	sadd.s32 s3, s0  }
0x73: {  	[tilespmem:s22], [sflag:$0x1] =	stream.linear.gather [hbm4b:s0+s2], $0x80, $0x38;
	[tilespmem:$0x10200] =	vst v63  }
0x74: {  	s0 =	sshll.u32 s23, $0x7  }
0x75: {  	s25 =	rddreg [dreg:$0xb];
	s24 =	sand.u32 $0xFFFFFC00, s0  }
0x76: {  	vm7 =	vcmask $0x2F34;
	s0 =	sand.u32 $0x380, s0;
	s13 =	sadd.s32 s24, s25  }
0x77: {  	v21 =	vsel vm7, $0x0, v0;
	v1, _, _ =	vpop (xrf0);
	s0 =	sor.u32 s0, s13  }
0x78: {  	(xrf0) =	vadd.scan.msk.s32 $0xffff, v21;
	(v2sf) =	vpush v1, $0xF;
	s0 =	sshrl.u32 s0, $0x3  }
0x79: {  	s26 =	simm.s32 $0x600;
	s28 =	spop (v2sf);
	s0 =	sadd.s32 s3, s0  }
0x7a: {  	[tilespmem:s26], [sflag:$0x1] =	stream.linear.gather [hbm4b:s0+s2], $0x80, $0x38;
	[tilespmem:$0x10200] =	vst v63  }
0x7b: {  	s0 =	sshll.u32 s28, $0x7  }
0x7c: {  	s30 =	rddreg [dreg:$0xc];
	s29 =	sand.u32 $0xFFFFFC00, s0  }
0x7d: {  	vm5 =	vcmask $0x3338;
	s0 =	sand.u32 $0x380, s0;
	s13 =	sadd.s32 s29, s30  }
0x7e: {  	v22 =	vsel vm5, $0x0, v0;
	v1, _, _ =	vpop (xrf0);
	s0 =	sor.u32 s0, s13  }
0x7f: {  	(xrf0) =	vadd.scan.msk.s32 $0xffff, v22;
	(v2sf) =	vpush v1, $0xF;
	s0 =	sshrl.u32 s0, $0x3  }
0x80: {  	s31 =	simm.s32 $0x680;
	s5 =	spop (v2sf);
	s0 =	sadd.s32 s3, s0  }
0x81: {  	[tilespmem:s31], [sflag:$0x1] =	stream.linear.gather [hbm4b:s0+s2], $0x80, $0x38;
	[tilespmem:$0x10200] =	vst v63  }
0x82: {  	s0 =	sshll.u32 s5, $0x7  }
0x83: {  	s7 =	rddreg [dreg:$0xd];
	s6 =	sand.u32 $0xFFFFFC00, s0  }
0x84: {  	vm4 =	vcmask $0x373C;
	s0 =	sand.u32 $0x380, s0;
	s13 =	sadd.s32 s6, s7  }
0x85: {  	v23 =	vsel vm4, $0x0, v0;
	v1, _, _ =	vpop (xrf0);
	s0 =	sor.u32 s0, s13  }
0x86: {  	(xrf0) =	vadd.scan.msk.s32 $0xffff, v23;
	(v2sf) =	vpush v1, $0xF;
	s0 =	sshrl.u32 s0, $0x3  }
0x87: {  	s8 =	simm.s32 $0x700;
	s9 =	spop (v2sf);
	s0 =	sadd.s32 s3, s0  }
0x88: {  	[tilespmem:s8], [sflag:$0x1] =	stream.linear.gather [hbm4b:s0+s2], $0x80, $0x38;
	[tilespmem:$0x10200] =	vst v63  }
0x89: {  	s0 =	sshll.u32 s9, $0x7  }
0x8a: {  	s16 =	rddreg [dreg:$0xe];
	s10 =	sand.u32 $0xFFFFFC00, s0  }
0x8b: {  	s0 =	sand.u32 $0x380, s0;
	s13 =	sadd.s32 s10, s16  }
0x8c: {  	v0 =	vsel vm15, $0x0, v0;
	v1, _, _ =	vpop (xrf0);
	s0 =	sor.u32 s0, s13  }
0x8d: {  	(xrf0) =	vadd.scan.msk.s32 $0xffff, v0;
	(v2sf) =	vpush v1, $0xF;
	s0 =	sshrl.u32 s0, $0x3  }
0x8e: {  	s17 =	simm.s32 $0x780;
	s19 =	spop (v2sf);
	s0 =	sadd.s32 s3, s0  }
0x8f: {  	[tilespmem:s17], [sflag:$0x1] =	stream.linear.gather [hbm4b:s0+s2], $0x80, $0x38;
	[tilespmem:$0x10200] =	vst v63  }
0x90: {  	s0 =	sshll.u32 s19, $0x7  }
0x91: {  	s21 =	rddreg [dreg:$0xf];
	s20 =	sand.u32 $0xFFFFFC00, s0  }
0x92: {  	s0 =	sand.u32 $0x380, s0;
	s13 =	sadd.s32 s20, s21  }
0x93: {  	v0, _, _ =	vpop (xrf0);
	s0 =	sor.u32 s0, s13  }
0x94: {  	(v2sf) =	vpush v0, $0xF;
	s0 =	sshrl.u32 s0, $0x3  }
0x95: {  	s22 =	simm.s32 $0x800;
	s23 =	spop (v2sf);
	s0 =	sadd.s32 s3, s0  }
0x96: {  	[tilespmem:s22], [sflag:$0x1] =	stream.linear.gather [hbm4b:s0+s2], $0x80, $0x38;
	[tilespmem:$0x10200] =	vst v63  }
0x97: {  	s0 =	sshll.u32 s23, $0x7  }
0x98: {  	s25 =	rddreg [dreg:$0x10];
	s24 =	sand.u32 $0xFFFFFC00, s0  }
0x99: {  	s0 =	sand.u32 $0x380, s0;
	s13 =	sadd.s32 s24, s25  }
0x9a: {  	s0 =	sor.u32 s0, s13  }
0x9b: {  	s0 =	sshrl.u32 s0, $0x3  }
0x9c: {  	s26 =	simm.s32 $0x880;
	s28 =	spop (v2sf);
	s0 =	sadd.s32 s3, s0  }
0x9d: {  	[tilespmem:s26], [sflag:$0x1] =	stream.linear.gather [hbm4b:s0+s2], $0x80, $0x38;
	[tilespmem:$0x10200] =	vst v63  }
0x9e: {  	s0 =	sshll.u32 s28, $0x7  }
0x9f: {  	s30 =	rddreg [dreg:$0x11];
	s29 =	sand.u32 $0xFFFFFC00, s0  }
0xa0: {  	s0 =	sand.u32 $0x380, s0;
	s13 =	sadd.s32 s29, s30  }
0xa1: {  	s0 =	sor.u32 s0, s13  }
0xa2: {  	s0 =	sshrl.u32 s0, $0x3  }
0xa3: {  	s31 =	simm.s32 $0x900;
	s5 =	spop (v2sf);
	s0 =	sadd.s32 s3, s0  }
0xa4: {  	[tilespmem:s31], [sflag:$0x1] =	stream.linear.gather [hbm4b:s0+s2], $0x80, $0x38;
	[tilespmem:$0x10200] =	vst v63  }
0xa5: {  	s0 =	sshll.u32 s5, $0x7  }
0xa6: {  	s7 =	rddreg [dreg:$0x12];
	s6 =	sand.u32 $0xFFFFFC00, s0  }
0xa7: {  	s0 =	sand.u32 $0x380, s0;
	s13 =	sadd.s32 s6, s7  }
0xa8: {  	s0 =	sor.u32 s0, s13  }
0xa9: {  	s0 =	sshrl.u32 s0, $0x3  }
0xaa: {  	s8 =	simm.s32 $0x980;
	s0 =	sadd.s32 s3, s0  }
0xab: {  	[tilespmem:s8], [sflag:$0x1] =	stream.linear.gather [hbm4b:s0+s2], $0x80, $0x38;
	[tilespmem:$0x10200] =	vst v63  }
0xac: {  	v24 =	vld [tilespmem:$0x10];
	_ =	sdelay $0x4  }
0xad: {  	vm1 =	veq.s32 v24, $0x64  }
0xae: {  	v0 =	vsel vm1, $0x0, v24  }
0xaf: {  	v25 =	vnsel vm0, $0x0, v0  }
0xb0: {  	(xrf0) =	vadd.scan.msk.s32 $0xffff, v25;
	_ =	sdelay $0x3  }
0xb1: {  	vm2 =	vcmask $0x308  }
0xb2: {  	v26 =	vsel vm2, $0x0, v0  }
0xb3: {  	(xrf0) =	vadd.scan.msk.s32 $0xffff, v26;
	v1, _, _ =	vpop (xrf0)  }
0xb4: {  	(v2sf) =	vpush v1, $0xF;
	_ =	sdelay $0x3  }
0xb5: {  	vm1 =	vcmask $0x70C  }
0xb6: {  	v27 =	vsel vm1, $0x0, v0;
	v1, _, _ =	vpop (xrf0)  }
0xb7: {  	(xrf0) =	vadd.scan.msk.s32 $0xffff, v27;
	(v2sf) =	vpush v1, $0xF;
	_ =	sdelay $0x5  }
0xb8: {  	v28 =	vsel vm3, $0x0, v0;
	v1, _, _ =	vpop (xrf0)  }
0xb9: {  	(xrf0) =	vadd.scan.msk.s32 $0xffff, v28;
	(v2sf) =	vpush v1, $0xF;
	_ =	sdelay $0x1  }
0xba: {  	s9 =	spop (v2sf)  }
0xbb: {  	s0 =	sshll.u32 s9, $0x7  }
0xbc: {  	s16 =	rddreg [dreg:$0x13];
	s10 =	sand.u32 $0xFFFFFC00, s0  }
0xbd: {  	vm3 =	vcmask $0xF14;
	s0 =	sand.u32 $0x380, s0;
	s13 =	sadd.s32 s10, s16  }
0xbe: {  	v29 =	vsel vm3, $0x0, v0;
	v1, _, _ =	vpop (xrf0);
	s0 =	sor.u32 s0, s13  }
0xbf: {  	(xrf0) =	vadd.scan.msk.s32 $0xffff, v29;
	(v2sf) =	vpush v1, $0xF;
	s0 =	sshrl.u32 s0, $0x3  }
0xc0: {  	s17 =	simm.s32 $0xA00;
	s19 =	spop (v2sf);
	s0 =	sadd.s32 s3, s0  }
0xc1: {  	[tilespmem:s17], [sflag:$0x1] =	stream.linear.gather [hbm4b:s0+s2], $0x80, $0x38;
	[tilespmem:$0x10200] =	vst v63  }
0xc2: {  	s0 =	sshll.u32 s19, $0x7  }
0xc3: {  	s21 =	rddreg [dreg:$0x14];
	s20 =	sand.u32 $0xFFFFFC00, s0  }
0xc4: {  	vm1 =	vcmask $0x1318;
	s0 =	sand.u32 $0x380, s0;
	s13 =	sadd.s32 s20, s21  }
0xc5: {  	v30 =	vsel vm1, $0x0, v0;
	v1, _, _ =	vpop (xrf0);
	s0 =	sor.u32 s0, s13  }
0xc6: {  	(xrf0) =	vadd.scan.msk.s32 $0xffff, v30;
	(v2sf) =	vpush v1, $0xF;
	s0 =	sshrl.u32 s0, $0x3  }
0xc7: {  	s22 =	simm.s32 $0xA80;
	s23 =	spop (v2sf);
	s0 =	sadd.s32 s3, s0  }
0xc8: {  	[tilespmem:s22], [sflag:$0x1] =	stream.linear.gather [hbm4b:s0+s2], $0x80, $0x38;
	[tilespmem:$0x10200] =	vst v63  }
0xc9: {  	s0 =	sshll.u32 s23, $0x7  }
0xca: {  	s25 =	rddreg [dreg:$0x17];
	s24 =	sand.u32 $0xFFFFFC00, s0  }
0xcb: {  	s0 =	sand.u32 $0x380, s0;
	s13 =	sadd.s32 s24, s25  }
0xcc: {  	v31 =	vsel vm6, $0x0, v0;
	v1, _, _ =	vpop (xrf0);
	s0 =	sor.u32 s0, s13  }
0xcd: {  	(xrf0) =	vadd.scan.msk.s32 $0xffff, v31;
	(v2sf) =	vpush v1, $0xF;
	s0 =	sshrl.u32 s0, $0x3  }
0xce: {  	s26 =	simm.s32 $0xB00;
	s28 =	spop (v2sf);
	s0 =	sadd.s32 s3, s0  }
0xcf: {  	[tilespmem:s26], [sflag:$0x1] =	stream.linear.gather [hbm4b:s0+s2], $0x80, $0x38;
	[tilespmem:$0x10200] =	vst v63  }
0xd0: {  	s0 =	sshll.u32 s28, $0x7  }
0xd1: {  	s30 =	rddreg [dreg:$0x18];
	s29 =	sand.u32 $0xFFFFFC00, s0  }
0xd2: {  	vm6 =	vcmask $0x1B20;
	s0 =	sand.u32 $0x380, s0;
	s13 =	sadd.s32 s29, s30  }
0xd3: {  	v32 =	vsel vm6, $0x0, v0;
	v1, _, _ =	vpop (xrf0);
	s0 =	sor.u32 s0, s13  }
0xd4: {  	(xrf0) =	vadd.scan.msk.s32 $0xffff, v32;
	(v2sf) =	vpush v1, $0xF;
	s0 =	sshrl.u32 s0, $0x3  }
0xd5: {  	s31 =	simm.s32 $0xB80;
	s5 =	spop (v2sf);
	s0 =	sadd.s32 s3, s0  }
0xd6: {  	[tilespmem:s31], [sflag:$0x1] =	stream.linear.gather [hbm4b:s0+s2], $0x80, $0x38;
	[tilespmem:$0x10200] =	vst v63  }
0xd7: {  	s0 =	sshll.u32 s5, $0x7  }
0xd8: {  	s7 =	rddreg [dreg:$0x19];
	s6 =	sand.u32 $0xFFFFFC00, s0  }
0xd9: {  	s0 =	sand.u32 $0x380, s0;
	s13 =	sadd.s32 s6, s7  }
0xda: {  	v33 =	vsel vm12, $0x0, v0;
	v1, _, _ =	vpop (xrf0);
	s0 =	sor.u32 s0, s13  }
0xdb: {  	(xrf0) =	vadd.scan.msk.s32 $0xffff, v33;
	(v2sf) =	vpush v1, $0xF;
	s0 =	sshrl.u32 s0, $0x3  }
0xdc: {  	s8 =	simm.s32 $0xC00;
	s9 =	spop (v2sf);
	s0 =	sadd.s32 s3, s0  }
0xdd: {  	[tilespmem:s8], [sflag:$0x1] =	stream.linear.gather [hbm4b:s0+s2], $0x80, $0x38;
	[tilespmem:$0x10200] =	vst v63  }
0xde: {  	s0 =	sshll.u32 s9, $0x7  }
0xdf: {  	s16 =	rddreg [dreg:$0x1a];
	s10 =	sand.u32 $0xFFFFFC00, s0  }
0xe0: {  	s0 =	sand.u32 $0x380, s0;
	s13 =	sadd.s32 s10, s16  }
0xe1: {  	v34 =	vsel vm10, $0x0, v0;
	v1, _, _ =	vpop (xrf0);
	s0 =	sor.u32 s0, s13  }
0xe2: {  	(xrf0) =	vadd.scan.msk.s32 $0xffff, v34;
	(v2sf) =	vpush v1, $0xF;
	s0 =	sshrl.u32 s0, $0x3  }
0xe3: {  	s17 =	simm.s32 $0xC80;
	s19 =	spop (v2sf);
	s0 =	sadd.s32 s3, s0  }
0xe4: {  	[tilespmem:s17], [sflag:$0x1] =	stream.linear.gather [hbm4b:s0+s2], $0x80, $0x38;
	[tilespmem:$0x10200] =	vst v63  }
0xe5: {  	s0 =	sshll.u32 s19, $0x7  }
0xe6: {  	s21 =	rddreg [dreg:$0x1b];
	s20 =	sand.u32 $0xFFFFFC00, s0  }
0xe7: {  	s0 =	sand.u32 $0x380, s0;
	s13 =	sadd.s32 s20, s21  }
0xe8: {  	v35 =	vsel vm11, $0x0, v0;
	v1, _, _ =	vpop (xrf0);
	s0 =	sor.u32 s0, s13  }
0xe9: {  	(xrf0) =	vadd.scan.msk.s32 $0xffff, v35;
	(v2sf) =	vpush v1, $0xF;
	s0 =	sshrl.u32 s0, $0x3  }
0xea: {  	s22 =	simm.s32 $0xD00;
	s23 =	spop (v2sf);
	s0 =	sadd.s32 s3, s0  }
0xeb: {  	[tilespmem:s22], [sflag:$0x1] =	stream.linear.gather [hbm4b:s0+s2], $0x80, $0x38;
	[tilespmem:$0x10200] =	vst v63  }
0xec: {  	s0 =	sshll.u32 s23, $0x7  }
0xed: {  	s25 =	rddreg [dreg:$0x1c];
	s24 =	sand.u32 $0xFFFFFC00, s0  }
0xee: {  	s0 =	sand.u32 $0x380, s0;
	s13 =	sadd.s32 s24, s25  }
0xef: {  	v36 =	vsel vm8, $0x0, v0;
	v1, _, _ =	vpop (xrf0);
	s0 =	sor.u32 s0, s13  }
0xf0: {  	(xrf0) =	vadd.scan.msk.s32 $0xffff, v36;
	(v2sf) =	vpush v1, $0xF;
	s0 =	sshrl.u32 s0, $0x3  }
0xf1: {  	s26 =	simm.s32 $0xD80;
	s28 =	spop (v2sf);
	s0 =	sadd.s32 s3, s0  }
0xf2: {  	[tilespmem:s26], [sflag:$0x1] =	stream.linear.gather [hbm4b:s0+s2], $0x80, $0x38;
	[tilespmem:$0x10200] =	vst v63  }
0xf3: {  	s0 =	sshll.u32 s28, $0x7  }
0xf4: {  	s30 =	rddreg [dreg:$0x1d];
	s29 =	sand.u32 $0xFFFFFC00, s0  }
0xf5: {  	s0 =	sand.u32 $0x380, s0;
	s13 =	sadd.s32 s29, s30  }
0xf6: {  	v37 =	vsel vm7, $0x0, v0;
	v1, _, _ =	vpop (xrf0);
	s0 =	sor.u32 s0, s13  }
0xf7: {  	(xrf0) =	vadd.scan.msk.s32 $0xffff, v37;
	(v2sf) =	vpush v1, $0xF;
	s0 =	sshrl.u32 s0, $0x3  }
0xf8: {  	s1 =	spop (v2sf);
	s31 =	simm.s32 $0xE00;
	s0 =	sadd.s32 s3, s0  }
0xf9: {  	[tilespmem:s31], [sflag:$0x1] =	stream.linear.gather [hbm4b:s0+s2], $0x80, $0x38;
	[tilespmem:$0x10200] =	vst v63  }
0xfa: {  	s0 =	sshll.u32 s1, $0x7  }
0xfb: {  	s6 =	rddreg [dreg:$0x1e];
	s5 =	sand.u32 $0xFFFFFC00, s0  }
0xfc: {  	s0 =	sand.u32 $0x380, s0;
	s13 =	sadd.s32 s5, s6  }
0xfd: {  	v38 =	vsel vm5, $0x0, v0;
	v1, _, _ =	vpop (xrf0);
	s0 =	sor.u32 s0, s13  }
0xfe: {  	(xrf0) =	vadd.scan.msk.s32 $0xffff, v38;
	(v2sf) =	vpush v1, $0xF;
	s0 =	sshrl.u32 s0, $0x3  }
0xff: {  	s7 =	simm.s32 $0xE80;
	s8 =	spop (v2sf);
	s0 =	sadd.s32 s3, s0  }
0x100: {  	[tilespmem:s7], [sflag:$0x1] =	stream.linear.gather [hbm4b:s0+s2], $0x80, $0x38;
	[tilespmem:$0x10200] =	vst v63  }
0x101: {  	s0 =	sshll.u32 s8, $0x7  }
0x102: {  	s10 =	rddreg [dreg:$0x1f];
	s9 =	sand.u32 $0xFFFFFC00, s0  }
0x103: {  	s0 =	sand.u32 $0x380, s0;
	s13 =	sadd.s32 s9, s10  }
0x104: {  	v39 =	vsel vm4, $0x0, v0;
	v1, _, _ =	vpop (xrf0);
	s0 =	sor.u32 s0, s13  }
0x105: {  	(xrf0) =	vadd.scan.msk.s32 $0xffff, v39;
	(v2sf) =	vpush v1, $0xF;
	s16 =	simm.s32 $0xF00;
	s0 =	sshrl.u32 s0, $0x3  }
0x106: {  	s17 =	spop (v2sf);
	s20 =	sld [smem:$0x7FA];
	s0 =	sadd.s32 s3, s0  }
0x107: {  	[tilespmem:s16], [sflag:$0x1] =	stream.linear.gather [hbm4b:s0+s2], $0x80, $0x38;
	[tilespmem:$0x10200] =	vst v63  }
0x108: {  	s0 =	sshll.u32 s17, $0x7  }
0x109: {  	s19 =	sand.u32 $0xFFFFFC00, s0  }
0x10a: {  	s0 =	sand.u32 $0x380, s0;
	s13 =	sadd.s32 s19, s20  }
0x10b: {  	v0 =	vsel vm15, $0x0, v0;
	v1, _, _ =	vpop (xrf0);
	s0 =	sor.u32 s0, s13  }
0x10c: {  	(xrf0) =	vadd.scan.msk.s32 $0xffff, v0;
	(v2sf) =	vpush v1, $0xF;
	s21 =	simm.s32 $0xF80;
	s0 =	sshrl.u32 s0, $0x3  }
0x10d: {  	s22 =	spop (v2sf);
	s24 =	sld [smem:$0x7FB];
	s0 =	sadd.s32 s3, s0  }
0x10e: {  	[tilespmem:s21], [sflag:$0x1] =	stream.linear.gather [hbm4b:s0+s2], $0x80, $0x38;
	[tilespmem:$0x10200] =	vst v63  }
0x10f: {  	s0 =	sshll.u32 s22, $0x7  }
0x110: {  	s23 =	sand.u32 $0xFFFFFC00, s0  }
0x111: {  	s0 =	sand.u32 $0x380, s0;
	s13 =	sadd.s32 s23, s24  }
0x112: {  	v0, _, _ =	vpop (xrf0);
	s0 =	sor.u32 s0, s13  }
0x113: {  	(v2sf) =	vpush v0, $0xF;
	s25 =	simm.s32 $0x1000;
	s0 =	sshrl.u32 s0, $0x3  }
0x114: {  	s26 =	spop (v2sf);
	s29 =	sld [smem:$0x7FC];
	s0 =	sadd.s32 s3, s0  }
0x115: {  	[tilespmem:s25], [sflag:$0x1] =	stream.linear.gather [hbm4b:s0+s2], $0x80, $0x38;
	[tilespmem:$0x10200] =	vst v63  }
0x116: {  	s0 =	sshll.u32 s26, $0x7  }
0x117: {  	s28 =	sand.u32 $0xFFFFFC00, s0  }
0x118: {  	s0 =	sand.u32 $0x380, s0;
	s13 =	sadd.s32 s28, s29  }
0x119: {  	s0 =	sor.u32 s0, s13  }
0x11a: {  	s30 =	simm.s32 $0x1080;
	s0 =	sshrl.u32 s0, $0x3  }
0x11b: {  	s31 =	spop (v2sf);
	s5 =	sld [smem:$0x7FD];
	s0 =	sadd.s32 s3, s0  }
0x11c: {  	[tilespmem:s30], [sflag:$0x1] =	stream.linear.gather [hbm4b:s0+s2], $0x80, $0x38;
	[tilespmem:$0x10200] =	vst v63  }
0x11d: {  	s0 =	sshll.u32 s31, $0x7  }
0x11e: {  	s1 =	sand.u32 $0xFFFFFC00, s0  }
0x11f: {  	s0 =	sand.u32 $0x380, s0;
	s13 =	sadd.s32 s1, s5  }
0x120: {  	s0 =	sor.u32 s0, s13  }
0x121: {  	s0 =	sshrl.u32 s0, $0x3  }
0x122: {  	s6 =	simm.s32 $0x1100;
	s7 =	spop (v2sf);
	s0 =	sadd.s32 s3, s0  }
0x123: {  	[tilespmem:s6], [sflag:$0x1] =	stream.linear.gather [hbm4b:s0+s2], $0x80, $0x38;
	[tilespmem:$0x10200] =	vst v63  }
0x124: {  	s0 =	sshll.u32 s7, $0x7  }
0x125: {  	s8 =	sand.u32 $0xFFFFFC00, s0  }
0x126: {  	s0 =	sand.u32 $0x380, s0;
	s13 =	sadd.s32 s8, s11  }
0x127: {  	s0 =	sor.u32 s0, s13  }
0x128: {  	s0 =	sshrl.u32 s0, $0x3  }
0x129: {  	s9 =	simm.s32 $0x1180;
	s16 =	simm.s32 $0x20;
	s0 =	sadd.s32 s3, s0  }
0x12a: {  	[tilespmem:s9], [sflag:$0x1] =	stream.linear.gather [hbm4b:s0+s2], $0x80, $0x38;
	[tilespmem:$0x10200] =	vst v63  }
0x12b: {  	v40 =	vld [tilespmem:s16+$0x0];
	_ =	sdelay $0x4  }
0x12c: {  	vm1 =	veq.s32 v40, $0x64  }
0x12d: {  	v0 =	vsel vm1, $0x0, v40  }
0x12e: {  	v41 =	vsel vm3, $0x0, v0  }
0x12f: {  	v2 =	vsel vm2, $0x0, v0;
	(xrf0) =	vadd.scan.msk.s32 $0xffff, v41  }
0x130: {  	v42 =	vsel vm6, $0x0, v0;
	(xrf0) =	vadd.scan.msk.s32 $0xffff, v2  }
0x131: {  	v43 =	vsel vm12, $0x0, v0;
	(xrf0) =	vadd.scan.msk.s32 $0xffff, v42  }
0x132: {  	v44 =	vnsel vm0, $0x0, v0;
	(xrf0) =	vadd.scan.msk.s32 $0xffff, v43  }
0x133: {  	v45 =	vsel vm11, $0x0, v0;
	(xrf0) =	vadd.scan.msk.s32 $0xffff, v44  }
0x134: {  	v46 =	vsel vm8, $0x0, v0;
	(xrf0) =	vadd.scan.msk.s32 $0xffff, v45  }
0x135: {  	v47 =	vsel vm7, $0x0, v0;
	v3, _, _ =	vpop (xrf0);
	(xrf0) =	vadd.scan.msk.s32 $0xffff, v46  }
0x136: {  	vm14 =	vmmov vm7;
	v48 =	vsel vm5, $0x0, v0;
	v4, _, _ =	vpop (xrf0);
	(xrf0) =	vadd.scan.msk.s32 $0xffff, v47  }
0x137: {  	vm1 =	vcmask $0x1318;
	v49 =	vsel vm4, $0x0, v0;
	(v2sf) =	vpush v3, $0xF;
	v50, _, _ =	vpop (xrf0);
	(xrf0) =	vadd.scan.msk.s32 $0xffff, v48  }
0x138: {  	v51 =	vsel vm15, $0x0, v0;
	vm7 =	vmmov vm1;
	(v2sf) =	vpush v4, $0xF;
	v52, _, _ =	vpop (xrf0);
	(xrf0) =	vadd.scan.msk.s32 $0xffff, v49  }
0x139: {  	v53 =	vsel vm1, $0x0, v0;
	vm1 =	vcmask $0x70C;
	(v2sf) =	vpush v50, $0xF;
	v54, _, _ =	vpop (xrf0);
	(xrf0) =	vadd.scan.msk.s32 $0xffff, v51  }
0x13a: {  	v55 =	vsel vm1, $0x0, v0;
	(v2sf) =	vpush v52, $0xF;
	(xrf0) =	vadd.scan.msk.s32 $0xffff, v53;
	v56, _, _ =	vpop (xrf0)  }
0x13b: {  	(v2sf) =	vpush v54, $0xF;
	(xrf0) =	vadd.scan.msk.s32 $0xffff, v55;
	v57, _, _ =	vpop (xrf0)  }
0x13c: {  	v58, _, _ =	vpop (xrf0)  }
0x13d: {  	v59, _, _ =	vpop (xrf0)  }
0x13e: {  	vm9 =	vmmov vm6;
	vm6 =	vmmov vm4;
	v5, _, _ =	vpop (xrf0)  }
0x13f: {  	vm4 =	vmmov vm1;
	vm1 =	vcmask $0xB10;
	(v2sf) =	vpush v58, $0xF;
	v60, _, _ =	vpop (xrf0)  }
0x140: {  	v7 =	vsel vm1, $0x0, v0;
	(v2sf) =	vpush v56, $0xF;
	v6, _, _ =	vpop (xrf0)  }
0x141: {  	(xrf0) =	vadd.scan.msk.s32 $0xffff, v7;
	v61, _, _ =	vpop (xrf0)  }
0x142: {  	(v2sf) =	vpush v61, $0xF;
	_ =	sdelay $0x3  }
0x143: {  	s20 =	spop (v2sf)  }
0x144: {  	v62, _, _ =	vpop (xrf0);
	s21 =	spop (v2sf);
	(v2sf) =	vpush v6, $0xF  }
0x145: {  	s19 =	spop (v2sf);
	(v2sf) =	vpush v62, $0xF  }
0x146: {  	s10 =	spop (v2sf)  }
0x147: {  	s22 =	spop (v2sf)  }
0x148: {  	s21 =	sshll.u32 s21, $0x7;
	s13 =	sshll.u32 s22, $0x7  }
0x149: {  	vm3 =	vmmov vm2;
	s21 =	sadd.s32 s21, s18;
	s13 =	sadd.s32 s13, s18  }
0x14a: {  	vm2 =	vmmov vm5;
	vm5 =	vmmov vm1;
	vm1 =	vcmask $0x171C;
	s21 =	sadd.s32 $0x6B400, s21;
	s17 =	sadd.s32 $0x68000, s13  }
0x14b: {  	v63 =	vsel vm1, $0x0, v0;
	s22 =	simm.s32 $0x1200;
	s13 =	spop (v2sf);
	s17 =	sshrl.u32 s17, $0x3  }
0x14c: {  	(xrf0) =	vadd.scan.msk.s32 $0xffff, v63;
	s21 =	sshrl.u32 s21, $0x3;
	s23 =	sadd.s32 s3, s17;
	s17 =	spop (v2sf)  }
0x14d: {  	[tilespmem:s22], [sflag:$0x1] =	stream.linear.gather [hbm4b:s23+s2], $0x80, $0x38;
	[tilespmem:$0x10200] =	vst v63  }
0x14e: {  	s24 =	simm.s32 $0x1280;
	s21 =	sadd.s32 s3, s21;
	s23 =	spop (v2sf)  }
0x14f: {  	[tilespmem:s24], [sflag:$0x1] =	stream.linear.gather [hbm4b:s21+s2], $0x80, $0x38;
	[tilespmem:$0x10200] =	vst v63  }
0x150: {  	s22 =	sshll.u32 s23, $0x7  }
0x151: {  	s22 =	sadd.s32 s22, s18  }
0x152: {  	s22 =	sadd.s32 $0x6E800, s22  }
0x153: {  	vm13 =	vmmov vm8;
	v2, _, _ =	vpop (xrf0);
	s22 =	sshrl.u32 s22, $0x3;
	s26 =	spop (v2sf)  }
0x154: {  	s25 =	simm.s32 $0x1300;
	vm8 =	vmmov vm1;
	vm1 =	vcmask $0x2328;
	(v2sf) =	vpush v2, $0xF;
	s22 =	sadd.s32 s3, s22;
	s28 =	spop (v2sf)  }
0x155: {  	v0 =	vsel vm1, $0x0, v0;
	[tilespmem:s25], [sflag:$0x1] =	stream.linear.gather [hbm4b:s22+s2], $0x80, $0x38;
	[tilespmem:$0x10200] =	vst v63  }
0x156: {  	(xrf0) =	vadd.scan.msk.s32 $0xffff, v0;
	s21 =	sshll.u32 s28, $0x7  }
0x157: {  	s20 =	sshll.u32 s20, $0x7;
	s21 =	sadd.s32 s21, s18  }
0x158: {  	s20 =	sadd.s32 s20, s18;
	s21 =	sadd.s32 $0x71C00, s21  }
0x159: {  	s20 =	sadd.s32 $0x75000, s20;
	s21 =	sshrl.u32 s21, $0x3  }
0x15a: {  	s29 =	simm.s32 $0x1380;
	s20 =	sshrl.u32 s20, $0x3;
	s21 =	sadd.s32 s3, s21  }
0x15b: {  	[tilespmem:s29], [sflag:$0x1] =	stream.linear.gather [hbm4b:s21+s2], $0x80, $0x38;
	[tilespmem:$0x10200] =	vst v63  }
0x15c: {  	s30 =	simm.s32 $0x1400;
	s20 =	sadd.s32 s3, s20;
	v0, _, _ =	vpop (xrf0);
	s31 =	sshll.u32 s26, $0x7  }
0x15d: {  	(v2sf) =	vpush v0, $0xF;
	[tilespmem:s30], [sflag:$0x1] =	stream.linear.gather [hbm4b:s20+s2], $0x80, $0x38;
	[tilespmem:$0x10200] =	vst v63  }
0x15e: {  	s20 =	sadd.s32 s31, s18  }
0x15f: {  	s20 =	sadd.s32 $0x78400, s20  }
0x160: {  	s20 =	sshrl.u32 s20, $0x3  }
0x161: {  	s1 =	simm.s32 $0x1480;
	s20 =	sadd.s32 s3, s20  }
0x162: {  	[tilespmem:s1], [sflag:$0x1] =	stream.linear.gather [hbm4b:s20+s2], $0x80, $0x38;
	[tilespmem:$0x10200] =	vst v63  }
0x163: {  	s5 =	spop (v2sf)  }
0x164: {  	s20 =	sshll.u32 s5, $0x7  }
0x165: {  	s6 =	simm.s32 $0x1500;
	s19 =	sshll.u32 s19, $0x7;
	s20 =	sadd.s32 s20, s18  }
0x166: {  	s19 =	sadd.s32 s19, s18;
	s0 =	sshll.u32 s10, $0x7;
	s20 =	sadd.s32 $0x7B800, s20  }
0x167: {  	s19 =	sadd.s32 $0x7EC00, s19;
	s0 =	sadd.s32 s0, s18;
	s20 =	sshrl.u32 s20, $0x3  }
0x168: {  	s19 =	sshrl.u32 s19, $0x3;
	s0 =	sadd.s32 $0x82000, s0;
	(v2sf) =	vpush v57, $0xF;
	s20 =	sadd.s32 s3, s20  }
0x169: {  	[tilespmem:s6], [sflag:$0x1] =	stream.linear.gather [hbm4b:s20+s2], $0x80, $0x38;
	[tilespmem:$0x10200] =	vst v63  }
0x16a: {  	s7 =	simm.s32 $0x1580;
	s19 =	sadd.s32 s3, s19;
	s0 =	sshrl.u32 s0, $0x3  }
0x16b: {  	[tilespmem:s7], [sflag:$0x1] =	stream.linear.gather [hbm4b:s19+s2], $0x80, $0x38;
	[tilespmem:$0x10200] =	vst v63  }
0x16c: {  	s8 =	simm.s32 $0x1600;
	s0 =	sadd.s32 s3, s0;
	s9 =	spop (v2sf)  }
0x16d: {  	[tilespmem:s8], [sflag:$0x1] =	stream.linear.gather [hbm4b:s0+s2], $0x80, $0x38;
	[tilespmem:$0x10200] =	vst v63  }
0x16e: {  	(v2sf) =	vpush v5, $0xF;
	s0 =	sshll.u32 s9, $0x7  }
0x16f: {  	s0 =	sadd.s32 s0, s18  }
0x170: {  	(v2sf) =	vpush v59, $0xF;
	s0 =	sadd.s32 $0x85400, s0  }
0x171: {  	s0 =	sshrl.u32 s0, $0x3  }
0x172: {  	s10 =	simm.s32 $0x1680;
	s20 =	sshll.u32 s17, $0x7;
	s0 =	sadd.s32 s3, s0  }
0x173: {  	[tilespmem:s10], [sflag:$0x1] =	stream.linear.gather [hbm4b:s0+s2], $0x80, $0x38;
	[tilespmem:$0x10200] =	vst v63  }
0x174: {  	s0 =	sadd.s32 s20, s18  }
0x175: {  	s0 =	sadd.s32 $0x88800, s0  }
0x176: {  	s0 =	sshrl.u32 s0, $0x3  }
0x177: {  	s21 =	simm.s32 $0x1700;
	s22 =	spop (v2sf);
	s0 =	sadd.s32 s3, s0  }
0x178: {  	(v2sf) =	vpush v60, $0xF;
	[tilespmem:s21], [sflag:$0x1] =	stream.linear.gather [hbm4b:s0+s2], $0x80, $0x38;
	[tilespmem:$0x10200] =	vst v63  }
0x179: {  	s13 =	sshll.u32 s13, $0x7;
	s0 =	sshll.u32 s22, $0x7  }
0x17a: {  	s13 =	sadd.s32 s13, s18;
	s0 =	sadd.s32 s0, s18  }
0x17b: {  	s13 =	sadd.s32 $0x8F000, s13;
	s0 =	sadd.s32 $0x8BC00, s0  }
0x17c: {  	s13 =	sshrl.u32 s13, $0x3;
	s0 =	sshrl.u32 s0, $0x3  }
0x17d: {  	s23 =	simm.s32 $0x1780;
	s24 =	spop (v2sf);
	s0 =	sadd.s32 s3, s0  }
0x17e: {  	[tilespmem:s23], [sflag:$0x1] =	stream.linear.gather [hbm4b:s0+s2], $0x80, $0x38;
	[tilespmem:$0x10200] =	vst v63  }
0x17f: {  	s13 =	sadd.s32 s3, s13;
	s25 =	simm.s32 $0x1800;
	s26 =	spop (v2sf)  }
0x180: {  	[tilespmem:s25], [sflag:$0x1] =	stream.linear.gather [hbm4b:s13+s2], $0x80, $0x38;
	[tilespmem:$0x10200] =	vst v63  }
0x181: {  	s13 =	sshll.u32 s26, $0x7  }
0x182: {  	s0 =	sshll.u32 s24, $0x7;
	s13 =	sadd.s32 s13, s18  }
0x183: {  	s0 =	sadd.s32 s0, s18;
	s13 =	sadd.s32 $0x92400, s13  }
0x184: {  	s0 =	sadd.s32 $0x95800, s0;
	s13 =	sshrl.u32 s13, $0x3  }
0x185: {  	s28 =	simm.s32 $0x1880;
	s0 =	sshrl.u32 s0, $0x3;
	s13 =	sadd.s32 s3, s13  }
0x186: {  	[tilespmem:s28], [sflag:$0x1] =	stream.linear.gather [hbm4b:s13+s2], $0x80, $0x38;
	[tilespmem:$0x10200] =	vst v63  }
0x187: {  	s29 =	simm.s32 $0x1900;
	s0 =	sadd.s32 s3, s0;
	s30 =	spop (v2sf)  }
0x188: {  	[tilespmem:s29], [sflag:$0x1] =	stream.linear.gather [hbm4b:s0+s2], $0x80, $0x38;
	[tilespmem:$0x10200] =	vst v63  }
0x189: {  	s0 =	sshll.u32 s30, $0x7  }
0x18a: {  	s0 =	sadd.s32 s0, s18  }
0x18b: {  	s0 =	sadd.s32 $0x98C00, s0  }
0x18c: {  	s0 =	sshrl.u32 s0, $0x3  }
0x18d: {  	s31 =	simm.s32 $0x1980;
	s0 =	sadd.s32 s3, s0  }
0x18e: {  	[tilespmem:s31], [sflag:$0x1] =	stream.linear.gather [hbm4b:s0+s2], $0x80, $0x38;
	[tilespmem:$0x10200] =	vst v63  }
0x18f: {  	_ =	swait.ge [sflag:s14], $0x80  }
0x190: {  	[sflag:s14] =	ssyncset.done $0x0  }
0x191: {  	[sflag:s14] =	ssyncadd.s32 $0xFFFFFF80  }
0x192: {  	_ =	swait.ge [sflag:s14], $0x80  }
0x193: {  	[sflag:s14] =	ssyncset.done $0x0  }
0x194: {  	[sflag:s14] =	ssyncadd.s32 $0xFFFFFF80  }
0x195: {  	_ =	swait.ge [sflag:s14], $0x80  }
0x196: {  	[sflag:s14] =	ssyncset.done $0x0  }
0x197: {  	[sflag:s14] =	ssyncadd.s32 $0xFFFFFF80  }
0x198: {  	_ =	swait.ge [sflag:s14], $0x80  }
0x199: {  	[sflag:s14] =	ssyncset.done $0x0  }
0x19a: {  	[sflag:s14] =	ssyncadd.s32 $0xFFFFFF80  }
0x19b: {  	_ =	swait.ge [sflag:s14], $0x80  }
0x19c: {  	[sflag:s14] =	ssyncset.done $0x0  }
0x19d: {  	[sflag:s14] =	ssyncadd.s32 $0xFFFFFF80  }
0x19e: {  	_ =	swait.ge [sflag:s14], $0x80  }
0x19f: {  	[sflag:s14] =	ssyncset.done $0x0  }
0x1a0: {  	[sflag:s14] =	ssyncadd.s32 $0xFFFFFF80  }
0x1a1: {  	_ =	swait.ge [sflag:s14], $0x80  }
0x1a2: {  	[sflag:s14] =	ssyncset.done $0x0  }
0x1a3: {  	[sflag:s14] =	ssyncadd.s32 $0xFFFFFF80  }
0x1a4: {  	_ =	swait.ge [sflag:s14], $0x80  }
0x1a5: {  	[sflag:s14] =	ssyncset.done $0x0  }
0x1a6: {  	[sflag:s14] =	ssyncadd.s32 $0xFFFFFF80  }
0x1a7: {  	_ =	swait.ge [sflag:s14], $0x80  }
0x1a8: {  	[sflag:s14] =	ssyncset.done $0x0  }
0x1a9: {  	vm10 =	vmmov vm12;
	vm12 =	vmmov vm11;
	vm11 =	vmmov vm1;
	s17 =	simm.s32 $0x2000;
	s22 =	smov.u32 s18;
	[sflag:s14] =	ssyncadd.s32 $0xFFFFFF80  }
.LBB2_2:
0x1aa: {  	_ =	swait.ge [sflag:s14], $0x80  }
0x1ab: {  	s22 =	sadd.s32 $0x34000, s22;
	s16 =	sadd.s32 $0x10, s16;
	s13 =	smov.u32 s17  }
0x1ac: {  	p0 =	sne.s32 s17, $0x3A000;
	s17 =	sadd.s32 $0x2000, s17;
	[sflag:s14] =	ssyncset.done $0x0  }
0x1ad: {  	[sflag:s14] =	ssyncadd.s32 $0xFFFFFF80  }
0x1ae: {  	_ =	swait.ge [sflag:s14], $0x80  }
0x1af: {  	[sflag:s14] =	ssyncset.done $0x0  }
0x1b0: {  	[sflag:s14] =	ssyncadd.s32 $0xFFFFFF80  }
0x1b1: {  	_ =	swait.ge [sflag:s14], $0x80  }
0x1b2: {  	[sflag:s14] =	ssyncset.done $0x0  }
0x1b3: {  	[sflag:s14] =	ssyncadd.s32 $0xFFFFFF80  }
0x1b4: {  	_ =	swait.ge [sflag:s14], $0x80  }
0x1b5: {  	[sflag:s14] =	ssyncset.done $0x0  }
0x1b6: {  	[sflag:s14] =	ssyncadd.s32 $0xFFFFFF80  }
0x1b7: {  	_ =	swait.ge [sflag:s14], $0x80  }
0x1b8: {  	[sflag:s14] =	ssyncset.done $0x0  }
0x1b9: {  	[sflag:s14] =	ssyncadd.s32 $0xFFFFFF80  }
0x1ba: {  	_ =	swait.ge [sflag:s14], $0x80  }
0x1bb: {  	[sflag:s14] =	ssyncset.done $0x0  }
0x1bc: {  	[sflag:s14] =	ssyncadd.s32 $0xFFFFFF80  }
0x1bd: {  	_ =	swait.ge [sflag:s14], $0x80  }
0x1be: {  	[sflag:s14] =	ssyncset.done $0x0  }
0x1bf: {  	[sflag:s14] =	ssyncadd.s32 $0xFFFFFF80  }
0x1c0: {  	v0 =	vld [tilespmem:s16+$0x0];
	_ =	sdelay $0x4  }
0x1c1: {  	vm1 =	veq.s32 v0, $0x64  }
0x1c2: {  	v0 =	vsel vm1, $0x0, v0;
	vm1 =	vcmask $0xF14  }
0x1c3: {  	v1 =	vsel vm1, $0x0, v0;
	v2 =	vsel vm7, $0x0, v0;
	v3 =	vsel vm15, $0x0, v0  }
0x1c4: {  	v4 =	vsel vm3, $0x0, v0;
	v5 =	vsel vm8, $0x0, v0;
	v6 =	vsel vm9, $0x0, v0;
	(xrf0) =	vadd.scan.msk.s32 $0xffff, v1  }
0x1c5: {  	v7 =	vsel vm5, $0x0, v0;
	v8 =	vsel vm11, $0x0, v0;
	v1 =	vnsel vm0, $0x0, v0;
	(xrf0) =	vadd.scan.msk.s32 $0xffff, v4  }
0x1c6: {  	v4 =	vsel vm10, $0x0, v0;
	(xrf0) =	vadd.scan.msk.s32 $0xffff, v6  }
0x1c7: {  	(xrf0) =	vadd.scan.msk.s32 $0xffff, v4  }
0x1c8: {  	v4 =	vsel vm12, $0x0, v0;
	(xrf0) =	vadd.scan.msk.s32 $0xffff, v1  }
0x1c9: {  	v1 =	vsel vm13, $0x0, v0;
	(xrf0) =	vadd.scan.msk.s32 $0xffff, v4  }
0x1ca: {  	v4 =	vsel vm14, $0x0, v0;
	v6, _, _ =	vpop (xrf0);
	(xrf0) =	vadd.scan.msk.s32 $0xffff, v1  }
0x1cb: {  	v10 =	vsel vm2, $0x0, v0;
	v9, _, _ =	vpop (xrf0);
	(v2sf) =	vpush v6, $0xF;
	(xrf0) =	vadd.scan.msk.s32 $0xffff, v4  }
0x1cc: {  	v11 =	vsel vm6, $0x0, v0;
	(v2sf) =	vpush v9, $0xF;
	v6, _, _ =	vpop (xrf0);
	(xrf0) =	vadd.scan.msk.s32 $0xffff, v10  }
0x1cd: {  	(v2sf) =	vpush v6, $0xF;
	v1, _, _ =	vpop (xrf0);
	(xrf0) =	vadd.scan.msk.s32 $0xffff, v11  }
0x1ce: {  	v4, _, _ =	vpop (xrf0);
	(v2sf) =	vpush v1, $0xF;
	(xrf0) =	vadd.scan.msk.s32 $0xffff, v3  }
0x1cf: {  	v3 =	vsel vm4, $0x0, v0;
	(v2sf) =	vpush v4, $0xF;
	(xrf0) =	vadd.scan.msk.s32 $0xffff, v2;
	v1, _, _ =	vpop (xrf0)  }
0x1d0: {  	(xrf0) =	vadd.scan.msk.s32 $0xffff, v3;
	v0, _, _ =	vpop (xrf0)  }
0x1d1: {  	(xrf0) =	vadd.scan.msk.s32 $0xffff, v7;
	v2, _, _ =	vpop (xrf0)  }
0x1d2: {  	(xrf0) =	vadd.scan.msk.s32 $0xffff, v5;
	(v2sf) =	vpush v2, $0xF;
	v2, _, _ =	vpop (xrf0)  }
0x1d3: {  	v3, _, _ =	vpop (xrf0)  }
0x1d4: {  	v4, _, _ =	vpop (xrf0)  }
0x1d5: {  	v5, _, _ =	vpop (xrf0);
	(v2sf) =	vpush v1, $0xF  }
0x1d6: {  	s19 =	sshra.s32 s13, $0x2;
	v1, _, _ =	vpop (xrf0)  }
0x1d7: {  	s13 =	sadd.s32 $0x1500, s19;
	(v2sf) =	vpush v1, $0xF;
	v1, _, _ =	vpop (xrf0)  }
0x1d8: {  	s26 =	sadd.s32 $0x1400, s19;
	s25 =	sadd.s32 $0x1480, s19;
	(v2sf) =	vpush v5, $0xF;
	v5, _, _ =	vpop (xrf0);
	(xrf0) =	vadd.scan.msk.s32 $0xffff, v8  }
0x1d9: {  	s29 =	sadd.s32 $0x1300, s19;
	s21 =	sadd.s32 $0x1700, s19;
	s20 =	sadd.s32 $0x1880, s19;
	(v2sf) =	vpush v1, $0xF  }
0x1da: {  	s28 =	sadd.s32 $0x1380, s19;
	s23 =	sadd.s32 $0x1600, s19;
	s0 =	spop (v2sf)  }
0x1db: {  	s24 =	sadd.s32 $0x1580, s19;
	s0 =	sshll.u32 s0, $0x7;
	s30 =	spop (v2sf)  }
0x1dc: {  	s30 =	sshll.u32 s30, $0x7;
	s0 =	sadd.s32 s0, s22;
	s31 =	spop (v2sf)  }
0x1dd: {  	s1 =	sadd.s32 $0x1200, s19;
	s30 =	sadd.s32 s30, s22;
	s5 =	spop (v2sf)  }
0x1de: {  	s0 =	sadd.s32 $0x75000, s0;
	s30 =	sadd.s32 $0x6B400, s30;
	s6 =	spop (v2sf);
	(v2sf) =	vpush v5, $0xF;
	v1, _, _ =	vpop (xrf0)  }
0x1df: {  	s8 =	sshrl.u32 s0, $0x3;
	s6 =	sshll.u32 s6, $0x7;
	s7 =	sshrl.u32 s30, $0x3;
	(v2sf) =	vpush v1, $0xF  }
0x1e0: {  	s5 =	sshll.u32 s5, $0x7;
	s0 =	sadd.s32 s6, s22;
	s6 =	sshll.u32 s31, $0x7  }
0x1e1: {  	s0 =	sadd.s32 $0x68000, s0;
	s6 =	sadd.s32 s6, s22;
	s30 =	spop (v2sf)  }
0x1e2: {  	s5 =	sadd.s32 s5, s22;
	s6 =	sadd.s32 $0x7EC00, s6;
	s31 =	sshll.u32 s30, $0x7  }
0x1e3: {  	s5 =	sadd.s32 $0x82000, s5;
	s30 =	sshrl.u32 s0, $0x3;
	s0 =	sshrl.u32 s6, $0x3;
	(v2sf) =	vpush v0, $0xF  }
0x1e4: {  	s9 =	sadd.s32 $0x1280, s19;
	s6 =	sadd.s32 s3, s30;
	s10 =	spop (v2sf)  }
0x1e5: {  	[tilespmem:s1], [sflag:$0x1] =	stream.linear.gather [hbm4b:s6+s2], $0x80, $0x38;
	(v2sf) =	vpush v3, $0xF;
	[tilespmem:$0x10200] =	vst v63  }
0x1e6: {  	s30 =	sshrl.u32 s5, $0x3;
	s1 =	sadd.s32 s31, s22;
	s5 =	spop (v2sf)  }
0x1e7: {  	s1 =	sadd.s32 $0x8F000, s1;
	s5 =	sshll.u32 s5, $0x7;
	s6 =	spop (v2sf);
	(v2sf) =	vpush v2, $0xF  }
0x1e8: {  	s5 =	sadd.s32 s5, s22;
	s6 =	sshll.u32 s6, $0x7;
	s31 =	spop (v2sf)  }
0x1e9: {  	s5 =	sadd.s32 $0x6E800, s5;
	s31 =	sshll.u32 s31, $0x7;
	s6 =	sadd.s32 s6, s22  }
0x1ea: {  	s5 =	sshrl.u32 s5, $0x3;
	s31 =	sadd.s32 s31, s22;
	s6 =	sadd.s32 $0x78400, s6  }
0x1eb: {  	s7 =	sadd.s32 s3, s7;
	s5 =	sadd.s32 s3, s5;
	s31 =	sadd.s32 $0x71C00, s31  }
0x1ec: {  	[tilespmem:s9], [sflag:$0x1] =	stream.linear.gather [hbm4b:s7+s2], $0x80, $0x38;
	[tilespmem:$0x10200] =	vst v63  }
0x1ed: {  	s7 =	sshrl.u32 s31, $0x3;
	s31 =	sshrl.u32 s1, $0x3;
	s1 =	spop (v2sf)  }
0x1ee: {  	s8 =	sadd.s32 s3, s8;
	s1 =	sshll.u32 s1, $0x7;
	s9 =	spop (v2sf)  }
0x1ef: {  	s7 =	sadd.s32 s3, s7;
	s1 =	sadd.s32 s1, s22;
	s9 =	sshll.u32 s9, $0x7  }
0x1f0: {  	[tilespmem:s29], [sflag:$0x1] =	stream.linear.gather [hbm4b:s5+s2], $0x80, $0x38;
	[tilespmem:$0x10200] =	vst v63  }
0x1f1: {  	s1 =	sadd.s32 $0x7B800, s1;
	s5 =	sadd.s32 s9, s22;
	s9 =	sshll.u32 s10, $0x7;
	(v2sf) =	vpush v4, $0xF  }
0x1f2: {  	s1 =	sshrl.u32 s1, $0x3;
	s5 =	sadd.s32 $0x85400, s5;
	s10 =	spop (v2sf)  }
0x1f3: {  	[tilespmem:s28], [sflag:$0x1] =	stream.linear.gather [hbm4b:s7+s2], $0x80, $0x38;
	[tilespmem:$0x10200] =	vst v63  }
0x1f4: {  	s6 =	sshrl.u32 s6, $0x3;
	s5 =	sshrl.u32 s5, $0x3;
	s7 =	spop (v2sf)  }
0x1f5: {  	[tilespmem:s26], [sflag:$0x1] =	stream.linear.gather [hbm4b:s8+s2], $0x80, $0x38;
	[tilespmem:$0x10200] =	vst v63  }
0x1f6: {  	s6 =	sadd.s32 s3, s6;
	s8 =	sshll.u32 s10, $0x7;
	s10 =	spop (v2sf)  }
0x1f7: {  	[tilespmem:s25], [sflag:$0x1] =	stream.linear.gather [hbm4b:s6+s2], $0x80, $0x38;
	[tilespmem:$0x10200] =	vst v63  }
0x1f8: {  	s7 =	sshll.u32 s7, $0x7;
	s6 =	sadd.s32 s8, s22;
	s8 =	sshll.u32 s10, $0x7  }
0x1f9: {  	s0 =	sadd.s32 s3, s0;
	s9 =	sadd.s32 s9, s22;
	s1 =	sadd.s32 s3, s1  }
0x1fa: {  	[tilespmem:s13], [sflag:$0x1] =	stream.linear.gather [hbm4b:s1+s2], $0x80, $0x38;
	[tilespmem:$0x10200] =	vst v63  }
0x1fb: {  	s7 =	sadd.s32 s7, s22;
	s6 =	sadd.s32 $0x8BC00, s6;
	s1 =	sadd.s32 $0x88800, s9  }
0x1fc: {  	s7 =	sadd.s32 $0x95800, s7;
	s6 =	sshrl.u32 s6, $0x3;
	s1 =	sshrl.u32 s1, $0x3  }
0x1fd: {  	[tilespmem:s24], [sflag:$0x1] =	stream.linear.gather [hbm4b:s0+s2], $0x80, $0x38;
	[tilespmem:$0x10200] =	vst v63  }
0x1fe: {  	s5 =	sadd.s32 s3, s5;
	s7 =	sshrl.u32 s7, $0x3;
	s0 =	sadd.s32 s3, s30  }
0x1ff: {  	[tilespmem:s23], [sflag:$0x1] =	stream.linear.gather [hbm4b:s0+s2], $0x80, $0x38;
	[tilespmem:$0x10200] =	vst v63  }
0x200: {  	s8 =	sadd.s32 s8, s22;
	s0 =	sadd.s32 $0x1680, s19;
	s9 =	spop (v2sf)  }
0x201: {  	[tilespmem:s0], [sflag:$0x1] =	stream.linear.gather [hbm4b:s5+s2], $0x80, $0x38;
	[tilespmem:$0x10200] =	vst v63  }
0x202: {  	s0 =	sadd.s32 s3, s1;
	s1 =	sadd.s32 s3, s6;
	s5 =	sadd.s32 $0x92400, s8  }
0x203: {  	[tilespmem:s21], [sflag:$0x1] =	stream.linear.gather [hbm4b:s0+s2], $0x80, $0x38;
	[tilespmem:$0x10200] =	vst v63  }
0x204: {  	s6 =	sshll.u32 s9, $0x7;
	s5 =	sshrl.u32 s5, $0x3;
	s0 =	sadd.s32 $0x1780, s19  }
0x205: {  	[tilespmem:s0], [sflag:$0x1] =	stream.linear.gather [hbm4b:s1+s2], $0x80, $0x38;
	[tilespmem:$0x10200] =	vst v63  }
0x206: {  	s6 =	sadd.s32 s6, s22;
	s0 =	sadd.s32 $0x1800, s19;
	s1 =	sadd.s32 s3, s31  }
0x207: {  	[tilespmem:s0], [sflag:$0x1] =	stream.linear.gather [hbm4b:s1+s2], $0x80, $0x38;
	[tilespmem:$0x10200] =	vst v63  }
0x208: {  	s0 =	sadd.s32 s3, s5;
	s1 =	sadd.s32 s3, s7;
	s5 =	sadd.s32 $0x98C00, s6  }
0x209: {  	[tilespmem:s20], [sflag:$0x1] =	stream.linear.gather [hbm4b:s0+s2], $0x80, $0x38;
	[tilespmem:$0x10200] =	vst v63  }
0x20a: {  	s5 =	sshrl.u32 s5, $0x3;
	s0 =	sadd.s32 $0x1900, s19  }
0x20b: {  	[tilespmem:s0], [sflag:$0x1] =	stream.linear.gather [hbm4b:s1+s2], $0x80, $0x38;
	[tilespmem:$0x10200] =	vst v63  }
0x20c: {  	s0 =	sadd.s32 $0x1980, s19;
	s1 =	sadd.s32 s3, s5  }
0x20d: {  	[tilespmem:s0], [sflag:$0x1] =	stream.linear.gather [hbm4b:s1+s2], $0x80, $0x38;
	[tilespmem:$0x10200] =	vst v63  }
0x20e: {  	_ =	swait.ge [sflag:s14], $0x80  }
0x20f: {  	[sflag:s14] =	ssyncset.done $0x0  }
0x210: {  	[sflag:s14] =	ssyncadd.s32 $0xFFFFFF80  }
0x211: {  	_ =	swait.ge [sflag:s14], $0x80  }
0x212: {  	[sflag:s14] =	ssyncset.done $0x0  }
0x213: {  	[sflag:s14] =	ssyncadd.s32 $0xFFFFFF80  }
0x214: {  	_ =	swait.ge [sflag:s14], $0x80  }
0x215: {  	[sflag:s14] =	ssyncset.done $0x0  }
0x216: {  	[sflag:s14] =	ssyncadd.s32 $0xFFFFFF80  }
0x217: {  	_ =	swait.ge [sflag:s14], $0x80  }
0x218: {  	[sflag:s14] =	ssyncset.done $0x0  }
0x219: {  	[sflag:s14] =	ssyncadd.s32 $0xFFFFFF80  }
0x21a: {  	_ =	swait.ge [sflag:s14], $0x80  }
0x21b: {  	[sflag:s14] =	ssyncset.done $0x0  }
0x21c: {  	[sflag:s14] =	ssyncadd.s32 $0xFFFFFF80  }
0x21d: {  	_ =	swait.ge [sflag:s14], $0x80  }
0x21e: {  	[sflag:s14] =	ssyncset.done $0x0  }
0x21f: {  	[sflag:s14] =	ssyncadd.s32 $0xFFFFFF80  }
0x220: {  	_ =	swait.ge [sflag:s14], $0x80  }
0x221: {  	[sflag:s14] =	ssyncset.done $0x0  }
0x222: {  	[sflag:s14] =	ssyncadd.s32 $0xFFFFFF80  }
0x223: {  	_ =	swait.ge [sflag:s14], $0x80  }
.Ltmp0:
0x224: {  	[sflag:s14] =	ssyncset.done $0x0;
	(pc) =	sbr.rel @p0 .LBB2_2-.Ltmp0, $4  }
0x225: {  	[sflag:s14] =	ssyncadd.s32 $0xFFFFFF80  }
0x226: {  	_ =	swait.ge [sflag:s14], $0x80  }
0x227: {  	[sflag:s14] =	ssyncset.done $0x0  }
0x228: {  	[sflag:s14] =	ssyncadd.s32 $0xFFFFFF80  }
0x229: {  	_ =	swait.ge [sflag:s14], $0x80  }
0x22a: {  	[sflag:s14] =	ssyncset.done $0x0  }
0x22b: {  	[sflag:s14] =	ssyncadd.s32 $0xFFFFFF80  }
0x22c: {  	_ =	swait.ge [sflag:s14], $0x80  }
0x22d: {  	[sflag:s14] =	ssyncset.done $0x0  }
0x22e: {  	[sflag:s14] =	ssyncadd.s32 $0xFFFFFF80  }
0x22f: {  	_ =	swait.ge [sflag:s14], $0x80  }
0x230: {  	[sflag:s14] =	ssyncset.done $0x0  }
0x231: {  	[sflag:s14] =	ssyncadd.s32 $0xFFFFFF80  }
0x232: {  	_ =	swait.ge [sflag:s14], $0x80  }
0x233: {  	[sflag:s14] =	ssyncset.done $0x0  }
0x234: {  	[sflag:s14] =	ssyncadd.s32 $0xFFFFFF80  }
0x235: {  	_ =	swait.ge [sflag:s14], $0x80  }
0x236: {  	[sflag:s14] =	ssyncset.done $0x0  }
0x237: {  	[sflag:s14] =	ssyncadd.s32 $0xFFFFFF80  }
0x238: {  	_ =	swait.ge [sflag:s14], $0x80  }
0x239: {  	[sflag:s14] =	ssyncset.done $0x0  }
0x23a: {  	[sflag:s14] =	ssyncadd.s32 $0xFFFFFF80  }
0x23b: {  	_ =	swait.ge [sflag:s14], $0x80  }
0x23c: {  	[sflag:s14] =	ssyncset.done $0x0  }
0x23d: {  	[sflag:s14] =	ssyncadd.s32 $0xFFFFFF80  }
0x23e: {  	_ =	swait.ge [sflag:s14], $0x80  }
0x23f: {  	[sflag:s14] =	ssyncset.done $0x0  }
0x240: {  	[sflag:s14] =	ssyncadd.s32 $0xFFFFFF80  }
0x241: {  	_ =	swait.ge [sflag:s14], $0x80  }
0x242: {  	[sflag:s14] =	ssyncset.done $0x0  }
0x243: {  	[sflag:s14] =	ssyncadd.s32 $0xFFFFFF80  }
0x244: {  	_ =	swait.ge [sflag:s14], $0x80  }
0x245: {  	[sflag:s14] =	ssyncset.done $0x0  }
0x246: {  	[sflag:s14] =	ssyncadd.s32 $0xFFFFFF80  }
0x247: {  	_ =	swait.ge [sflag:s14], $0x80  }
0x248: {  	[sflag:s14] =	ssyncset.done $0x0  }
0x249: {  	[sflag:s14] =	ssyncadd.s32 $0xFFFFFF80  }
0x24a: {  	_ =	swait.ge [sflag:s14], $0x80  }
0x24b: {  	[sflag:s14] =	ssyncset.done $0x0  }
0x24c: {  	[sflag:s14] =	ssyncadd.s32 $0xFFFFFF80  }
0x24d: {  	_ =	swait.ge [sflag:s14], $0x80  }
0x24e: {  	[sflag:s14] =	ssyncset.done $0x0  }
0x24f: {  	[sflag:s14] =	ssyncadd.s32 $0xFFFFFF80  }
0x250: {  	_ =	swait.ge [sflag:s14], $0x80  }
0x251: {  	[sflag:s14] =	ssyncset.done $0x0  }
0x252: {  	[sflag:s14] =	ssyncadd.s32 $0xFFFFFF80  }
0x253: {  	_ =	swait.ge [sflag:s14], $0x80  }
0x254: {  	[sflag:s14] =	ssyncset.done $0x0  }
0x255: {  	[sflag:s14] =	ssyncadd.s32 $0xFFFFFF80  }
0x256: {  	_ =	swait.ge [sflag:s14], $0x80  }
0x257: {  	[sflag:s14] =	ssyncset.done $0x0  }
0x258: {  	[sflag:s14] =	ssyncadd.s32 $0xFFFFFF80  }
0x259: {  	_ =	swait.ge [sflag:s14], $0x80  }
0x25a: {  	[sflag:s14] =	ssyncset.done $0x0  }
0x25b: {  	[sflag:s14] =	ssyncadd.s32 $0xFFFFFF80  }
0x25c: {  	_ =	swait.ge [sflag:s14], $0x80  }
0x25d: {  	[sflag:s14] =	ssyncset.done $0x0  }
0x25e: {  	[sflag:s14] =	ssyncadd.s32 $0xFFFFFF80  }
0x25f: {  	_ =	swait.ge [sflag:s14], $0x80  }
0x260: {  	[sflag:s14] =	ssyncset.done $0x0  }
0x261: {  	[sflag:s14] =	ssyncadd.s32 $0xFFFFFF80  }
0x262: {  	_ =	swait.ge [sflag:s14], $0x80  }
0x263: {  	[sflag:s14] =	ssyncset.done $0x0  }
0x264: {  	[sflag:s14] =	ssyncadd.s32 $0xFFFFFF80  }
0x265: {  	_ =	swait.ge [sflag:s14], $0x80  }
0x266: {  	[sflag:s14] =	ssyncset.done $0x0  }
0x267: {  	[sflag:s14] =	ssyncadd.s32 $0xFFFFFF80  }
0x268: {  	_ =	swait.ge [sflag:s14], $0x80  }
0x269: {  	[sflag:s14] =	ssyncset.done $0x0  }
0x26a: {  	[sflag:s14] =	ssyncadd.s32 $0xFFFFFF80  }
0x26b: {  	_ =	swait.ge [sflag:s14], $0x80  }
0x26c: {  	[sflag:s14] =	ssyncset.done $0x0  }
0x26d: {  	[sflag:s14] =	ssyncadd.s32 $0xFFFFFF80  }
0x26e: {  	_ =	swait.ge [sflag:s14], $0x80  }
0x26f: {  	[sflag:s14] =	ssyncset.done $0x0  }
0x270: {  	[sflag:s14] =	ssyncadd.s32 $0xFFFFFF80  }
0x271: {  	_ =	swait.ge [sflag:s14], $0x80  }
0x272: {  	[sflag:s14] =	ssyncset.done $0x0  }
0x273: {  	[sflag:s14] =	ssyncadd.s32 $0xFFFFFF80  }
0x274: {  	_ =	swait.ge [sflag:s14], $0x80  }
0x275: {  	[sflag:s14] =	ssyncset.done $0x0  }
0x276: {  	[sflag:s14] =	ssyncadd.s32 $0xFFFFFF80  }
0x277: {  	_ =	swait.ge [sflag:s14], $0x80  }
0x278: {  	[sflag:s14] =	ssyncset.done $0x0  }
0x279: {  	[sflag:s14] =	ssyncadd.s32 $0xFFFFFF80  }
0x27a: {  	_ =	swait.ge [sflag:s14], $0x80  }
0x27b: {  	[sflag:s14] =	ssyncset.done $0x0  }
0x27c: {  	[sflag:s14] =	ssyncadd.s32 $0xFFFFFF80  }
0x27d: {  	_ =	swait.ge [sflag:s14], $0x80  }
0x27e: {  	[sflag:s14] =	ssyncset.done $0x0  }
0x27f: {  	[sflag:s14] =	ssyncadd.s32 $0xFFFFFF80  }
0x280: {  	_ =	swait.ge [sflag:s14], $0x80  }
0x281: {  	[sflag:s14] =	ssyncset.done $0x0  }
0x282: {  	[sflag:s14] =	ssyncadd.s32 $0xFFFFFF80  }
0x283: {  	_ =	swait.ge [sflag:s14], $0x80  }
0x284: {  	[sflag:s14] =	ssyncset.done $0x0  }
0x285: {  	[sflag:s14] =	ssyncadd.s32 $0xFFFFFF80  }
0x286: {  	_ =	swait.ge [sflag:s14], $0x80  }
0x287: {  	[sflag:s14] =	ssyncset.done $0x0  }
0x288: {  	[sflag:s14] =	ssyncadd.s32 $0xFFFFFF80  }
0x289: {  	_ =	swait.ge [sflag:s14], $0x80  }
0x28a: {  	[sflag:s14] =	ssyncset.done $0x0  }
0x28b: {  	[sflag:s14] =	ssyncadd.s32 $0xFFFFFF80  }
0x28c: {  	_ =	swait.ge [sflag:s14], $0x80  }
0x28d: {  	[sflag:s14] =	ssyncset.done $0x0  }
0x28e: {  	[sflag:s14] =	ssyncadd.s32 $0xFFFFFF80  }
0x28f: {  	_ =	swait.ge [sflag:s14], $0x80  }
0x290: {  	[sflag:s14] =	ssyncset.done $0x0  }
0x291: {  	[sflag:s14] =	ssyncadd.s32 $0xFFFFFF80  }
0x292: {  	_ =	swait.ge [sflag:s14], $0x80  }
0x293: {  	[sflag:s14] =	ssyncset.done $0x0  }
0x294: {  	[sflag:s14] =	ssyncadd.s32 $0xFFFFFF80  }
0x295: {  	_ =	swait.ge [sflag:s14], $0x80  }
0x296: {  	[sflag:s14] =	ssyncset.done $0x0  }
0x297: {  	[sflag:s14] =	ssyncadd.s32 $0xFFFFFF80  }
0x298: {  	_ =	swait.ge [sflag:s14], $0x80  }
0x299: {  	[sflag:s14] =	ssyncset.done $0x0  }
0x29a: {  	[sflag:s14] =	ssyncadd.s32 $0xFFFFFF80  }
0x29b: {  	_ =	swait.ge [sflag:s14], $0x80  }
0x29c: {  	[sflag:s14] =	ssyncset.done $0x0  }
0x29d: {  	s1 =	simm.s32 $0x200;
	s0 =	rddreg [dreg:$0x15];
	[sflag:s14] =	ssyncadd.s32 $0xFFFFFF80  }
0x29e: {  	[hbm4b:s0+s2] =	stream.linear.scatter [tilespmem:s1], [sflag:$0x2], $0x10000, $0x38;
	[tilespmem:$0x10200] =	vst v63  }
0x29f: {  	_ =	swait.ge [sflag:s12], $0x10000  }
0x2a0: {  	s15 =	sadd.s32 $0x1, s15;
	s31 =	rddreg [dreg:$0x16]  }
0x2a1: {  	p0 =	sne.s32 s15, s31  }
.Ltmp1:
0x2a2: {  	_ = 	snop;
	(pc) =	sbr.rel @p0 .LBB2_1-.Ltmp1, $3  }
0x2a3: {  	_ =	sdelay $0x1  }
0x2a4: {  	[sflag:s12] =	ssyncset.done $0x0  }
0x2a5: {  	[sflag:s12] =	ssyncadd.s32 $0xFFFF0000  }
0x2a6: {  	_ =	sfence.sel $0x180000  }
0x2a7: {  	[bflag:$0x0] =	sbarrier.arrive $0xFFFF  }
0x2a8: {  	_ =	strace $0x90000047  }
0x2a9: {  	s0 =	stileid.u32;
	[bflag:$0x2] =	sbarrier.arrive $0xFFFF  }
0x2aa: {  	p0 =	sne.s32 s0, $0x0;
	s0 =	rddreg [dreg:$0x2]  }
0x2ab: {  	s0 =	sadd.s32 @!p0 $0x100000, s0  }
0x2ac: {  	[sflag:s0] =	ssyncadd.tile.s32 @!p0 $0x1;
	_ =	shalt  }
.Lfunc_end2:
_tile_overlayer_lowered:
.L_overlay_start_2:
0x2ad: {  	(tag) =	ssettag $0x2  }
0x2ae: {  	s0 =	rddreg [dreg:$0x0];
	s2 =	stileid.u32  }
0x2af: {  	s1 =	rddreg [dreg:$0x1];
	p0 =	sne.s32 s2, $0x0  }
0x2b0: {  	s3 =	rddreg [dreg:$0x2];
	[bflag:$0x3] =	sbarrier.arrive $0xFFFF;
	s2 =	simm.s32 @!p0 $0x1C02  }
0x2b1: {  	[timem:s3], [sflag:s2] =	dma.local @!p0 [hbm:s0], s1  }
0x2b2: {  	s0 =	simm.s32 @!p0 $0x2  }
0x2b3: {  	_ =	swait.ge @!p0 [sflag:s0], s1  }
0x2b4: {  	s1 =	ssub.s32 @!p0 $0x0, s1;
	[sflag:s0] =	ssyncset.done @!p0 $0x0  }
0x2b5: {  	[sflag:s0] =	ssyncadd.s32 @!p0 s1  }
0x2b6: {  	[bflag:$0x3] =	sbarrier.arrive $0xFFFF  }
0x2b7: {  	_ =	shalt  }

</sc_bundles>
